<compile_context>
chip_gen: v7x
topology: tpu7x:2x2x1
jax: 0.10.2.dev20260603
libtpu: 0.0.44.dev20260713+nightly
codegen_flags: <defaults>
</compile_context>

<pallas_src>
import jax
import jax.numpy as jnp
from jax import lax
from jax.experimental import pallas as pl
from jax.experimental.pallas import tpu as pltpu
from jax.experimental.pallas import tpu_sc as plsc

B = 16384
D = 65
DP = 128
H = 50
HH = 25
NC = 2
NS = 16
NW = NC * NS
R = B // NW
CS = 128
NCH = R // CS
NBUF = 2


def _pool_body(ftab_hbm, fids_hbm, pref_hbm,
               fidx_v, ramp_v, feat_v, acc_sh, sem):
    c = lax.axis_index("c")
    s = lax.axis_index("s")
    wid = s * NC + c
    blk = wid * NCH
    iota = lax.iota(jnp.int32, 16)

    for sc in range(NCH):
        for k in range(CS // 16):
            ramp_v[sc, pl.ds(k * 16, 16)] = (
                s * R + sc * CS + k * 16 + iota
            )

    zbuf = feat_v.at[0]

    def zero_row(r, carry):
        z16 = jnp.zeros((16,), jnp.float32)
        for j in range(DP // 16):
            zbuf[r, pl.ds(j * 16, 16)] = z16
        return carry

    lax.fori_loop(0, CS, zero_row, 0)
    for sc in range(NCH):
        pltpu.sync_copy(zbuf, acc_sh.at[pl.ds(s * R + sc * CS, CS), :])

    def pool_step(h, carry):
        for sc0 in range(0, NCH, NBUF):
            g = [
                pltpu.async_copy(
                    ftab_hbm.at[fidx_v.at[h, sc0 + i]],
                    feat_v.at[i],
                    sem,
                )
                for i in range(NBUF)
            ]
            for d in g:
                d.wait()
            sca = [
                pltpu.async_copy(
                    feat_v.at[i],
                    acc_sh.at[ramp_v.at[sc0 + i]],
                    sem,
                    add=True,
                )
                for i in range(NBUF)
            ]
            for d in sca:
                d.wait()
        return carry

    for hh in range(H // HH):
        pltpu.sync_copy(
            fids_hbm.at[pl.ds(hh * HH, HH), pl.ds(blk, NCH), :], fidx_v
        )
        lax.fori_loop(0, HH, pool_step, 0)

    pltpu.sync_copy(
        acc_sh.at[pl.ds(s * R, R), :], pref_hbm.at[pl.ds(wid * R, R), :]
    )


def _dot_body(items_hbm, iids_hbm, pref_hbm, out_hbm,
              iidx_v, feat_v, out_v, sem, sem2):
    c = lax.axis_index("c")
    s = lax.axis_index("s")
    wid = s * NC + c
    blk = wid * NCH
    iota = lax.iota(jnp.int32, 16)

    pltpu.sync_copy(iids_hbm.at[pl.ds(blk, NCH)], iidx_v)

    item_c = feat_v.at[0]
    pref_c = feat_v.at[1]
    for sc in range(NCH):
        gi = pltpu.async_copy(items_hbm.at[iidx_v.at[sc]], item_c, sem2)
        pltpu.sync_copy(
            pref_hbm.at[pl.ds(wid * R + sc * CS, CS), :], pref_c
        )
        gi.wait()

        def grp_body(g, carry):
            rows16 = g * 16 + iota

            def d_body(d, acc):
                dv = jnp.full((16,), 0, jnp.int32) + d
                a = plsc.load_gather(item_c, [rows16, dv])
                b = plsc.load_gather(pref_c, [rows16, dv])
                return acc + a * b

            acc = lax.fori_loop(0, D, d_body, jnp.zeros((16,), jnp.float32))
            out_v[pl.ds(sc * CS + g * 16, 16)] = acc
            return carry

        lax.fori_loop(0, CS // 16, grp_body, 0)

    pltpu.sync_copy(out_v, out_hbm.at[pl.ds(wid * R, R)])


@jax.jit
def kernel(items_emb, feature_emb, item_ids, feature_ids):
    eye = jnp.eye(D, DP, dtype=jnp.float32)
    items_p = jax.lax.dot(
        items_emb, eye, precision=jax.lax.Precision.HIGHEST
    )
    ftab_p = jax.lax.dot(
        feature_emb, eye, precision=jax.lax.Precision.HIGHEST
    )
    iids = item_ids.astype(jnp.int32).reshape(B // CS, CS)
    fids = feature_ids.astype(jnp.int32).T.reshape(H, B // CS, CS)
    mesh = plsc.VectorSubcoreMesh(core_axis_name="c", subcore_axis_name="s")

    pool = pl.kernel(
        _pool_body,
        out_type=jax.ShapeDtypeStruct((B, DP), jnp.float32),
        mesh=mesh,
        scratch_types=[
            pltpu.VMEM((HH, NCH, CS), jnp.int32),
            pltpu.VMEM((NCH, CS), jnp.int32),
            pltpu.VMEM((NBUF, CS, DP), jnp.float32),
            pltpu.VMEM_SHARED((NS * R, DP), jnp.float32),
            pltpu.SemaphoreType.DMA,
        ],
        compiler_params=pltpu.CompilerParams(
            needs_layout_passes=False, use_tc_tiling_on_sc=False
        ),
    )
    pref = pool(ftab_p, fids)

    dot = pl.kernel(
        _dot_body,
        out_type=jax.ShapeDtypeStruct((B,), jnp.float32),
        mesh=mesh,
        scratch_types=[
            pltpu.VMEM((NCH, CS), jnp.int32),
            pltpu.VMEM((2, CS, DP), jnp.float32),
            pltpu.VMEM((R,), jnp.float32),
            pltpu.SemaphoreType.DMA,
            pltpu.SemaphoreType.DMA,
        ],
        compiler_params=pltpu.CompilerParams(
            needs_layout_passes=False, use_tc_tiling_on_sc=False
        ),
    )
    return dot(items_p, iids, pref)

# --- scband reference (transcript-rebuilt; emitter-appended) ---
"""Pipeline reference for scband-fed-rec-server-1529008358083 (READ-ONLY COPY).

The authoritative reference and input builder live on the scoring server;
editing this copy changes nothing except your own understanding.
"""

import jax, jax.numpy as jnp
import numpy as np

ITEM_LENGTH = 1000000
FEATURE_LENGTH = 100000
HS = 64
BATCH = 16384
HIST = 50


def setup_inputs(seed: int = 0) -> dict:
    key = jax.random.key(seed)
    k1, k2, k3, k4 = jax.random.split(key, 4)
    # items_emb: nn.Embedding(item_length, hs+1), init normal std=0.01
    items_emb = jax.random.normal(k1, (ITEM_LENGTH, HS + 1), dtype=jnp.float32) * 0.01
    # feature_emb: nn.Embedding(feature_length+1, hs+1), init normal std=ip=0.01, padding row zeroed
    feature_emb = jax.random.normal(k2, (FEATURE_LENGTH + 1, HS + 1), dtype=jnp.float32) * 0.01
    feature_emb = feature_emb.at[FEATURE_LENGTH, :].set(0.0)
    item_ids = jax.random.randint(k3, (BATCH,), 0, ITEM_LENGTH, dtype=jnp.int64 if jax.config.jax_enable_x64 else jnp.int32)
    feature_ids = jax.random.randint(k4, (BATCH, HIST), 0, FEATURE_LENGTH, dtype=jnp.int64 if jax.config.jax_enable_x64 else jnp.int32)
    return {"items_emb": items_emb, "feature_emb": feature_emb, "item_ids": item_ids, "feature_ids": feature_ids}


def reference(items_emb, feature_emb, item_ids, feature_ids):
    # Embedding lookup into the item table (gather)
    item_vecs = jnp.take(items_emb, item_ids, axis=0)          # [B, hs+1]
    # Embedding lookup into the feature table (gather) and sum-pool over history
    feat_vecs = jnp.take(feature_emb, feature_ids, axis=0)     # [B, L, hs+1]
    pref = jnp.sum(feat_vecs, axis=1)                          # [B, hs+1]
    # FM-style preference score used by the FedRec clients (qonly path)
    scores = jnp.sum(item_vecs * pref, axis=-1)                # [B]
    return scores

if __name__ == "__main__":
    import jax
    _d = setup_inputs()
    print(jax.jit(kernel)(*tuple(_d.values())))

</pallas_src>

<mosaic_0001>
#map = affine_map<(d0, d1) -> (0, 0)>
#map1 = affine_map<(d0, d1) -> (0, 0, 0)>
module attributes {stable_mosaic.version = 14 : i64} {
  func.func @_pool_body(%arg0: i32, %arg1: i32, %arg2: memref<100001x128xf32, #tpu.memory_space<hbm>>, %arg3: memref<50x128x128xi32, #tpu.memory_space<hbm>>, %arg4: memref<16384x128xf32, #tpu.memory_space<hbm>>, %arg5: memref<25x4x128xi32, #tpu.memory_space<vmem>>, %arg6: memref<4x128xi32, #tpu.memory_space<vmem>>, %arg7: memref<2x128x128xf32, #tpu.memory_space<vmem>>, %arg8: memref<8192x128xf32, #tpu.memory_space<vmem_shared>>, %arg9: memref<!tpu.dma_semaphore, #tpu.memory_space<semaphore_mem>>) attributes {dimension_semantics = [#tpu.dimension_semantics<core_parallel>, #tpu.dimension_semantics<subcore_parallel>], iteration_bounds = array<i64: 2, 16>, scalar_prefetch = 0 : i64, scratch_operands = 5 : i64, tpu.core_type = #tpu.core_type<sc_vector_subcore>, window_params = [{transform_indices = #map}, {transform_indices = #map1}, {transform_indices = #map}]} {
    %mul3A = arith.constant 2 : i32
    %mul3A_0 = arith.muli %arg1, %mul3A : i32
    %add3A = arith.addi %mul3A_0, %arg0 : i32
    %mul3A_1 = arith.constant 4 : i32
    %mul3A_2 = arith.muli %add3A, %mul3A_1 : i32
    %iota3A = tpu.iota {dimensions = array<i32: 0>} : vector<16xi32>
    %mul3A_3 = arith.constant 512 : i32
    %mul3A_4 = arith.muli %arg1, %mul3A_3 : i32
    %add3A_5 = arith.constant 0 : i32
    %add3A_6 = arith.addi %mul3A_4, %add3A_5 : i32
    %add3A_7 = arith.constant 0 : i32
    %add3A_8 = arith.addi %add3A_6, %add3A_7 : i32
    %add3A_9 = vector.broadcast %add3A_8 : i32 to vector<16xi32>
    %add3A_10 = arith.addi %add3A_9, %iota3A : vector<16xi32>
    %swap3A = arith.constant 0 : i32
    %swap3A_11 = arith.index_cast %swap3A : i32 to index
    %swap3A_12 = arith.constant 0 : index
    %swap3A_13 = tpu.vector_load %arg6[%swap3A_11, %swap3A_12] {strides = array<i32>} : memref<4x128xi32, #tpu.memory_space<vmem>>, vector<16xi32>,
    tpu.vector_store %arg6[%swap3A_11, %swap3A_12], %add3A_10 {strides = array<i32>} : memref<4x128xi32, #tpu.memory_space<vmem>>, vector<16xi32>,
    %mul3A_14 = arith.constant 512 : i32
    %mul3A_15 = arith.muli %arg1, %mul3A_14 : i32
    %add3A_16 = arith.constant 0 : i32
    %add3A_17 = arith.addi %mul3A_15, %add3A_16 : i32
    %add3A_18 = arith.constant 16 : i32
    %add3A_19 = arith.addi %add3A_17, %add3A_18 : i32
    %add3A_20 = vector.broadcast %add3A_19 : i32 to vector<16xi32>
    %add3A_21 = arith.addi %add3A_20, %iota3A : vector<16xi32>
    %swap3A_22 = arith.constant 0 : i32
    %swap3A_23 = arith.index_cast %swap3A_22 : i32 to index
    %swap3A_24 = arith.constant 16 : index
    %swap3A_25 = tpu.vector_load %arg6[%swap3A_23, %swap3A_24] {strides = array<i32>} : memref<4x128xi32, #tpu.memory_space<vmem>>, vector<16xi32>,
    tpu.vector_store %arg6[%swap3A_23, %swap3A_24], %add3A_21 {strides = array<i32>} : memref<4x128xi32, #tpu.memory_space<vmem>>, vector<16xi32>,
    %mul3A_26 = arith.constant 512 : i32
    %mul3A_27 = arith.muli %arg1, %mul3A_26 : i32
    %add3A_28 = arith.constant 0 : i32
    %add3A_29 = arith.addi %mul3A_27, %add3A_28 : i32
    %add3A_30 = arith.constant 32 : i32
    %add3A_31 = arith.addi %add3A_29, %add3A_30 : i32
    %add3A_32 = vector.broadcast %add3A_31 : i32 to vector<16xi32>
    %add3A_33 = arith.addi %add3A_32, %iota3A : vector<16xi32>
    %swap3A_34 = arith.constant 0 : i32
    %swap3A_35 = arith.index_cast %swap3A_34 : i32 to index
    %swap3A_36 = arith.constant 32 : index
    %swap3A_37 = tpu.vector_load %arg6[%swap3A_35, %swap3A_36] {strides = array<i32>} : memref<4x128xi32, #tpu.memory_space<vmem>>, vector<16xi32>,
    tpu.vector_store %arg6[%swap3A_35, %swap3A_36], %add3A_33 {strides = array<i32>} : memref<4x128xi32, #tpu.memory_space<vmem>>, vector<16xi32>,
    %mul3A_38 = arith.constant 512 : i32
    %mul3A_39 = arith.muli %arg1, %mul3A_38 : i32
    %add3A_40 = arith.constant 0 : i32
    %add3A_41 = arith.addi %mul3A_39, %add3A_40 : i32
    %add3A_42 = arith.constant 48 : i32
    %add3A_43 = arith.addi %add3A_41, %add3A_42 : i32
    %add3A_44 = vector.broadcast %add3A_43 : i32 to vector<16xi32>
    %add3A_45 = arith.addi %add3A_44, %iota3A : vector<16xi32>
    %swap3A_46 = arith.constant 0 : i32
    %swap3A_47 = arith.index_cast %swap3A_46 : i32 to index
    %swap3A_48 = arith.constant 48 : index
    %swap3A_49 = tpu.vector_load %arg6[%swap3A_47, %swap3A_48] {strides = array<i32>} : memref<4x128xi32, #tpu.memory_space<vmem>>, vector<16xi32>,
    tpu.vector_store %arg6[%swap3A_47, %swap3A_48], %add3A_45 {strides = array<i32>} : memref<4x128xi32, #tpu.memory_space<vmem>>, vector<16xi32>,
    %mul3A_50 = arith.constant 512 : i32
    %mul3A_51 = arith.muli %arg1, %mul3A_50 : i32
    %add3A_52 = arith.constant 0 : i32
    %add3A_53 = arith.addi %mul3A_51, %add3A_52 : i32
    %add3A_54 = arith.constant 64 : i32
    %add3A_55 = arith.addi %add3A_53, %add3A_54 : i32
    %add3A_56 = vector.broadcast %add3A_55 : i32 to vector<16xi32>
    %add3A_57 = arith.addi %add3A_56, %iota3A : vector<16xi32>
    %swap3A_58 = arith.constant 0 : i32
    %swap3A_59 = arith.index_cast %swap3A_58 : i32 to index
    %swap3A_60 = arith.constant 64 : index
    %swap3A_61 = tpu.vector_load %arg6[%swap3A_59, %swap3A_60] {strides = array<i32>} : memref<4x128xi32, #tpu.memory_space<vmem>>, vector<16xi32>,
    tpu.vector_store %arg6[%swap3A_59, %swap3A_60], %add3A_57 {strides = array<i32>} : memref<4x128xi32, #tpu.memory_space<vmem>>, vector<16xi32>,
    %mul3A_62 = arith.constant 512 : i32
    %mul3A_63 = arith.muli %arg1, %mul3A_62 : i32
    %add3A_64 = arith.constant 0 : i32
    %add3A_65 = arith.addi %mul3A_63, %add3A_64 : i32
    %add3A_66 = arith.constant 80 : i32
    %add3A_67 = arith.addi %add3A_65, %add3A_66 : i32
    %add3A_68 = vector.broadcast %add3A_67 : i32 to vector<16xi32>
    %add3A_69 = arith.addi %add3A_68, %iota3A : vector<16xi32>
    %swap3A_70 = arith.constant 0 : i32
    %swap3A_71 = arith.index_cast %swap3A_70 : i32 to index
    %swap3A_72 = arith.constant 80 : index
    %swap3A_73 = tpu.vector_load %arg6[%swap3A_71, %swap3A_72] {strides = array<i32>} : memref<4x128xi32, #tpu.memory_space<vmem>>, vector<16xi32>,
    tpu.vector_store %arg6[%swap3A_71, %swap3A_72], %add3A_69 {strides = array<i32>} : memref<4x128xi32, #tpu.memory_space<vmem>>, vector<16xi32>,
    %mul3A_74 = arith.constant 512 : i32
    %mul3A_75 = arith.muli %arg1, %mul3A_74 : i32
    %add3A_76 = arith.constant 0 : i32
    %add3A_77 = arith.addi %mul3A_75, %add3A_76 : i32
    %add3A_78 = arith.constant 96 : i32
    %add3A_79 = arith.addi %add3A_77, %add3A_78 : i32
    %add3A_80 = vector.broadcast %add3A_79 : i32 to vector<16xi32>
    %add3A_81 = arith.addi %add3A_80, %iota3A : vector<16xi32>
    %swap3A_82 = arith.constant 0 : i32
    %swap3A_83 = arith.index_cast %swap3A_82 : i32 to index
    %swap3A_84 = arith.constant 96 : index
    %swap3A_85 = tpu.vector_load %arg6[%swap3A_83, %swap3A_84] {strides = array<i32>} : memref<4x128xi32, #tpu.memory_space<vmem>>, vector<16xi32>,
    tpu.vector_store %arg6[%swap3A_83, %swap3A_84], %add3A_81 {strides = array<i32>} : memref<4x128xi32, #tpu.memory_space<vmem>>, vector<16xi32>,
    %mul3A_86 = arith.constant 512 : i32
    %mul3A_87 = arith.muli %arg1, %mul3A_86 : i32
    %add3A_88 = arith.constant 0 : i32
    %add3A_89 = arith.addi %mul3A_87, %add3A_88 : i32
    %add3A_90 = arith.constant 112 : i32
    %add3A_91 = arith.addi %add3A_89, %add3A_90 : i32
    %add3A_92 = vector.broadcast %add3A_91 : i32 to vector<16xi32>
    %add3A_93 = arith.addi %add3A_92, %iota3A : vector<16xi32>
    %swap3A_94 = arith.constant 0 : i32
    %swap3A_95 = arith.index_cast %swap3A_94 : i32 to index
    %swap3A_96 = arith.constant 112 : index
    %swap3A_97 = tpu.vector_load %arg6[%swap3A_95, %swap3A_96] {strides = array<i32>} : memref<4x128xi32, #tpu.memory_space<vmem>>, vector<16xi32>,
    tpu.vector_store %arg6[%swap3A_95, %swap3A_96], %add3A_93 {strides = array<i32>} : memref<4x128xi32, #tpu.memory_space<vmem>>, vector<16xi32>,
    %mul3A_98 = arith.constant 512 : i32
    %mul3A_99 = arith.muli %arg1, %mul3A_98 : i32
    %add3A_100 = arith.constant 128 : i32
    %add3A_101 = arith.addi %mul3A_99, %add3A_100 : i32
    %add3A_102 = arith.constant 0 : i32
    %add3A_103 = arith.addi %add3A_101, %add3A_102 : i32
    %add3A_104 = vector.broadcast %add3A_103 : i32 to vector<16xi32>
    %add3A_105 = arith.addi %add3A_104, %iota3A : vector<16xi32>
    %swap3A_106 = arith.constant 1 : i32
    %swap3A_107 = arith.index_cast %swap3A_106 : i32 to index
    %swap3A_108 = arith.constant 0 : index
    %swap3A_109 = tpu.vector_load %arg6[%swap3A_107, %swap3A_108] {strides = array<i32>} : memref<4x128xi32, #tpu.memory_space<vmem>>, vector<16xi32>,
    tpu.vector_store %arg6[%swap3A_107, %swap3A_108], %add3A_105 {strides = array<i32>} : memref<4x128xi32, #tpu.memory_space<vmem>>, vector<16xi32>,
    %mul3A_110 = arith.constant 512 : i32
    %mul3A_111 = arith.muli %arg1, %mul3A_110 : i32
    %add3A_112 = arith.constant 128 : i32
    %add3A_113 = arith.addi %mul3A_111, %add3A_112 : i32
    %add3A_114 = arith.constant 16 : i32
    %add3A_115 = arith.addi %add3A_113, %add3A_114 : i32
    %add3A_116 = vector.broadcast %add3A_115 : i32 to vector<16xi32>
    %add3A_117 = arith.addi %add3A_116, %iota3A : vector<16xi32>
    %swap3A_118 = arith.constant 1 : i32
    %swap3A_119 = arith.index_cast %swap3A_118 : i32 to index
    %swap3A_120 = arith.constant 16 : index
    %swap3A_121 = tpu.vector_load %arg6[%swap3A_119, %swap3A_120] {strides = array<i32>} : memref<4x128xi32, #tpu.memory_space<vmem>>, vector<16xi32>,
    tpu.vector_store %arg6[%swap3A_119, %swap3A_120], %add3A_117 {strides = array<i32>} : memref<4x128xi32, #tpu.memory_space<vmem>>, vector<16xi32>,
    %mul3A_122 = arith.constant 512 : i32
    %mul3A_123 = arith.muli %arg1, %mul3A_122 : i32
    %add3A_124 = arith.constant 128 : i32
    %add3A_125 = arith.addi %mul3A_123, %add3A_124 : i32
    %add3A_126 = arith.constant 32 : i32
    %add3A_127 = arith.addi %add3A_125, %add3A_126 : i32
    %add3A_128 = vector.broadcast %add3A_127 : i32 to vector<16xi32>
    %add3A_129 = arith.addi %add3A_128, %iota3A : vector<16xi32>
    %swap3A_130 = arith.constant 1 : i32
    %swap3A_131 = arith.index_cast %swap3A_130 : i32 to index
    %swap3A_132 = arith.constant 32 : index
    %swap3A_133 = tpu.vector_load %arg6[%swap3A_131, %swap3A_132] {strides = array<i32>} : memref<4x128xi32, #tpu.memory_space<vmem>>, vector<16xi32>,
    tpu.vector_store %arg6[%swap3A_131, %swap3A_132], %add3A_129 {strides = array<i32>} : memref<4x128xi32, #tpu.memory_space<vmem>>, vector<16xi32>,
    %mul3A_134 = arith.constant 512 : i32
    %mul3A_135 = arith.muli %arg1, %mul3A_134 : i32
    %add3A_136 = arith.constant 128 : i32
    %add3A_137 = arith.addi %mul3A_135, %add3A_136 : i32
    %add3A_138 = arith.constant 48 : i32
    %add3A_139 = arith.addi %add3A_137, %add3A_138 : i32
    %add3A_140 = vector.broadcast %add3A_139 : i32 to vector<16xi32>
    %add3A_141 = arith.addi %add3A_140, %iota3A : vector<16xi32>
    %swap3A_142 = arith.constant 1 : i32
    %swap3A_143 = arith.index_cast %swap3A_142 : i32 to index
    %swap3A_144 = arith.constant 48 : index
    %swap3A_145 = tpu.vector_load %arg6[%swap3A_143, %swap3A_144] {strides = array<i32>} : memref<4x128xi32, #tpu.memory_space<vmem>>, vector<16xi32>,
    tpu.vector_store %arg6[%swap3A_143, %swap3A_144], %add3A_141 {strides = array<i32>} : memref<4x128xi32, #tpu.memory_space<vmem>>, vector<16xi32>,
    %mul3A_146 = arith.constant 512 : i32
    %mul3A_147 = arith.muli %arg1, %mul3A_146 : i32
    %add3A_148 = arith.constant 128 : i32
    %add3A_149 = arith.addi %mul3A_147, %add3A_148 : i32
    %add3A_150 = arith.constant 64 : i32
    %add3A_151 = arith.addi %add3A_149, %add3A_150 : i32
    %add3A_152 = vector.broadcast %add3A_151 : i32 to vector<16xi32>
    %add3A_153 = arith.addi %add3A_152, %iota3A : vector<16xi32>
    %swap3A_154 = arith.constant 1 : i32
    %swap3A_155 = arith.index_cast %swap3A_154 : i32 to index
    %swap3A_156 = arith.constant 64 : index
    %swap3A_157 = tpu.vector_load %arg6[%swap3A_155, %swap3A_156] {strides = array<i32>} : memref<4x128xi32, #tpu.memory_space<vmem>>, vector<16xi32>,
    tpu.vector_store %arg6[%swap3A_155, %swap3A_156], %add3A_153 {strides = array<i32>} : memref<4x128xi32, #tpu.memory_space<vmem>>, vector<16xi32>,
    %mul3A_158 = arith.constant 512 : i32
    %mul3A_159 = arith.muli %arg1, %mul3A_158 : i32
    %add3A_160 = arith.constant 128 : i32
    %add3A_161 = arith.addi %mul3A_159, %add3A_160 : i32
    %add3A_162 = arith.constant 80 : i32
    %add3A_163 = arith.addi %add3A_161, %add3A_162 : i32
    %add3A_164 = vector.broadcast %add3A_163 : i32 to vector<16xi32>
    %add3A_165 = arith.addi %add3A_164, %iota3A : vector<16xi32>
    %swap3A_166 = arith.constant 1 : i32
    %swap3A_167 = arith.index_cast %swap3A_166 : i32 to index
    %swap3A_168 = arith.constant 80 : index
    %swap3A_169 = tpu.vector_load %arg6[%swap3A_167, %swap3A_168] {strides = array<i32>} : memref<4x128xi32, #tpu.memory_space<vmem>>, vector<16xi32>,
    tpu.vector_store %arg6[%swap3A_167, %swap3A_168], %add3A_165 {strides = array<i32>} : memref<4x128xi32, #tpu.memory_space<vmem>>, vector<16xi32>,
    %mul3A_170 = arith.constant 512 : i32
    %mul3A_171 = arith.muli %arg1, %mul3A_170 : i32
    %add3A_172 = arith.constant 128 : i32
    %add3A_173 = arith.addi %mul3A_171, %add3A_172 : i32
    %add3A_174 = arith.constant 96 : i32
    %add3A_175 = arith.addi %add3A_173, %add3A_174 : i32
    %add3A_176 = vector.broadcast %add3A_175 : i32 to vector<16xi32>
    %add3A_177 = arith.addi %add3A_176, %iota3A : vector<16xi32>
    %swap3A_178 = arith.constant 1 : i32
    %swap3A_179 = arith.index_cast %swap3A_178 : i32 to index
    %swap3A_180 = arith.constant 96 : index
    %swap3A_181 = tpu.vector_load %arg6[%swap3A_179, %swap3A_180] {strides = array<i32>} : memref<4x128xi32, #tpu.memory_space<vmem>>, vector<16xi32>,
    tpu.vector_store %arg6[%swap3A_179, %swap3A_180], %add3A_177 {strides = array<i32>} : memref<4x128xi32, #tpu.memory_space<vmem>>, vector<16xi32>,
    %mul3A_182 = arith.constant 512 : i32
    %mul3A_183 = arith.muli %arg1, %mul3A_182 : i32
    %add3A_184 = arith.constant 128 : i32
    %add3A_185 = arith.addi %mul3A_183, %add3A_184 : i32
    %add3A_186 = arith.constant 112 : i32
    %add3A_187 = arith.addi %add3A_185, %add3A_186 : i32
    %add3A_188 = vector.broadcast %add3A_187 : i32 to vector<16xi32>
    %add3A_189 = arith.addi %add3A_188, %iota3A : vector<16xi32>
    %swap3A_190 = arith.constant 1 : i32
    %swap3A_191 = arith.index_cast %swap3A_190 : i32 to index
    %swap3A_192 = arith.constant 112 : index
    %swap3A_193 = tpu.vector_load %arg6[%swap3A_191, %swap3A_192] {strides = array<i32>} : memref<4x128xi32, #tpu.memory_space<vmem>>, vector<16xi32>,
    tpu.vector_store %arg6[%swap3A_191, %swap3A_192], %add3A_189 {strides = array<i32>} : memref<4x128xi32, #tpu.memory_space<vmem>>, vector<16xi32>,
    %mul3A_194 = arith.constant 512 : i32
    %mul3A_195 = arith.muli %arg1, %mul3A_194 : i32
    %add3A_196 = arith.constant 256 : i32
    %add3A_197 = arith.addi %mul3A_195, %add3A_196 : i32
    %add3A_198 = arith.constant 0 : i32
    %add3A_199 = arith.addi %add3A_197, %add3A_198 : i32
    %add3A_200 = vector.broadcast %add3A_199 : i32 to vector<16xi32>
    %add3A_201 = arith.addi %add3A_200, %iota3A : vector<16xi32>
    %swap3A_202 = arith.constant 2 : i32
    %swap3A_203 = arith.index_cast %swap3A_202 : i32 to index
    %swap3A_204 = arith.constant 0 : index
    %swap3A_205 = tpu.vector_load %arg6[%swap3A_203, %swap3A_204] {strides = array<i32>} : memref<4x128xi32, #tpu.memory_space<vmem>>, vector<16xi32>,
    tpu.vector_store %arg6[%swap3A_203, %swap3A_204], %add3A_201 {strides = array<i32>} : memref<4x128xi32, #tpu.memory_space<vmem>>, vector<16xi32>,
    %mul3A_206 = arith.constant 512 : i32
    %mul3A_207 = arith.muli %arg1, %mul3A_206 : i32
    %add3A_208 = arith.constant 256 : i32
    %add3A_209 = arith.addi %mul3A_207, %add3A_208 : i32
    %add3A_210 = arith.constant 16 : i32
    %add3A_211 = arith.addi %add3A_209, %add3A_210 : i32
    %add3A_212 = vector.broadcast %add3A_211 : i32 to vector<16xi32>
    %add3A_213 = arith.addi %add3A_212, %iota3A : vector<16xi32>
    %swap3A_214 = arith.constant 2 : i32
    %swap3A_215 = arith.index_cast %swap3A_214 : i32 to index
    %swap3A_216 = arith.constant 16 : index
    %swap3A_217 = tpu.vector_load %arg6[%swap3A_215, %swap3A_216] {strides = array<i32>} : memref<4x128xi32, #tpu.memory_space<vmem>>, vector<16xi32>,
    tpu.vector_store %arg6[%swap3A_215, %swap3A_216], %add3A_213 {strides = array<i32>} : memref<4x128xi32, #tpu.memory_space<vmem>>, vector<16xi32>,
    %mul3A_218 = arith.constant 512 : i32
    %mul3A_219 = arith.muli %arg1, %mul3A_218 : i32
    %add3A_220 = arith.constant 256 : i32
    %add3A_221 = arith.addi %mul3A_219, %add3A_220 : i32
    %add3A_222 = arith.constant 32 : i32
    %add3A_223 = arith.addi %add3A_221, %add3A_222 : i32
    %add3A_224 = vector.broadcast %add3A_223 : i32 to vector<16xi32>
    %add3A_225 = arith.addi %add3A_224, %iota3A : vector<16xi32>
    %swap3A_226 = arith.constant 2 : i32
    %swap3A_227 = arith.index_cast %swap3A_226 : i32 to index
    %swap3A_228 = arith.constant 32 : index
    %swap3A_229 = tpu.vector_load %arg6[%swap3A_227, %swap3A_228] {strides = array<i32>} : memref<4x128xi32, #tpu.memory_space<vmem>>, vector<16xi32>,
    tpu.vector_store %arg6[%swap3A_227, %swap3A_228], %add3A_225 {strides = array<i32>} : memref<4x128xi32, #tpu.memory_space<vmem>>, vector<16xi32>,
    %mul3A_230 = arith.constant 512 : i32
    %mul3A_231 = arith.muli %arg1, %mul3A_230 : i32
    %add3A_232 = arith.constant 256 : i32
    %add3A_233 = arith.addi %mul3A_231, %add3A_232 : i32
    %add3A_234 = arith.constant 48 : i32
    %add3A_235 = arith.addi %add3A_233, %add3A_234 : i32
    %add3A_236 = vector.broadcast %add3A_235 : i32 to vector<16xi32>
    %add3A_237 = arith.addi %add3A_236, %iota3A : vector<16xi32>
    %swap3A_238 = arith.constant 2 : i32
    %swap3A_239 = arith.index_cast %swap3A_238 : i32 to index
    %swap3A_240 = arith.constant 48 : index
    %swap3A_241 = tpu.vector_load %arg6[%swap3A_239, %swap3A_240] {strides = array<i32>} : memref<4x128xi32, #tpu.memory_space<vmem>>, vector<16xi32>,
    tpu.vector_store %arg6[%swap3A_239, %swap3A_240], %add3A_237 {strides = array<i32>} : memref<4x128xi32, #tpu.memory_space<vmem>>, vector<16xi32>,
    %mul3A_242 = arith.constant 512 : i32
    %mul3A_243 = arith.muli %arg1, %mul3A_242 : i32
    %add3A_244 = arith.constant 256 : i32
    %add3A_245 = arith.addi %mul3A_243, %add3A_244 : i32
    %add3A_246 = arith.constant 64 : i32
    %add3A_247 = arith.addi %add3A_245, %add3A_246 : i32
    %add3A_248 = vector.broadcast %add3A_247 : i32 to vector<16xi32>
    %add3A_249 = arith.addi %add3A_248, %iota3A : vector<16xi32>
    %swap3A_250 = arith.constant 2 : i32
    %swap3A_251 = arith.index_cast %swap3A_250 : i32 to index
    %swap3A_252 = arith.constant 64 : index
    %swap3A_253 = tpu.vector_load %arg6[%swap3A_251, %swap3A_252] {strides = array<i32>} : memref<4x128xi32, #tpu.memory_space<vmem>>, vector<16xi32>,
    tpu.vector_store %arg6[%swap3A_251, %swap3A_252], %add3A_249 {strides = array<i32>} : memref<4x128xi32, #tpu.memory_space<vmem>>, vector<16xi32>,
    %mul3A_254 = arith.constant 512 : i32
    %mul3A_255 = arith.muli %arg1, %mul3A_254 : i32
    %add3A_256 = arith.constant 256 : i32
    %add3A_257 = arith.addi %mul3A_255, %add3A_256 : i32
    %add3A_258 = arith.constant 80 : i32
    %add3A_259 = arith.addi %add3A_257, %add3A_258 : i32
    %add3A_260 = vector.broadcast %add3A_259 : i32 to vector<16xi32>
    %add3A_261 = arith.addi %add3A_260, %iota3A : vector<16xi32>
    %swap3A_262 = arith.constant 2 : i32
    %swap3A_263 = arith.index_cast %swap3A_262 : i32 to index
    %swap3A_264 = arith.constant 80 : index
    %swap3A_265 = tpu.vector_load %arg6[%swap3A_263, %swap3A_264] {strides = array<i32>} : memref<4x128xi32, #tpu.memory_space<vmem>>, vector<16xi32>,
    tpu.vector_store %arg6[%swap3A_263, %swap3A_264], %add3A_261 {strides = array<i32>} : memref<4x128xi32, #tpu.memory_space<vmem>>, vector<16xi32>,
    %mul3A_266 = arith.constant 512 : i32
    %mul3A_267 = arith.muli %arg1, %mul3A_266 : i32
    %add3A_268 = arith.constant 256 : i32
    %add3A_269 = arith.addi %mul3A_267, %add3A_268 : i32
    %add3A_270 = arith.constant 96 : i32
    %add3A_271 = arith.addi %add3A_269, %add3A_270 : i32
    %add3A_272 = vector.broadcast %add3A_271 : i32 to vector<16xi32>
    %add3A_273 = arith.addi %add3A_272, %iota3A : vector<16xi32>
    %swap3A_274 = arith.constant 2 : i32
    %swap3A_275 = arith.index_cast %swap3A_274 : i32 to index
    %swap3A_276 = arith.constant 96 : index
    %swap3A_277 = tpu.vector_load %arg6[%swap3A_275, %swap3A_276] {strides = array<i32>} : memref<4x128xi32, #tpu.memory_space<vmem>>, vector<16xi32>,
    tpu.vector_store %arg6[%swap3A_275, %swap3A_276], %add3A_273 {strides = array<i32>} : memref<4x128xi32, #tpu.memory_space<vmem>>, vector<16xi32>,
    %mul3A_278 = arith.constant 512 : i32
    %mul3A_279 = arith.muli %arg1, %mul3A_278 : i32
    %add3A_280 = arith.constant 256 : i32
    %add3A_281 = arith.addi %mul3A_279, %add3A_280 : i32
    %add3A_282 = arith.constant 112 : i32
    %add3A_283 = arith.addi %add3A_281, %add3A_282 : i32
    %add3A_284 = vector.broadcast %add3A_283 : i32 to vector<16xi32>
    %add3A_285 = arith.addi %add3A_284, %iota3A : vector<16xi32>
    %swap3A_286 = arith.constant 2 : i32
    %swap3A_287 = arith.index_cast %swap3A_286 : i32 to index
    %swap3A_288 = arith.constant 112 : index
    %swap3A_289 = tpu.vector_load %arg6[%swap3A_287, %swap3A_288] {strides = array<i32>} : memref<4x128xi32, #tpu.memory_space<vmem>>, vector<16xi32>,
    tpu.vector_store %arg6[%swap3A_287, %swap3A_288], %add3A_285 {strides = array<i32>} : memref<4x128xi32, #tpu.memory_space<vmem>>, vector<16xi32>,
    %mul3A_290 = arith.constant 512 : i32
    %mul3A_291 = arith.muli %arg1, %mul3A_290 : i32
    %add3A_292 = arith.constant 384 : i32
    %add3A_293 = arith.addi %mul3A_291, %add3A_292 : i32
    %add3A_294 = arith.constant 0 : i32
    %add3A_295 = arith.addi %add3A_293, %add3A_294 : i32
    %add3A_296 = vector.broadcast %add3A_295 : i32 to vector<16xi32>
    %add3A_297 = arith.addi %add3A_296, %iota3A : vector<16xi32>
    %swap3A_298 = arith.constant 3 : i32
    %swap3A_299 = arith.index_cast %swap3A_298 : i32 to index
    %swap3A_300 = arith.constant 0 : index
    %swap3A_301 = tpu.vector_load %arg6[%swap3A_299, %swap3A_300] {strides = array<i32>} : memref<4x128xi32, #tpu.memory_space<vmem>>, vector<16xi32>,
    tpu.vector_store %arg6[%swap3A_299, %swap3A_300], %add3A_297 {strides = array<i32>} : memref<4x128xi32, #tpu.memory_space<vmem>>, vector<16xi32>,
    %mul3A_302 = arith.constant 512 : i32
    %mul3A_303 = arith.muli %arg1, %mul3A_302 : i32
    %add3A_304 = arith.constant 384 : i32
    %add3A_305 = arith.addi %mul3A_303, %add3A_304 : i32
    %add3A_306 = arith.constant 16 : i32
    %add3A_307 = arith.addi %add3A_305, %add3A_306 : i32
    %add3A_308 = vector.broadcast %add3A_307 : i32 to vector<16xi32>
    %add3A_309 = arith.addi %add3A_308, %iota3A : vector<16xi32>
    %swap3A_310 = arith.constant 3 : i32
    %swap3A_311 = arith.index_cast %swap3A_310 : i32 to index
    %swap3A_312 = arith.constant 16 : index
    %swap3A_313 = tpu.vector_load %arg6[%swap3A_311, %swap3A_312] {strides = array<i32>} : memref<4x128xi32, #tpu.memory_space<vmem>>, vector<16xi32>,
    tpu.vector_store %arg6[%swap3A_311, %swap3A_312], %add3A_309 {strides = array<i32>} : memref<4x128xi32, #tpu.memory_space<vmem>>, vector<16xi32>,
    %mul3A_314 = arith.constant 512 : i32
    %mul3A_315 = arith.muli %arg1, %mul3A_314 : i32
    %add3A_316 = arith.constant 384 : i32
    %add3A_317 = arith.addi %mul3A_315, %add3A_316 : i32
    %add3A_318 = arith.constant 32 : i32
    %add3A_319 = arith.addi %add3A_317, %add3A_318 : i32
    %add3A_320 = vector.broadcast %add3A_319 : i32 to vector<16xi32>
    %add3A_321 = arith.addi %add3A_320, %iota3A : vector<16xi32>
    %swap3A_322 = arith.constant 3 : i32
    %swap3A_323 = arith.index_cast %swap3A_322 : i32 to index
    %swap3A_324 = arith.constant 32 : index
    %swap3A_325 = tpu.vector_load %arg6[%swap3A_323, %swap3A_324] {strides = array<i32>} : memref<4x128xi32, #tpu.memory_space<vmem>>, vector<16xi32>,
    tpu.vector_store %arg6[%swap3A_323, %swap3A_324], %add3A_321 {strides = array<i32>} : memref<4x128xi32, #tpu.memory_space<vmem>>, vector<16xi32>,
    %mul3A_326 = arith.constant 512 : i32
    %mul3A_327 = arith.muli %arg1, %mul3A_326 : i32
    %add3A_328 = arith.constant 384 : i32
    %add3A_329 = arith.addi %mul3A_327, %add3A_328 : i32
    %add3A_330 = arith.constant 48 : i32
    %add3A_331 = arith.addi %add3A_329, %add3A_330 : i32
    %add3A_332 = vector.broadcast %add3A_331 : i32 to vector<16xi32>
    %add3A_333 = arith.addi %add3A_332, %iota3A : vector<16xi32>
    %swap3A_334 = arith.constant 3 : i32
    %swap3A_335 = arith.index_cast %swap3A_334 : i32 to index
    %swap3A_336 = arith.constant 48 : index
    %swap3A_337 = tpu.vector_load %arg6[%swap3A_335, %swap3A_336] {strides = array<i32>} : memref<4x128xi32, #tpu.memory_space<vmem>>, vector<16xi32>,
    tpu.vector_store %arg6[%swap3A_335, %swap3A_336], %add3A_333 {strides = array<i32>} : memref<4x128xi32, #tpu.memory_space<vmem>>, vector<16xi32>,
    %mul3A_338 = arith.constant 512 : i32
    %mul3A_339 = arith.muli %arg1, %mul3A_338 : i32
    %add3A_340 = arith.constant 384 : i32
    %add3A_341 = arith.addi %mul3A_339, %add3A_340 : i32
    %add3A_342 = arith.constant 64 : i32
    %add3A_343 = arith.addi %add3A_341, %add3A_342 : i32
    %add3A_344 = vector.broadcast %add3A_343 : i32 to vector<16xi32>
    %add3A_345 = arith.addi %add3A_344, %iota3A : vector<16xi32>
    %swap3A_346 = arith.constant 3 : i32
    %swap3A_347 = arith.index_cast %swap3A_346 : i32 to index
    %swap3A_348 = arith.constant 64 : index
    %swap3A_349 = tpu.vector_load %arg6[%swap3A_347, %swap3A_348] {strides = array<i32>} : memref<4x128xi32, #tpu.memory_space<vmem>>, vector<16xi32>,
    tpu.vector_store %arg6[%swap3A_347, %swap3A_348], %add3A_345 {strides = array<i32>} : memref<4x128xi32, #tpu.memory_space<vmem>>, vector<16xi32>,
    %mul3A_350 = arith.constant 512 : i32
    %mul3A_351 = arith.muli %arg1, %mul3A_350 : i32
    %add3A_352 = arith.constant 384 : i32
    %add3A_353 = arith.addi %mul3A_351, %add3A_352 : i32
    %add3A_354 = arith.constant 80 : i32
    %add3A_355 = arith.addi %add3A_353, %add3A_354 : i32
    %add3A_356 = vector.broadcast %add3A_355 : i32 to vector<16xi32>
    %add3A_357 = arith.addi %add3A_356, %iota3A : vector<16xi32>
    %swap3A_358 = arith.constant 3 : i32
    %swap3A_359 = arith.index_cast %swap3A_358 : i32 to index
    %swap3A_360 = arith.constant 80 : index
    %swap3A_361 = tpu.vector_load %arg6[%swap3A_359, %swap3A_360] {strides = array<i32>} : memref<4x128xi32, #tpu.memory_space<vmem>>, vector<16xi32>,
    tpu.vector_store %arg6[%swap3A_359, %swap3A_360], %add3A_357 {strides = array<i32>} : memref<4x128xi32, #tpu.memory_space<vmem>>, vector<16xi32>,
    %mul3A_362 = arith.constant 512 : i32
    %mul3A_363 = arith.muli %arg1, %mul3A_362 : i32
    %add3A_364 = arith.constant 384 : i32
    %add3A_365 = arith.addi %mul3A_363, %add3A_364 : i32
    %add3A_366 = arith.constant 96 : i32
    %add3A_367 = arith.addi %add3A_365, %add3A_366 : i32
    %add3A_368 = vector.broadcast %add3A_367 : i32 to vector<16xi32>
    %add3A_369 = arith.addi %add3A_368, %iota3A : vector<16xi32>
    %swap3A_370 = arith.constant 3 : i32
    %swap3A_371 = arith.index_cast %swap3A_370 : i32 to index
    %swap3A_372 = arith.constant 96 : index
    %swap3A_373 = tpu.vector_load %arg6[%swap3A_371, %swap3A_372] {strides = array<i32>} : memref<4x128xi32, #tpu.memory_space<vmem>>, vector<16xi32>,
    tpu.vector_store %arg6[%swap3A_371, %swap3A_372], %add3A_369 {strides = array<i32>} : memref<4x128xi32, #tpu.memory_space<vmem>>, vector<16xi32>,
    %mul3A_374 = arith.constant 512 : i32
    %mul3A_375 = arith.muli %arg1, %mul3A_374 : i32
    %add3A_376 = arith.constant 384 : i32
    %add3A_377 = arith.addi %mul3A_375, %add3A_376 : i32
    %add3A_378 = arith.constant 112 : i32
    %add3A_379 = arith.addi %add3A_377, %add3A_378 : i32
    %add3A_380 = vector.broadcast %add3A_379 : i32 to vector<16xi32>
    %add3A_381 = arith.addi %add3A_380, %iota3A : vector<16xi32>
    %swap3A_382 = arith.constant 3 : i32
    %swap3A_383 = arith.index_cast %swap3A_382 : i32 to index
    %swap3A_384 = arith.constant 112 : index
    %swap3A_385 = tpu.vector_load %arg6[%swap3A_383, %swap3A_384] {strides = array<i32>} : memref<4x128xi32, #tpu.memory_space<vmem>>, vector<16xi32>,
    tpu.vector_store %arg6[%swap3A_383, %swap3A_384], %add3A_381 {strides = array<i32>} : memref<4x128xi32, #tpu.memory_space<vmem>>, vector<16xi32>,
    %scan3A = arith.constant 0 : i32
    %scan3A_386 = arith.constant 0 : i32
    %scan3A_387 = arith.constant 0 : i32
    %scan3A_388 = arith.constant 128 : i32
    %scan3A_389 = arith.addi %scan3A_387, %scan3A_388 : i32
    %scan3A_390 = arith.constant 1 : i32
    scf.for %scan3A_427 = %scan3A_387 to %scan3A_389 step %scan3A_390  : i32 {
      %broadcast_in_dim3A = arith.constant 0.000000e+00 : f32
      %broadcast_in_dim3A_428 = vector.broadcast %broadcast_in_dim3A : f32 to vector<16xf32>
      %swap3A_429 = arith.constant 0 : i32
      %swap3A_430 = arith.constant 0 : i32
      %swap3A_431 = tpu.memref_slice %arg7[%scan3A_386, %swap3A_429, %swap3A_430] : memref<2x128x128xf32, #tpu.memory_space<vmem>> -> memref<1x128x128xf32, #tpu.memory_space<vmem>>
      %swap3A_432 = tpu.memref_squeeze %swap3A_431 : memref<1x128x128xf32, #tpu.memory_space<vmem>> -> memref<128x128xf32, #tpu.memory_space<vmem>>
      %swap3A_433 = arith.index_cast %scan3A_427 : i32 to index
      %swap3A_434 = arith.constant 0 : index
      %swap3A_435 = tpu.vector_load %swap3A_432[%swap3A_433, %swap3A_434] {strides = array<i32>} : memref<128x128xf32, #tpu.memory_space<vmem>>, vector<16xf32>,
      tpu.vector_store %swap3A_432[%swap3A_433, %swap3A_434], %broadcast_in_dim3A_428 {strides = array<i32>} : memref<128x128xf32, #tpu.memory_space<vmem>>, vector<16xf32>,
      %swap3A_436 = arith.constant 0 : i32
      %swap3A_437 = arith.constant 0 : i32
      %swap3A_438 = tpu.memref_slice %arg7[%scan3A_386, %swap3A_436, %swap3A_437] : memref<2x128x128xf32, #tpu.memory_space<vmem>> -> memref<1x128x128xf32, #tpu.memory_space<vmem>>
      %swap3A_439 = tpu.memref_squeeze %swap3A_438 : memref<1x128x128xf32, #tpu.memory_space<vmem>> -> memref<128x128xf32, #tpu.memory_space<vmem>>
      %swap3A_440 = arith.index_cast %scan3A_427 : i32 to index
      %swap3A_441 = arith.constant 16 : index
      %swap3A_442 = tpu.vector_load %swap3A_439[%swap3A_440, %swap3A_441] {strides = array<i32>} : memref<128x128xf32, #tpu.memory_space<vmem>>, vector<16xf32>,
      tpu.vector_store %swap3A_439[%swap3A_440, %swap3A_441], %broadcast_in_dim3A_428 {strides = array<i32>} : memref<128x128xf32, #tpu.memory_space<vmem>>, vector<16xf32>,
      %swap3A_443 = arith.constant 0 : i32
      %swap3A_444 = arith.constant 0 : i32
      %swap3A_445 = tpu.memref_slice %arg7[%scan3A_386, %swap3A_443, %swap3A_444] : memref<2x128x128xf32, #tpu.memory_space<vmem>> -> memref<1x128x128xf32, #tpu.memory_space<vmem>>
      %swap3A_446 = tpu.memref_squeeze %swap3A_445 : memref<1x128x128xf32, #tpu.memory_space<vmem>> -> memref<128x128xf32, #tpu.memory_space<vmem>>
      %swap3A_447 = arith.index_cast %scan3A_427 : i32 to index
      %swap3A_448 = arith.constant 32 : index
      %swap3A_449 = tpu.vector_load %swap3A_446[%swap3A_447, %swap3A_448] {strides = array<i32>} : memref<128x128xf32, #tpu.memory_space<vmem>>, vector<16xf32>,
      tpu.vector_store %swap3A_446[%swap3A_447, %swap3A_448], %broadcast_in_dim3A_428 {strides = array<i32>} : memref<128x128xf32, #tpu.memory_space<vmem>>, vector<16xf32>,
      %swap3A_450 = arith.constant 0 : i32
      %swap3A_451 = arith.constant 0 : i32
      %swap3A_452 = tpu.memref_slice %arg7[%scan3A_386, %swap3A_450, %swap3A_451] : memref<2x128x128xf32, #tpu.memory_space<vmem>> -> memref<1x128x128xf32, #tpu.memory_space<vmem>>
      %swap3A_453 = tpu.memref_squeeze %swap3A_452 : memref<1x128x128xf32, #tpu.memory_space<vmem>> -> memref<128x128xf32, #tpu.memory_space<vmem>>
      %swap3A_454 = arith.index_cast %scan3A_427 : i32 to index
      %swap3A_455 = arith.constant 48 : index
      %swap3A_456 = tpu.vector_load %swap3A_453[%swap3A_454, %swap3A_455] {strides = array<i32>} : memref<128x128xf32, #tpu.memory_space<vmem>>, vector<16xf32>,
      tpu.vector_store %swap3A_453[%swap3A_454, %swap3A_455], %broadcast_in_dim3A_428 {strides = array<i32>} : memref<128x128xf32, #tpu.memory_space<vmem>>, vector<16xf32>,
      %swap3A_457 = arith.constant 0 : i32
      %swap3A_458 = arith.constant 0 : i32
      %swap3A_459 = tpu.memref_slice %arg7[%scan3A_386, %swap3A_457, %swap3A_458] : memref<2x128x128xf32, #tpu.memory_space<vmem>> -> memref<1x128x128xf32, #tpu.memory_space<vmem>>
      %swap3A_460 = tpu.memref_squeeze %swap3A_459 : memref<1x128x128xf32, #tpu.memory_space<vmem>> -> memref<128x128xf32, #tpu.memory_space<vmem>>
      %swap3A_461 = arith.index_cast %scan3A_427 : i32 to index
      %swap3A_462 = arith.constant 64 : index
      %swap3A_463 = tpu.vector_load %swap3A_460[%swap3A_461, %swap3A_462] {strides = array<i32>} : memref<128x128xf32, #tpu.memory_space<vmem>>, vector<16xf32>,
      tpu.vector_store %swap3A_460[%swap3A_461, %swap3A_462], %broadcast_in_dim3A_428 {strides = array<i32>} : memref<128x128xf32, #tpu.memory_space<vmem>>, vector<16xf32>,
      %swap3A_464 = arith.constant 0 : i32
      %swap3A_465 = arith.constant 0 : i32
      %swap3A_466 = tpu.memref_slice %arg7[%scan3A_386, %swap3A_464, %swap3A_465] : memref<2x128x128xf32, #tpu.memory_space<vmem>> -> memref<1x128x128xf32, #tpu.memory_space<vmem>>
      %swap3A_467 = tpu.memref_squeeze %swap3A_466 : memref<1x128x128xf32, #tpu.memory_space<vmem>> -> memref<128x128xf32, #tpu.memory_space<vmem>>
      %swap3A_468 = arith.index_cast %scan3A_427 : i32 to index
      %swap3A_469 = arith.constant 80 : index
      %swap3A_470 = tpu.vector_load %swap3A_467[%swap3A_468, %swap3A_469] {strides = array<i32>} : memref<128x128xf32, #tpu.memory_space<vmem>>, vector<16xf32>,
      tpu.vector_store %swap3A_467[%swap3A_468, %swap3A_469], %broadcast_in_dim3A_428 {strides = array<i32>} : memref<128x128xf32, #tpu.memory_space<vmem>>, vector<16xf32>,
      %swap3A_471 = arith.constant 0 : i32
      %swap3A_472 = arith.constant 0 : i32
      %swap3A_473 = tpu.memref_slice %arg7[%scan3A_386, %swap3A_471, %swap3A_472] : memref<2x128x128xf32, #tpu.memory_space<vmem>> -> memref<1x128x128xf32, #tpu.memory_space<vmem>>
      %swap3A_474 = tpu.memref_squeeze %swap3A_473 : memref<1x128x128xf32, #tpu.memory_space<vmem>> -> memref<128x128xf32, #tpu.memory_space<vmem>>
      %swap3A_475 = arith.index_cast %scan3A_427 : i32 to index
      %swap3A_476 = arith.constant 96 : index
      %swap3A_477 = tpu.vector_load %swap3A_474[%swap3A_475, %swap3A_476] {strides = array<i32>} : memref<128x128xf32, #tpu.memory_space<vmem>>, vector<16xf32>,
      tpu.vector_store %swap3A_474[%swap3A_475, %swap3A_476], %broadcast_in_dim3A_428 {strides = array<i32>} : memref<128x128xf32, #tpu.memory_space<vmem>>, vector<16xf32>,
      %swap3A_478 = arith.constant 0 : i32
      %swap3A_479 = arith.constant 0 : i32
      %swap3A_480 = tpu.memref_slice %arg7[%scan3A_386, %swap3A_478, %swap3A_479] : memref<2x128x128xf32, #tpu.memory_space<vmem>> -> memref<1x128x128xf32, #tpu.memory_space<vmem>>
      %swap3A_481 = tpu.memref_squeeze %swap3A_480 : memref<1x128x128xf32, #tpu.memory_space<vmem>> -> memref<128x128xf32, #tpu.memory_space<vmem>>
      %swap3A_482 = arith.index_cast %scan3A_427 : i32 to index
      %swap3A_483 = arith.constant 112 : index
      %swap3A_484 = tpu.vector_load %swap3A_481[%swap3A_482, %swap3A_483] {strides = array<i32>} : memref<128x128xf32, #tpu.memory_space<vmem>>, vector<16xf32>,
      tpu.vector_store %swap3A_481[%swap3A_482, %swap3A_483], %broadcast_in_dim3A_428 {strides = array<i32>} : memref<128x128xf32, #tpu.memory_space<vmem>>, vector<16xf32>,
    }
    %scan3A_391 = arith.constant 128 : i32
    %mul3A_392 = arith.constant 512 : i32
    %mul3A_393 = arith.muli %arg1, %mul3A_392 : i32
    %add3A_394 = arith.constant 0 : i32
    %add3A_395 = arith.addi %mul3A_393, %add3A_394 : i32
    %run_scoped3A = arith.constant 0 : i32
    "tpu.region"() ({
      %run_scoped3A_427 = tpu.sem_alloc : memref<!tpu.dma_semaphore, #tpu.memory_space<semaphore_mem>>
      %dma_start3A = arith.constant 0 : i32
      %dma_start3A_428 = arith.constant 0 : i32
      %dma_start3A_429 = tpu.memref_slice %arg7[%run_scoped3A, %dma_start3A, %dma_start3A_428] : memref<2x128x128xf32, #tpu.memory_space<vmem>> -> memref<1x128x128xf32, #tpu.memory_space<vmem>>
      %dma_start3A_430 = tpu.memref_squeeze %dma_start3A_429 : memref<1x128x128xf32, #tpu.memory_space<vmem>> -> memref<128x128xf32, #tpu.memory_space<vmem>>
      %dma_start3A_431 = arith.constant 0 : i32
      %dma_start3A_432 = tpu.memref_slice %arg8[%add3A_395, %dma_start3A_431] : memref<8192x128xf32, #tpu.memory_space<vmem_shared>> -> memref<128x128xf32, #tpu.memory_space<vmem_shared>>
      %dma_start3A_433 = arith.constant 0 : i32
      %dma_start3A_434 = tpu.memref_slice %arg8[%add3A_395, %dma_start3A_433] : memref<8192x128xf32, #tpu.memory_space<vmem_shared>> -> memref<128x128xf32, #tpu.memory_space<vmem_shared>>
      %dma_start3A_435 = arith.constant 0 : i32
      %dma_start3A_436 = arith.constant 0 : i32
      %dma_start3A_437 = tpu.memref_slice %arg7[%run_scoped3A, %dma_start3A_435, %dma_start3A_436] : memref<2x128x128xf32, #tpu.memory_space<vmem>> -> memref<1x128x128xf32, #tpu.memory_space<vmem>>
      %dma_start3A_438 = tpu.memref_squeeze %dma_start3A_437 : memref<1x128x128xf32, #tpu.memory_space<vmem>> -> memref<128x128xf32, #tpu.memory_space<vmem>>
      tpu.enqueue_dma source(%dma_start3A_438 : memref<128x128xf32, #tpu.memory_space<vmem>>) target(%dma_start3A_434 : memref<128x128xf32, #tpu.memory_space<vmem_shared>>) target_semaphore(%run_scoped3A_427 : memref<!tpu.dma_semaphore, #tpu.memory_space<semaphore_mem>>)
      %dma_wait3A = arith.constant 0 : i32
      %dma_wait3A_439 = arith.constant 0 : i32
      %dma_wait3A_440 = tpu.memref_slice %arg7[%run_scoped3A, %dma_wait3A, %dma_wait3A_439] : memref<2x128x128xf32, #tpu.memory_space<vmem>> -> memref<1x128x128xf32, #tpu.memory_space<vmem>>
      %dma_wait3A_441 = tpu.memref_squeeze %dma_wait3A_440 : memref<1x128x128xf32, #tpu.memory_space<vmem>> -> memref<128x128xf32, #tpu.memory_space<vmem>>
      %dma_wait3A_442 = arith.constant 0 : i32
      %dma_wait3A_443 = tpu.memref_slice %arg8[%add3A_395, %dma_wait3A_442] : memref<8192x128xf32, #tpu.memory_space<vmem_shared>> -> memref<128x128xf32, #tpu.memory_space<vmem_shared>>
      %dma_wait3A_444 = arith.constant 0 : i32
      %dma_wait3A_445 = tpu.memref_slice %arg8[%add3A_395, %dma_wait3A_444] : memref<8192x128xf32, #tpu.memory_space<vmem_shared>> -> memref<128x128xf32, #tpu.memory_space<vmem_shared>>
      %dma_wait3A_446 = arith.constant 0 : i32
      %dma_wait3A_447 = arith.constant 0 : i32
      %dma_wait3A_448 = tpu.memref_slice %arg7[%run_scoped3A, %dma_wait3A_446, %dma_wait3A_447] : memref<2x128x128xf32, #tpu.memory_space<vmem>> -> memref<1x128x128xf32, #tpu.memory_space<vmem>>
      %dma_wait3A_449 = tpu.memref_squeeze %dma_wait3A_448 : memref<1x128x128xf32, #tpu.memory_space<vmem>> -> memref<128x128xf32, #tpu.memory_space<vmem>>
      tpu.wait_dma2 semaphore(%run_scoped3A_427 : memref<!tpu.dma_semaphore, #tpu.memory_space<semaphore_mem>>) src(%dma_wait3A_449 : memref<128x128xf32, #tpu.memory_space<vmem>>) dst(%dma_wait3A_445 : memref<128x128xf32, #tpu.memory_space<vmem_shared>>)
      tpu.yield
    }) : () -> ()
    %mul3A_396 = arith.constant 512 : i32
    %mul3A_397 = arith.muli %arg1, %mul3A_396 : i32
    %add3A_398 = arith.constant 128 : i32
    %add3A_399 = arith.addi %mul3A_397, %add3A_398 : i32
    %run_scoped3A_400 = arith.constant 0 : i32
    "tpu.region"() ({
      %run_scoped3A_427 = tpu.sem_alloc : memref<!tpu.dma_semaphore, #tpu.memory_space<semaphore_mem>>
      %dma_start3A = arith.constant 0 : i32
      %dma_start3A_428 = arith.constant 0 : i32
      %dma_start3A_429 = tpu.memref_slice %arg7[%run_scoped3A_400, %dma_start3A, %dma_start3A_428] : memref<2x128x128xf32, #tpu.memory_space<vmem>> -> memref<1x128x128xf32, #tpu.memory_space<vmem>>
      %dma_start3A_430 = tpu.memref_squeeze %dma_start3A_429 : memref<1x128x128xf32, #tpu.memory_space<vmem>> -> memref<128x128xf32, #tpu.memory_space<vmem>>
      %dma_start3A_431 = arith.constant 0 : i32
      %dma_start3A_432 = tpu.memref_slice %arg8[%add3A_399, %dma_start3A_431] : memref<8192x128xf32, #tpu.memory_space<vmem_shared>> -> memref<128x128xf32, #tpu.memory_space<vmem_shared>>
      %dma_start3A_433 = arith.constant 0 : i32
      %dma_start3A_434 = tpu.memref_slice %arg8[%add3A_399, %dma_start3A_433] : memref<8192x128xf32, #tpu.memory_space<vmem_shared>> -> memref<128x128xf32, #tpu.memory_space<vmem_shared>>
      %dma_start3A_435 = arith.constant 0 : i32
      %dma_start3A_436 = arith.constant 0 : i32
      %dma_start3A_437 = tpu.memref_slice %arg7[%run_scoped3A_400, %dma_start3A_435, %dma_start3A_436] : memref<2x128x128xf32, #tpu.memory_space<vmem>> -> memref<1x128x128xf32, #tpu.memory_space<vmem>>
      %dma_start3A_438 = tpu.memref_squeeze %dma_start3A_437 : memref<1x128x128xf32, #tpu.memory_space<vmem>> -> memref<128x128xf32, #tpu.memory_space<vmem>>
      tpu.enqueue_dma source(%dma_start3A_438 : memref<128x128xf32, #tpu.memory_space<vmem>>) target(%dma_start3A_434 : memref<128x128xf32, #tpu.memory_space<vmem_shared>>) target_semaphore(%run_scoped3A_427 : memref<!tpu.dma_semaphore, #tpu.memory_space<semaphore_mem>>)
      %dma_wait3A = arith.constant 0 : i32
      %dma_wait3A_439 = arith.constant 0 : i32
      %dma_wait3A_440 = tpu.memref_slice %arg7[%run_scoped3A_400, %dma_wait3A, %dma_wait3A_439] : memref<2x128x128xf32, #tpu.memory_space<vmem>> -> memref<1x128x128xf32, #tpu.memory_space<vmem>>
      %dma_wait3A_441 = tpu.memref_squeeze %dma_wait3A_440 : memref<1x128x128xf32, #tpu.memory_space<vmem>> -> memref<128x128xf32, #tpu.memory_space<vmem>>
      %dma_wait3A_442 = arith.constant 0 : i32
      %dma_wait3A_443 = tpu.memref_slice %arg8[%add3A_399, %dma_wait3A_442] : memref<8192x128xf32, #tpu.memory_space<vmem_shared>> -> memref<128x128xf32, #tpu.memory_space<vmem_shared>>
      %dma_wait3A_444 = arith.constant 0 : i32
      %dma_wait3A_445 = tpu.memref_slice %arg8[%add3A_399, %dma_wait3A_444] : memref<8192x128xf32, #tpu.memory_space<vmem_shared>> -> memref<128x128xf32, #tpu.memory_space<vmem_shared>>
      %dma_wait3A_446 = arith.constant 0 : i32
      %dma_wait3A_447 = arith.constant 0 : i32
      %dma_wait3A_448 = tpu.memref_slice %arg7[%run_scoped3A_400, %dma_wait3A_446, %dma_wait3A_447] : memref<2x128x128xf32, #tpu.memory_space<vmem>> -> memref<1x128x128xf32, #tpu.memory_space<vmem>>
      %dma_wait3A_449 = tpu.memref_squeeze %dma_wait3A_448 : memref<1x128x128xf32, #tpu.memory_space<vmem>> -> memref<128x128xf32, #tpu.memory_space<vmem>>
      tpu.wait_dma2 semaphore(%run_scoped3A_427 : memref<!tpu.dma_semaphore, #tpu.memory_space<semaphore_mem>>) src(%dma_wait3A_449 : memref<128x128xf32, #tpu.memory_space<vmem>>) dst(%dma_wait3A_445 : memref<128x128xf32, #tpu.memory_space<vmem_shared>>)
      tpu.yield
    }) : () -> ()
    %mul3A_401 = arith.constant 512 : i32
    %mul3A_402 = arith.muli %arg1, %mul3A_401 : i32
    %add3A_403 = arith.constant 256 : i32
    %add3A_404 = arith.addi %mul3A_402, %add3A_403 : i32
    %run_scoped3A_405 = arith.constant 0 : i32
    "tpu.region"() ({
      %run_scoped3A_427 = tpu.sem_alloc : memref<!tpu.dma_semaphore, #tpu.memory_space<semaphore_mem>>
      %dma_start3A = arith.constant 0 : i32
      %dma_start3A_428 = arith.constant 0 : i32
      %dma_start3A_429 = tpu.memref_slice %arg7[%run_scoped3A_405, %dma_start3A, %dma_start3A_428] : memref<2x128x128xf32, #tpu.memory_space<vmem>> -> memref<1x128x128xf32, #tpu.memory_space<vmem>>
      %dma_start3A_430 = tpu.memref_squeeze %dma_start3A_429 : memref<1x128x128xf32, #tpu.memory_space<vmem>> -> memref<128x128xf32, #tpu.memory_space<vmem>>
      %dma_start3A_431 = arith.constant 0 : i32
      %dma_start3A_432 = tpu.memref_slice %arg8[%add3A_404, %dma_start3A_431] : memref<8192x128xf32, #tpu.memory_space<vmem_shared>> -> memref<128x128xf32, #tpu.memory_space<vmem_shared>>
      %dma_start3A_433 = arith.constant 0 : i32
      %dma_start3A_434 = tpu.memref_slice %arg8[%add3A_404, %dma_start3A_433] : memref<8192x128xf32, #tpu.memory_space<vmem_shared>> -> memref<128x128xf32, #tpu.memory_space<vmem_shared>>
      %dma_start3A_435 = arith.constant 0 : i32
      %dma_start3A_436 = arith.constant 0 : i32
      %dma_start3A_437 = tpu.memref_slice %arg7[%run_scoped3A_405, %dma_start3A_435, %dma_start3A_436] : memref<2x128x128xf32, #tpu.memory_space<vmem>> -> memref<1x128x128xf32, #tpu.memory_space<vmem>>
      %dma_start3A_438 = tpu.memref_squeeze %dma_start3A_437 : memref<1x128x128xf32, #tpu.memory_space<vmem>> -> memref<128x128xf32, #tpu.memory_space<vmem>>
      tpu.enqueue_dma source(%dma_start3A_438 : memref<128x128xf32, #tpu.memory_space<vmem>>) target(%dma_start3A_434 : memref<128x128xf32, #tpu.memory_space<vmem_shared>>) target_semaphore(%run_scoped3A_427 : memref<!tpu.dma_semaphore, #tpu.memory_space<semaphore_mem>>)
      %dma_wait3A = arith.constant 0 : i32
      %dma_wait3A_439 = arith.constant 0 : i32
      %dma_wait3A_440 = tpu.memref_slice %arg7[%run_scoped3A_405, %dma_wait3A, %dma_wait3A_439] : memref<2x128x128xf32, #tpu.memory_space<vmem>> -> memref<1x128x128xf32, #tpu.memory_space<vmem>>
      %dma_wait3A_441 = tpu.memref_squeeze %dma_wait3A_440 : memref<1x128x128xf32, #tpu.memory_space<vmem>> -> memref<128x128xf32, #tpu.memory_space<vmem>>
      %dma_wait3A_442 = arith.constant 0 : i32
      %dma_wait3A_443 = tpu.memref_slice %arg8[%add3A_404, %dma_wait3A_442] : memref<8192x128xf32, #tpu.memory_space<vmem_shared>> -> memref<128x128xf32, #tpu.memory_space<vmem_shared>>
      %dma_wait3A_444 = arith.constant 0 : i32
      %dma_wait3A_445 = tpu.memref_slice %arg8[%add3A_404, %dma_wait3A_444] : memref<8192x128xf32, #tpu.memory_space<vmem_shared>> -> memref<128x128xf32, #tpu.memory_space<vmem_shared>>
      %dma_wait3A_446 = arith.constant 0 : i32
      %dma_wait3A_447 = arith.constant 0 : i32
      %dma_wait3A_448 = tpu.memref_slice %arg7[%run_scoped3A_405, %dma_wait3A_446, %dma_wait3A_447] : memref<2x128x128xf32, #tpu.memory_space<vmem>> -> memref<1x128x128xf32, #tpu.memory_space<vmem>>
      %dma_wait3A_449 = tpu.memref_squeeze %dma_wait3A_448 : memref<1x128x128xf32, #tpu.memory_space<vmem>> -> memref<128x128xf32, #tpu.memory_space<vmem>>
      tpu.wait_dma2 semaphore(%run_scoped3A_427 : memref<!tpu.dma_semaphore, #tpu.memory_space<semaphore_mem>>) src(%dma_wait3A_449 : memref<128x128xf32, #tpu.memory_space<vmem>>) dst(%dma_wait3A_445 : memref<128x128xf32, #tpu.memory_space<vmem_shared>>)
      tpu.yield
    }) : () -> ()
    %mul3A_406 = arith.constant 512 : i32
    %mul3A_407 = arith.muli %arg1, %mul3A_406 : i32
    %add3A_408 = arith.constant 384 : i32
    %add3A_409 = arith.addi %mul3A_407, %add3A_408 : i32
    %run_scoped3A_410 = arith.constant 0 : i32
    "tpu.region"() ({
      %run_scoped3A_427 = tpu.sem_alloc : memref<!tpu.dma_semaphore, #tpu.memory_space<semaphore_mem>>
      %dma_start3A = arith.constant 0 : i32
      %dma_start3A_428 = arith.constant 0 : i32
      %dma_start3A_429 = tpu.memref_slice %arg7[%run_scoped3A_410, %dma_start3A, %dma_start3A_428] : memref<2x128x128xf32, #tpu.memory_space<vmem>> -> memref<1x128x128xf32, #tpu.memory_space<vmem>>
      %dma_start3A_430 = tpu.memref_squeeze %dma_start3A_429 : memref<1x128x128xf32, #tpu.memory_space<vmem>> -> memref<128x128xf32, #tpu.memory_space<vmem>>
      %dma_start3A_431 = arith.constant 0 : i32
      %dma_start3A_432 = tpu.memref_slice %arg8[%add3A_409, %dma_start3A_431] : memref<8192x128xf32, #tpu.memory_space<vmem_shared>> -> memref<128x128xf32, #tpu.memory_space<vmem_shared>>
      %dma_start3A_433 = arith.constant 0 : i32
      %dma_start3A_434 = tpu.memref_slice %arg8[%add3A_409, %dma_start3A_433] : memref<8192x128xf32, #tpu.memory_space<vmem_shared>> -> memref<128x128xf32, #tpu.memory_space<vmem_shared>>
      %dma_start3A_435 = arith.constant 0 : i32
      %dma_start3A_436 = arith.constant 0 : i32
      %dma_start3A_437 = tpu.memref_slice %arg7[%run_scoped3A_410, %dma_start3A_435, %dma_start3A_436] : memref<2x128x128xf32, #tpu.memory_space<vmem>> -> memref<1x128x128xf32, #tpu.memory_space<vmem>>
      %dma_start3A_438 = tpu.memref_squeeze %dma_start3A_437 : memref<1x128x128xf32, #tpu.memory_space<vmem>> -> memref<128x128xf32, #tpu.memory_space<vmem>>
      tpu.enqueue_dma source(%dma_start3A_438 : memref<128x128xf32, #tpu.memory_space<vmem>>) target(%dma_start3A_434 : memref<128x128xf32, #tpu.memory_space<vmem_shared>>) target_semaphore(%run_scoped3A_427 : memref<!tpu.dma_semaphore, #tpu.memory_space<semaphore_mem>>)
      %dma_wait3A = arith.constant 0 : i32
      %dma_wait3A_439 = arith.constant 0 : i32
      %dma_wait3A_440 = tpu.memref_slice %arg7[%run_scoped3A_410, %dma_wait3A, %dma_wait3A_439] : memref<2x128x128xf32, #tpu.memory_space<vmem>> -> memref<1x128x128xf32, #tpu.memory_space<vmem>>
      %dma_wait3A_441 = tpu.memref_squeeze %dma_wait3A_440 : memref<1x128x128xf32, #tpu.memory_space<vmem>> -> memref<128x128xf32, #tpu.memory_space<vmem>>
      %dma_wait3A_442 = arith.constant 0 : i32
      %dma_wait3A_443 = tpu.memref_slice %arg8[%add3A_409, %dma_wait3A_442] : memref<8192x128xf32, #tpu.memory_space<vmem_shared>> -> memref<128x128xf32, #tpu.memory_space<vmem_shared>>
      %dma_wait3A_444 = arith.constant 0 : i32
      %dma_wait3A_445 = tpu.memref_slice %arg8[%add3A_409, %dma_wait3A_444] : memref<8192x128xf32, #tpu.memory_space<vmem_shared>> -> memref<128x128xf32, #tpu.memory_space<vmem_shared>>
      %dma_wait3A_446 = arith.constant 0 : i32
      %dma_wait3A_447 = arith.constant 0 : i32
      %dma_wait3A_448 = tpu.memref_slice %arg7[%run_scoped3A_410, %dma_wait3A_446, %dma_wait3A_447] : memref<2x128x128xf32, #tpu.memory_space<vmem>> -> memref<1x128x128xf32, #tpu.memory_space<vmem>>
      %dma_wait3A_449 = tpu.memref_squeeze %dma_wait3A_448 : memref<1x128x128xf32, #tpu.memory_space<vmem>> -> memref<128x128xf32, #tpu.memory_space<vmem>>
      tpu.wait_dma2 semaphore(%run_scoped3A_427 : memref<!tpu.dma_semaphore, #tpu.memory_space<semaphore_mem>>) src(%dma_wait3A_449 : memref<128x128xf32, #tpu.memory_space<vmem>>) dst(%dma_wait3A_445 : memref<128x128xf32, #tpu.memory_space<vmem_shared>>)
      tpu.yield
    }) : () -> ()
    "tpu.region"() ({
      %run_scoped3A_427 = tpu.sem_alloc : memref<!tpu.dma_semaphore, #tpu.memory_space<semaphore_mem>>
      %dma_start3A = arith.constant 0 : i32
      %dma_start3A_428 = arith.constant 0 : i32
      %dma_start3A_429 = tpu.memref_slice %arg3[%dma_start3A, %mul3A_2, %dma_start3A_428] : memref<50x128x128xi32, #tpu.memory_space<hbm>> -> memref<25x4x128xi32, #tpu.memory_space<hbm>>
      %dma_start3A_430 = arith.constant 0 : i32
      %dma_start3A_431 = arith.constant 0 : i32
      %dma_start3A_432 = tpu.memref_slice %arg3[%dma_start3A_430, %mul3A_2, %dma_start3A_431] : memref<50x128x128xi32, #tpu.memory_space<hbm>> -> memref<25x4x128xi32, #tpu.memory_space<hbm>>
      tpu.enqueue_dma source(%dma_start3A_432 : memref<25x4x128xi32, #tpu.memory_space<hbm>>) target(%arg5 : memref<25x4x128xi32, #tpu.memory_space<vmem>>) target_semaphore(%run_scoped3A_427 : memref<!tpu.dma_semaphore, #tpu.memory_space<semaphore_mem>>)
      %dma_wait3A = arith.constant 0 : i32
      %dma_wait3A_433 = arith.constant 0 : i32
      %dma_wait3A_434 = tpu.memref_slice %arg3[%dma_wait3A, %mul3A_2, %dma_wait3A_433] : memref<50x128x128xi32, #tpu.memory_space<hbm>> -> memref<25x4x128xi32, #tpu.memory_space<hbm>>
      %dma_wait3A_435 = arith.constant 0 : i32
      %dma_wait3A_436 = arith.constant 0 : i32
      %dma_wait3A_437 = tpu.memref_slice %arg3[%dma_wait3A_435, %mul3A_2, %dma_wait3A_436] : memref<50x128x128xi32, #tpu.memory_space<hbm>> -> memref<25x4x128xi32, #tpu.memory_space<hbm>>
      tpu.wait_dma2 semaphore(%run_scoped3A_427 : memref<!tpu.dma_semaphore, #tpu.memory_space<semaphore_mem>>) src(%dma_wait3A_437 : memref<25x4x128xi32, #tpu.memory_space<hbm>>) dst(%arg5 : memref<25x4x128xi32, #tpu.memory_space<vmem>>)
      tpu.yield
    }) : () -> ()
    %scan3A_411 = arith.constant 0 : i32
    %scan3A_412 = arith.constant 0 : i32
    %scan3A_413 = arith.constant 25 : i32
    %scan3A_414 = arith.addi %scan3A_412, %scan3A_413 : i32
    %scan3A_415 = arith.constant 1 : i32
    scf.for %scan3A_427 = %scan3A_412 to %scan3A_414 step %scan3A_415  : i32 {
      %dma_start3A = arith.constant 0 : i32
      %dma_start3A_428 = arith.constant 0 : i32
      %dma_start3A_429 = arith.constant 0 : i32
      %dma_start3A_430 = arith.constant 0 : i32
      %dma_start3A_431 = tpu.memref_slice %arg7[%dma_start3A_428, %dma_start3A_429, %dma_start3A_430] : memref<2x128x128xf32, #tpu.memory_space<vmem>> -> memref<1x128x128xf32, #tpu.memory_space<vmem>>
      %dma_start3A_432 = tpu.memref_squeeze %dma_start3A_431 : memref<1x128x128xf32, #tpu.memory_space<vmem>> -> memref<128x128xf32, #tpu.memory_space<vmem>>
      %dma_start3A_433 = arith.constant 0 : i32
      %dma_start3A_434 = tpu.memref_slice %arg5[%scan3A_427, %dma_start3A, %dma_start3A_433] : memref<25x4x128xi32, #tpu.memory_space<vmem>> -> memref<1x1x128xi32, #tpu.memory_space<vmem>>
      %dma_start3A_435 = tpu.memref_squeeze %dma_start3A_434 : memref<1x1x128xi32, #tpu.memory_space<vmem>> -> memref<128xi32, #tpu.memory_space<vmem>>
      %dma_start3A_436 = arith.constant 0 : i32
      %dma_start3A_437 = arith.constant 0 : i32
      %dma_start3A_438 = tpu.memref_slice %arg2[%dma_start3A_436, %dma_start3A_437] : memref<100001x128xf32, #tpu.memory_space<hbm>> -> memref<100001x128xf32, #tpu.memory_space<hbm>>
      tpu.enqueue_indirect_dma source(%dma_start3A_438 : memref<100001x128xf32, #tpu.memory_space<hbm>>) target(%dma_start3A_432 : memref<128x128xf32, #tpu.memory_space<vmem>>) offsets(%dma_start3A_435 : memref<128xi32, #tpu.memory_space<vmem>>) semaphore(%arg9 : memref<!tpu.dma_semaphore, #tpu.memory_space<semaphore_mem>>)
      %dma_start3A_439 = arith.constant 1 : i32
      %dma_start3A_440 = arith.constant 1 : i32
      %dma_start3A_441 = arith.constant 0 : i32
      %dma_start3A_442 = arith.constant 0 : i32
      %dma_start3A_443 = tpu.memref_slice %arg7[%dma_start3A_440, %dma_start3A_441, %dma_start3A_442] : memref<2x128x128xf32, #tpu.memory_space<vmem>> -> memref<1x128x128xf32, #tpu.memory_space<vmem>>
      %dma_start3A_444 = tpu.memref_squeeze %dma_start3A_443 : memref<1x128x128xf32, #tpu.memory_space<vmem>> -> memref<128x128xf32, #tpu.memory_space<vmem>>
      %dma_start3A_445 = arith.constant 0 : i32
      %dma_start3A_446 = tpu.memref_slice %arg5[%scan3A_427, %dma_start3A_439, %dma_start3A_445] : memref<25x4x128xi32, #tpu.memory_space<vmem>> -> memref<1x1x128xi32, #tpu.memory_space<vmem>>
      %dma_start3A_447 = tpu.memref_squeeze %dma_start3A_446 : memref<1x1x128xi32, #tpu.memory_space<vmem>> -> memref<128xi32, #tpu.memory_space<vmem>>
      %dma_start3A_448 = arith.constant 0 : i32
      %dma_start3A_449 = arith.constant 0 : i32
      %dma_start3A_450 = tpu.memref_slice %arg2[%dma_start3A_448, %dma_start3A_449] : memref<100001x128xf32, #tpu.memory_space<hbm>> -> memref<100001x128xf32, #tpu.memory_space<hbm>>
      tpu.enqueue_indirect_dma source(%dma_start3A_450 : memref<100001x128xf32, #tpu.memory_space<hbm>>) target(%dma_start3A_444 : memref<128x128xf32, #tpu.memory_space<vmem>>) offsets(%dma_start3A_447 : memref<128xi32, #tpu.memory_space<vmem>>) semaphore(%arg9 : memref<!tpu.dma_semaphore, #tpu.memory_space<semaphore_mem>>)
      %dma_wait3A = arith.constant 0 : i32
      %dma_wait3A_451 = arith.constant 0 : i32
      %dma_wait3A_452 = arith.constant 0 : i32
      %dma_wait3A_453 = arith.constant 0 : i32
      %dma_wait3A_454 = tpu.memref_slice %arg7[%dma_wait3A_451, %dma_wait3A_452, %dma_wait3A_453] : memref<2x128x128xf32, #tpu.memory_space<vmem>> -> memref<1x128x128xf32, #tpu.memory_space<vmem>>
      %dma_wait3A_455 = tpu.memref_squeeze %dma_wait3A_454 : memref<1x128x128xf32, #tpu.memory_space<vmem>> -> memref<128x128xf32, #tpu.memory_space<vmem>>
      %dma_wait3A_456 = arith.constant 0 : i32
      %dma_wait3A_457 = tpu.memref_slice %arg5[%scan3A_427, %dma_wait3A, %dma_wait3A_456] : memref<25x4x128xi32, #tpu.memory_space<vmem>> -> memref<1x1x128xi32, #tpu.memory_space<vmem>>
      %dma_wait3A_458 = tpu.memref_squeeze %dma_wait3A_457 : memref<1x1x128xi32, #tpu.memory_space<vmem>> -> memref<128xi32, #tpu.memory_space<vmem>>
      %dma_wait3A_459 = arith.constant 0 : i32
      %dma_wait3A_460 = arith.constant 0 : i32
      %dma_wait3A_461 = tpu.memref_slice %arg2[%dma_wait3A_459, %dma_wait3A_460] : memref<100001x128xf32, #tpu.memory_space<hbm>> -> memref<100001x128xf32, #tpu.memory_space<hbm>>
      tpu.wait_indirect_dma semaphore(%arg9 : memref<!tpu.dma_semaphore, #tpu.memory_space<semaphore_mem>>) src(%dma_wait3A_461 : memref<100001x128xf32, #tpu.memory_space<hbm>>) dst(%dma_wait3A_455 : memref<128x128xf32, #tpu.memory_space<vmem>>)
      %dma_wait3A_462 = arith.constant 1 : i32
      %dma_wait3A_463 = arith.constant 1 : i32
      %dma_wait3A_464 = arith.constant 0 : i32
      %dma_wait3A_465 = arith.constant 0 : i32
      %dma_wait3A_466 = tpu.memref_slice %arg7[%dma_wait3A_463, %dma_wait3A_464, %dma_wait3A_465] : memref<2x128x128xf32, #tpu.memory_space<vmem>> -> memref<1x128x128xf32, #tpu.memory_space<vmem>>
      %dma_wait3A_467 = tpu.memref_squeeze %dma_wait3A_466 : memref<1x128x128xf32, #tpu.memory_space<vmem>> -> memref<128x128xf32, #tpu.memory_space<vmem>>
      %dma_wait3A_468 = arith.constant 0 : i32
      %dma_wait3A_469 = tpu.memref_slice %arg5[%scan3A_427, %dma_wait3A_462, %dma_wait3A_468] : memref<25x4x128xi32, #tpu.memory_space<vmem>> -> memref<1x1x128xi32, #tpu.memory_space<vmem>>
      %dma_wait3A_470 = tpu.memref_squeeze %dma_wait3A_469 : memref<1x1x128xi32, #tpu.memory_space<vmem>> -> memref<128xi32, #tpu.memory_space<vmem>>
      %dma_wait3A_471 = arith.constant 0 : i32
      %dma_wait3A_472 = arith.constant 0 : i32
      %dma_wait3A_473 = tpu.memref_slice %arg2[%dma_wait3A_471, %dma_wait3A_472] : memref<100001x128xf32, #tpu.memory_space<hbm>> -> memref<100001x128xf32, #tpu.memory_space<hbm>>
      tpu.wait_indirect_dma semaphore(%arg9 : memref<!tpu.dma_semaphore, #tpu.memory_space<semaphore_mem>>) src(%dma_wait3A_473 : memref<100001x128xf32, #tpu.memory_space<hbm>>) dst(%dma_wait3A_467 : memref<128x128xf32, #tpu.memory_space<vmem>>)
      %dma_start3A_474 = arith.constant 0 : i32
      %dma_start3A_475 = arith.constant 0 : i32
      %dma_start3A_476 = arith.constant 0 : i32
      %dma_start3A_477 = arith.constant 0 : i32
      %dma_start3A_478 = tpu.memref_slice %arg7[%dma_start3A_474, %dma_start3A_476, %dma_start3A_477] : memref<2x128x128xf32, #tpu.memory_space<vmem>> -> memref<1x128x128xf32, #tpu.memory_space<vmem>>
      %dma_start3A_479 = tpu.memref_squeeze %dma_start3A_478 : memref<1x128x128xf32, #tpu.memory_space<vmem>> -> memref<128x128xf32, #tpu.memory_space<vmem>>
      %dma_start3A_480 = arith.constant 0 : i32
      %dma_start3A_481 = tpu.memref_slice %arg6[%dma_start3A_475, %dma_start3A_480] : memref<4x128xi32, #tpu.memory_space<vmem>> -> memref<1x128xi32, #tpu.memory_space<vmem>>
      %dma_start3A_482 = tpu.memref_squeeze %dma_start3A_481 : memref<1x128xi32, #tpu.memory_space<vmem>> -> memref<128xi32, #tpu.memory_space<vmem>>
      %dma_start3A_483 = arith.constant 0 : i32
      %dma_start3A_484 = arith.constant 0 : i32
      %dma_start3A_485 = tpu.memref_slice %arg8[%dma_start3A_483, %dma_start3A_484] : memref<8192x128xf32, #tpu.memory_space<vmem_shared>> -> memref<8192x128xf32, #tpu.memory_space<vmem_shared>>
      tpu.enqueue_indirect_dma source(%dma_start3A_479 : memref<128x128xf32, #tpu.memory_space<vmem>>) target(%dma_start3A_485 : memref<8192x128xf32, #tpu.memory_space<vmem_shared>>) offsets(%dma_start3A_482 : memref<128xi32, #tpu.memory_space<vmem>>) semaphore(%arg9 : memref<!tpu.dma_semaphore, #tpu.memory_space<semaphore_mem>>) {add = true}
      %dma_start3A_486 = arith.constant 1 : i32
      %dma_start3A_487 = arith.constant 1 : i32
      %dma_start3A_488 = arith.constant 0 : i32
      %dma_start3A_489 = arith.constant 0 : i32
      %dma_start3A_490 = tpu.memref_slice %arg7[%dma_start3A_486, %dma_start3A_488, %dma_start3A_489] : memref<2x128x128xf32, #tpu.memory_space<vmem>> -> memref<1x128x128xf32, #tpu.memory_space<vmem>>
      %dma_start3A_491 = tpu.memref_squeeze %dma_start3A_490 : memref<1x128x128xf32, #tpu.memory_space<vmem>> -> memref<128x128xf32, #tpu.memory_space<vmem>>
      %dma_start3A_492 = arith.constant 0 : i32
      %dma_start3A_493 = tpu.memref_slice %arg6[%dma_start3A_487, %dma_start3A_492] : memref<4x128xi32, #tpu.memory_space<vmem>> -> memref<1x128xi32, #tpu.memory_space<vmem>>
      %dma_start3A_494 = tpu.memref_squeeze %dma_start3A_493 : memref<1x128xi32, #tpu.memory_space<vmem>> -> memref<128xi32, #tpu.memory_space<vmem>>
      %dma_start3A_495 = arith.constant 0 : i32
      %dma_start3A_496 = arith.constant 0 : i32
      %dma_start3A_497 = tpu.memref_slice %arg8[%dma_start3A_495, %dma_start3A_496] : memref<8192x128xf32, #tpu.memory_space<vmem_shared>> -> memref<8192x128xf32, #tpu.memory_space<vmem_shared>>
      tpu.enqueue_indirect_dma source(%dma_start3A_491 : memref<128x128xf32, #tpu.memory_space<vmem>>) target(%dma_start3A_497 : memref<8192x128xf32, #tpu.memory_space<vmem_shared>>) offsets(%dma_start3A_494 : memref<128xi32, #tpu.memory_space<vmem>>) semaphore(%arg9 : memref<!tpu.dma_semaphore, #tpu.memory_space<semaphore_mem>>) {add = true}
      %dma_wait3A_498 = arith.constant 0 : i32
      %dma_wait3A_499 = arith.constant 0 : i32
      %dma_wait3A_500 = arith.constant 0 : i32
      %dma_wait3A_501 = arith.constant 0 : i32
      %dma_wait3A_502 = tpu.memref_slice %arg7[%dma_wait3A_498, %dma_wait3A_500, %dma_wait3A_501] : memref<2x128x128xf32, #tpu.memory_space<vmem>> -> memref<1x128x128xf32, #tpu.memory_space<vmem>>
      %dma_wait3A_503 = tpu.memref_squeeze %dma_wait3A_502 : memref<1x128x128xf32, #tpu.memory_space<vmem>> -> memref<128x128xf32, #tpu.memory_space<vmem>>
      %dma_wait3A_504 = arith.constant 0 : i32
      %dma_wait3A_505 = tpu.memref_slice %arg6[%dma_wait3A_499, %dma_wait3A_504] : memref<4x128xi32, #tpu.memory_space<vmem>> -> memref<1x128xi32, #tpu.memory_space<vmem>>
      %dma_wait3A_506 = tpu.memref_squeeze %dma_wait3A_505 : memref<1x128xi32, #tpu.memory_space<vmem>> -> memref<128xi32, #tpu.memory_space<vmem>>
      %dma_wait3A_507 = arith.constant 0 : i32
      %dma_wait3A_508 = arith.constant 0 : i32
      %dma_wait3A_509 = tpu.memref_slice %arg8[%dma_wait3A_507, %dma_wait3A_508] : memref<8192x128xf32, #tpu.memory_space<vmem_shared>> -> memref<8192x128xf32, #tpu.memory_space<vmem_shared>>
      tpu.wait_indirect_dma semaphore(%arg9 : memref<!tpu.dma_semaphore, #tpu.memory_space<semaphore_mem>>) src(%dma_wait3A_503 : memref<128x128xf32, #tpu.memory_space<vmem>>) dst(%dma_wait3A_509 : memref<8192x128xf32, #tpu.memory_space<vmem_shared>>)
      %dma_wait3A_510 = arith.constant 1 : i32
      %dma_wait3A_511 = arith.constant 1 : i32
      %dma_wait3A_512 = arith.constant 0 : i32
      %dma_wait3A_513 = arith.constant 0 : i32
      %dma_wait3A_514 = tpu.memref_slice %arg7[%dma_wait3A_510, %dma_wait3A_512, %dma_wait3A_513] : memref<2x128x128xf32, #tpu.memory_space<vmem>> -> memref<1x128x128xf32, #tpu.memory_space<vmem>>
      %dma_wait3A_515 = tpu.memref_squeeze %dma_wait3A_514 : memref<1x128x128xf32, #tpu.memory_space<vmem>> -> memref<128x128xf32, #tpu.memory_space<vmem>>
      %dma_wait3A_516 = arith.constant 0 : i32
      %dma_wait3A_517 = tpu.memref_slice %arg6[%dma_wait3A_511, %dma_wait3A_516] : memref<4x128xi32, #tpu.memory_space<vmem>> -> memref<1x128xi32, #tpu.memory_space<vmem>>
      %dma_wait3A_518 = tpu.memref_squeeze %dma_wait3A_517 : memref<1x128xi32, #tpu.memory_space<vmem>> -> memref<128xi32, #tpu.memory_space<vmem>>
      %dma_wait3A_519 = arith.constant 0 : i32
      %dma_wait3A_520 = arith.constant 0 : i32
      %dma_wait3A_521 = tpu.memref_slice %arg8[%dma_wait3A_519, %dma_wait3A_520] : memref<8192x128xf32, #tpu.memory_space<vmem_shared>> -> memref<8192x128xf32, #tpu.memory_space<vmem_shared>>
      tpu.wait_indirect_dma semaphore(%arg9 : memref<!tpu.dma_semaphore, #tpu.memory_space<semaphore_mem>>) src(%dma_wait3A_515 : memref<128x128xf32, #tpu.memory_space<vmem>>) dst(%dma_wait3A_521 : memref<8192x128xf32, #tpu.memory_space<vmem_shared>>)
      %dma_start3A_522 = arith.constant 2 : i32
      %dma_start3A_523 = arith.constant 0 : i32
      %dma_start3A_524 = arith.constant 0 : i32
      %dma_start3A_525 = arith.constant 0 : i32
      %dma_start3A_526 = tpu.memref_slice %arg7[%dma_start3A_523, %dma_start3A_524, %dma_start3A_525] : memref<2x128x128xf32, #tpu.memory_space<vmem>> -> memref<1x128x128xf32, #tpu.memory_space<vmem>>
      %dma_start3A_527 = tpu.memref_squeeze %dma_start3A_526 : memref<1x128x128xf32, #tpu.memory_space<vmem>> -> memref<128x128xf32, #tpu.memory_space<vmem>>
      %dma_start3A_528 = arith.constant 0 : i32
      %dma_start3A_529 = tpu.memref_slice %arg5[%scan3A_427, %dma_start3A_522, %dma_start3A_528] : memref<25x4x128xi32, #tpu.memory_space<vmem>> -> memref<1x1x128xi32, #tpu.memory_space<vmem>>
      %dma_start3A_530 = tpu.memref_squeeze %dma_start3A_529 : memref<1x1x128xi32, #tpu.memory_space<vmem>> -> memref<128xi32, #tpu.memory_space<vmem>>
      %dma_start3A_531 = arith.constant 0 : i32
      %dma_start3A_532 = arith.constant 0 : i32
      %dma_start3A_533 = tpu.memref_slice %arg2[%dma_start3A_531, %dma_start3A_532] : memref<100001x128xf32, #tpu.memory_space<hbm>> -> memref<100001x128xf32, #tpu.memory_space<hbm>>
      tpu.enqueue_indirect_dma source(%dma_start3A_533 : memref<100001x128xf32, #tpu.memory_space<hbm>>) target(%dma_start3A_527 : memref<128x128xf32, #tpu.memory_space<vmem>>) offsets(%dma_start3A_530 : memref<128xi32, #tpu.memory_space<vmem>>) semaphore(%arg9 : memref<!tpu.dma_semaphore, #tpu.memory_space<semaphore_mem>>)
      %dma_start3A_534 = arith.constant 3 : i32
      %dma_start3A_535 = arith.constant 1 : i32
      %dma_start3A_536 = arith.constant 0 : i32
      %dma_start3A_537 = arith.constant 0 : i32
      %dma_start3A_538 = tpu.memref_slice %arg7[%dma_start3A_535, %dma_start3A_536, %dma_start3A_537] : memref<2x128x128xf32, #tpu.memory_space<vmem>> -> memref<1x128x128xf32, #tpu.memory_space<vmem>>
      %dma_start3A_539 = tpu.memref_squeeze %dma_start3A_538 : memref<1x128x128xf32, #tpu.memory_space<vmem>> -> memref<128x128xf32, #tpu.memory_space<vmem>>
      %dma_start3A_540 = arith.constant 0 : i32
      %dma_start3A_541 = tpu.memref_slice %arg5[%scan3A_427, %dma_start3A_534, %dma_start3A_540] : memref<25x4x128xi32, #tpu.memory_space<vmem>> -> memref<1x1x128xi32, #tpu.memory_space<vmem>>
      %dma_start3A_542 = tpu.memref_squeeze %dma_start3A_541 : memref<1x1x128xi32, #tpu.memory_space<vmem>> -> memref<128xi32, #tpu.memory_space<vmem>>
      %dma_start3A_543 = arith.constant 0 : i32
      %dma_start3A_544 = arith.constant 0 : i32
      %dma_start3A_545 = tpu.memref_slice %arg2[%dma_start3A_543, %dma_start3A_544] : memref<100001x128xf32, #tpu.memory_space<hbm>> -> memref<100001x128xf32, #tpu.memory_space<hbm>>
      tpu.enqueue_indirect_dma source(%dma_start3A_545 : memref<100001x128xf32, #tpu.memory_space<hbm>>) target(%dma_start3A_539 : memref<128x128xf32, #tpu.memory_space<vmem>>) offsets(%dma_start3A_542 : memref<128xi32, #tpu.memory_space<vmem>>) semaphore(%arg9 : memref<!tpu.dma_semaphore, #tpu.memory_space<semaphore_mem>>)
      %dma_wait3A_546 = arith.constant 2 : i32
      %dma_wait3A_547 = arith.constant 0 : i32
      %dma_wait3A_548 = arith.constant 0 : i32
      %dma_wait3A_549 = arith.constant 0 : i32
      %dma_wait3A_550 = tpu.memref_slice %arg7[%dma_wait3A_547, %dma_wait3A_548, %dma_wait3A_549] : memref<2x128x128xf32, #tpu.memory_space<vmem>> -> memref<1x128x128xf32, #tpu.memory_space<vmem>>
      %dma_wait3A_551 = tpu.memref_squeeze %dma_wait3A_550 : memref<1x128x128xf32, #tpu.memory_space<vmem>> -> memref<128x128xf32, #tpu.memory_space<vmem>>
      %dma_wait3A_552 = arith.constant 0 : i32
      %dma_wait3A_553 = tpu.memref_slice %arg5[%scan3A_427, %dma_wait3A_546, %dma_wait3A_552] : memref<25x4x128xi32, #tpu.memory_space<vmem>> -> memref<1x1x128xi32, #tpu.memory_space<vmem>>
      %dma_wait3A_554 = tpu.memref_squeeze %dma_wait3A_553 : memref<1x1x128xi32, #tpu.memory_space<vmem>> -> memref<128xi32, #tpu.memory_space<vmem>>
      %dma_wait3A_555 = arith.constant 0 : i32
      %dma_wait3A_556 = arith.constant 0 : i32
      %dma_wait3A_557 = tpu.memref_slice %arg2[%dma_wait3A_555, %dma_wait3A_556] : memref<100001x128xf32, #tpu.memory_space<hbm>> -> memref<100001x128xf32, #tpu.memory_space<hbm>>
      tpu.wait_indirect_dma semaphore(%arg9 : memref<!tpu.dma_semaphore, #tpu.memory_space<semaphore_mem>>) src(%dma_wait3A_557 : memref<100001x128xf32, #tpu.memory_space<hbm>>) dst(%dma_wait3A_551 : memref<128x128xf32, #tpu.memory_space<vmem>>)
      %dma_wait3A_558 = arith.constant 3 : i32
      %dma_wait3A_559 = arith.constant 1 : i32
      %dma_wait3A_560 = arith.constant 0 : i32
      %dma_wait3A_561 = arith.constant 0 : i32
      %dma_wait3A_562 = tpu.memref_slice %arg7[%dma_wait3A_559, %dma_wait3A_560, %dma_wait3A_561] : memref<2x128x128xf32, #tpu.memory_space<vmem>> -> memref<1x128x128xf32, #tpu.memory_space<vmem>>
      %dma_wait3A_563 = tpu.memref_squeeze %dma_wait3A_562 : memref<1x128x128xf32, #tpu.memory_space<vmem>> -> memref<128x128xf32, #tpu.memory_space<vmem>>
      %dma_wait3A_564 = arith.constant 0 : i32
      %dma_wait3A_565 = tpu.memref_slice %arg5[%scan3A_427, %dma_wait3A_558, %dma_wait3A_564] : memref<25x4x128xi32, #tpu.memory_space<vmem>> -> memref<1x1x128xi32, #tpu.memory_space<vmem>>
      %dma_wait3A_566 = tpu.memref_squeeze %dma_wait3A_565 : memref<1x1x128xi32, #tpu.memory_space<vmem>> -> memref<128xi32, #tpu.memory_space<vmem>>
      %dma_wait3A_567 = arith.constant 0 : i32
      %dma_wait3A_568 = arith.constant 0 : i32
      %dma_wait3A_569 = tpu.memref_slice %arg2[%dma_wait3A_567, %dma_wait3A_568] : memref<100001x128xf32, #tpu.memory_space<hbm>> -> memref<100001x128xf32, #tpu.memory_space<hbm>>
      tpu.wait_indirect_dma semaphore(%arg9 : memref<!tpu.dma_semaphore, #tpu.memory_space<semaphore_mem>>) src(%dma_wait3A_569 : memref<100001x128xf32, #tpu.memory_space<hbm>>) dst(%dma_wait3A_563 : memref<128x128xf32, #tpu.memory_space<vmem>>)
      %dma_start3A_570 = arith.constant 0 : i32
      %dma_start3A_571 = arith.constant 2 : i32
      %dma_start3A_572 = arith.constant 0 : i32
      %dma_start3A_573 = arith.constant 0 : i32
      %dma_start3A_574 = tpu.memref_slice %arg7[%dma_start3A_570, %dma_start3A_572, %dma_start3A_573] : memref<2x128x128xf32, #tpu.memory_space<vmem>> -> memref<1x128x128xf32, #tpu.memory_space<vmem>>
      %dma_start3A_575 = tpu.memref_squeeze %dma_start3A_574 : memref<1x128x128xf32, #tpu.memory_space<vmem>> -> memref<128x128xf32, #tpu.memory_space<vmem>>
      %dma_start3A_576 = arith.constant 0 : i32
      %dma_start3A_577 = tpu.memref_slice %arg6[%dma_start3A_571, %dma_start3A_576] : memref<4x128xi32, #tpu.memory_space<vmem>> -> memref<1x128xi32, #tpu.memory_space<vmem>>
      %dma_start3A_578 = tpu.memref_squeeze %dma_start3A_577 : memref<1x128xi32, #tpu.memory_space<vmem>> -> memref<128xi32, #tpu.memory_space<vmem>>
      %dma_start3A_579 = arith.constant 0 : i32
      %dma_start3A_580 = arith.constant 0 : i32
      %dma_start3A_581 = tpu.memref_slice %arg8[%dma_start3A_579, %dma_start3A_580] : memref<8192x128xf32, #tpu.memory_space<vmem_shared>> -> memref<8192x128xf32, #tpu.memory_space<vmem_shared>>
      tpu.enqueue_indirect_dma source(%dma_start3A_575 : memref<128x128xf32, #tpu.memory_space<vmem>>) target(%dma_start3A_581 : memref<8192x128xf32, #tpu.memory_space<vmem_shared>>) offsets(%dma_start3A_578 : memref<128xi32, #tpu.memory_space<vmem>>) semaphore(%arg9 : memref<!tpu.dma_semaphore, #tpu.memory_space<semaphore_mem>>) {add = true}
      %dma_start3A_582 = arith.constant 1 : i32
      %dma_start3A_583 = arith.constant 3 : i32
      %dma_start3A_584 = arith.constant 0 : i32
      %dma_start3A_585 = arith.constant 0 : i32
      %dma_start3A_586 = tpu.memref_slice %arg7[%dma_start3A_582, %dma_start3A_584, %dma_start3A_585] : memref<2x128x128xf32, #tpu.memory_space<vmem>> -> memref<1x128x128xf32, #tpu.memory_space<vmem>>
      %dma_start3A_587 = tpu.memref_squeeze %dma_start3A_586 : memref<1x128x128xf32, #tpu.memory_space<vmem>> -> memref<128x128xf32, #tpu.memory_space<vmem>>
      %dma_start3A_588 = arith.constant 0 : i32
      %dma_start3A_589 = tpu.memref_slice %arg6[%dma_start3A_583, %dma_start3A_588] : memref<4x128xi32, #tpu.memory_space<vmem>> -> memref<1x128xi32, #tpu.memory_space<vmem>>
      %dma_start3A_590 = tpu.memref_squeeze %dma_start3A_589 : memref<1x128xi32, #tpu.memory_space<vmem>> -> memref<128xi32, #tpu.memory_space<vmem>>
      %dma_start3A_591 = arith.constant 0 : i32
      %dma_start3A_592 = arith.constant 0 : i32
      %dma_start3A_593 = tpu.memref_slice %arg8[%dma_start3A_591, %dma_start3A_592] : memref<8192x128xf32, #tpu.memory_space<vmem_shared>> -> memref<8192x128xf32, #tpu.memory_space<vmem_shared>>
      tpu.enqueue_indirect_dma source(%dma_start3A_587 : memref<128x128xf32, #tpu.memory_space<vmem>>) target(%dma_start3A_593 : memref<8192x128xf32, #tpu.memory_space<vmem_shared>>) offsets(%dma_start3A_590 : memref<128xi32, #tpu.memory_space<vmem>>) semaphore(%arg9 : memref<!tpu.dma_semaphore, #tpu.memory_space<semaphore_mem>>) {add = true}
      %dma_wait3A_594 = arith.constant 0 : i32
      %dma_wait3A_595 = arith.constant 2 : i32
      %dma_wait3A_596 = arith.constant 0 : i32
      %dma_wait3A_597 = arith.constant 0 : i32
      %dma_wait3A_598 = tpu.memref_slice %arg7[%dma_wait3A_594, %dma_wait3A_596, %dma_wait3A_597] : memref<2x128x128xf32, #tpu.memory_space<vmem>> -> memref<1x128x128xf32, #tpu.memory_space<vmem>>
      %dma_wait3A_599 = tpu.memref_squeeze %dma_wait3A_598 : memref<1x128x128xf32, #tpu.memory_space<vmem>> -> memref<128x128xf32, #tpu.memory_space<vmem>>
      %dma_wait3A_600 = arith.constant 0 : i32
      %dma_wait3A_601 = tpu.memref_slice %arg6[%dma_wait3A_595, %dma_wait3A_600] : memref<4x128xi32, #tpu.memory_space<vmem>> -> memref<1x128xi32, #tpu.memory_space<vmem>>
      %dma_wait3A_602 = tpu.memref_squeeze %dma_wait3A_601 : memref<1x128xi32, #tpu.memory_space<vmem>> -> memref<128xi32, #tpu.memory_space<vmem>>
      %dma_wait3A_603 = arith.constant 0 : i32
      %dma_wait3A_604 = arith.constant 0 : i32
      %dma_wait3A_605 = tpu.memref_slice %arg8[%dma_wait3A_603, %dma_wait3A_604] : memref<8192x128xf32, #tpu.memory_space<vmem_shared>> -> memref<8192x128xf32, #tpu.memory_space<vmem_shared>>
      tpu.wait_indirect_dma semaphore(%arg9 : memref<!tpu.dma_semaphore, #tpu.memory_space<semaphore_mem>>) src(%dma_wait3A_599 : memref<128x128xf32, #tpu.memory_space<vmem>>) dst(%dma_wait3A_605 : memref<8192x128xf32, #tpu.memory_space<vmem_shared>>)
      %dma_wait3A_606 = arith.constant 1 : i32
      %dma_wait3A_607 = arith.constant 3 : i32
      %dma_wait3A_608 = arith.constant 0 : i32
      %dma_wait3A_609 = arith.constant 0 : i32
      %dma_wait3A_610 = tpu.memref_slice %arg7[%dma_wait3A_606, %dma_wait3A_608, %dma_wait3A_609] : memref<2x128x128xf32, #tpu.memory_space<vmem>> -> memref<1x128x128xf32, #tpu.memory_space<vmem>>
      %dma_wait3A_611 = tpu.memref_squeeze %dma_wait3A_610 : memref<1x128x128xf32, #tpu.memory_space<vmem>> -> memref<128x128xf32, #tpu.memory_space<vmem>>
      %dma_wait3A_612 = arith.constant 0 : i32
      %dma_wait3A_613 = tpu.memref_slice %arg6[%dma_wait3A_607, %dma_wait3A_612] : memref<4x128xi32, #tpu.memory_space<vmem>> -> memref<1x128xi32, #tpu.memory_space<vmem>>
      %dma_wait3A_614 = tpu.memref_squeeze %dma_wait3A_613 : memref<1x128xi32, #tpu.memory_space<vmem>> -> memref<128xi32, #tpu.memory_space<vmem>>
      %dma_wait3A_615 = arith.constant 0 : i32
      %dma_wait3A_616 = arith.constant 0 : i32
      %dma_wait3A_617 = tpu.memref_slice %arg8[%dma_wait3A_615, %dma_wait3A_616] : memref<8192x128xf32, #tpu.memory_space<vmem_shared>> -> memref<8192x128xf32, #tpu.memory_space<vmem_shared>>
      tpu.wait_indirect_dma semaphore(%arg9 : memref<!tpu.dma_semaphore, #tpu.memory_space<semaphore_mem>>) src(%dma_wait3A_611 : memref<128x128xf32, #tpu.memory_space<vmem>>) dst(%dma_wait3A_617 : memref<8192x128xf32, #tpu.memory_space<vmem_shared>>)
    }
    %scan3A_416 = arith.constant 25 : i32
    "tpu.region"() ({
      %run_scoped3A_427 = tpu.sem_alloc : memref<!tpu.dma_semaphore, #tpu.memory_space<semaphore_mem>>
      %dma_start3A = arith.constant 25 : i32
      %dma_start3A_428 = arith.constant 0 : i32
      %dma_start3A_429 = tpu.memref_slice %arg3[%dma_start3A, %mul3A_2, %dma_start3A_428] : memref<50x128x128xi32, #tpu.memory_space<hbm>> -> memref<25x4x128xi32, #tpu.memory_space<hbm>>
      %dma_start3A_430 = arith.constant 25 : i32
      %dma_start3A_431 = arith.constant 0 : i32
      %dma_start3A_432 = tpu.memref_slice %arg3[%dma_start3A_430, %mul3A_2, %dma_start3A_431] : memref<50x128x128xi32, #tpu.memory_space<hbm>> -> memref<25x4x128xi32, #tpu.memory_space<hbm>>
      tpu.enqueue_dma source(%dma_start3A_432 : memref<25x4x128xi32, #tpu.memory_space<hbm>>) target(%arg5 : memref<25x4x128xi32, #tpu.memory_space<vmem>>) target_semaphore(%run_scoped3A_427 : memref<!tpu.dma_semaphore, #tpu.memory_space<semaphore_mem>>)
      %dma_wait3A = arith.constant 25 : i32
      %dma_wait3A_433 = arith.constant 0 : i32
      %dma_wait3A_434 = tpu.memref_slice %arg3[%dma_wait3A, %mul3A_2, %dma_wait3A_433] : memref<50x128x128xi32, #tpu.memory_space<hbm>> -> memref<25x4x128xi32, #tpu.memory_space<hbm>>
      %dma_wait3A_435 = arith.constant 25 : i32
      %dma_wait3A_436 = arith.constant 0 : i32
      %dma_wait3A_437 = tpu.memref_slice %arg3[%dma_wait3A_435, %mul3A_2, %dma_wait3A_436] : memref<50x128x128xi32, #tpu.memory_space<hbm>> -> memref<25x4x128xi32, #tpu.memory_space<hbm>>
      tpu.wait_dma2 semaphore(%run_scoped3A_427 : memref<!tpu.dma_semaphore, #tpu.memory_space<semaphore_mem>>) src(%dma_wait3A_437 : memref<25x4x128xi32, #tpu.memory_space<hbm>>) dst(%arg5 : memref<25x4x128xi32, #tpu.memory_space<vmem>>)
      tpu.yield
    }) : () -> ()
    %scan3A_417 = arith.constant 0 : i32
    %scan3A_418 = arith.constant 0 : i32
    %scan3A_419 = arith.constant 25 : i32
    %scan3A_420 = arith.addi %scan3A_418, %scan3A_419 : i32
    %scan3A_421 = arith.constant 1 : i32
    scf.for %scan3A_427 = %scan3A_418 to %scan3A_420 step %scan3A_421  : i32 {
      %dma_start3A = arith.constant 0 : i32
      %dma_start3A_428 = arith.constant 0 : i32
      %dma_start3A_429 = arith.constant 0 : i32
      %dma_start3A_430 = arith.constant 0 : i32
      %dma_start3A_431 = tpu.memref_slice %arg7[%dma_start3A_428, %dma_start3A_429, %dma_start3A_430] : memref<2x128x128xf32, #tpu.memory_space<vmem>> -> memref<1x128x128xf32, #tpu.memory_space<vmem>>
      %dma_start3A_432 = tpu.memref_squeeze %dma_start3A_431 : memref<1x128x128xf32, #tpu.memory_space<vmem>> -> memref<128x128xf32, #tpu.memory_space<vmem>>
      %dma_start3A_433 = arith.constant 0 : i32
      %dma_start3A_434 = tpu.memref_slice %arg5[%scan3A_427, %dma_start3A, %dma_start3A_433] : memref<25x4x128xi32, #tpu.memory_space<vmem>> -> memref<1x1x128xi32, #tpu.memory_space<vmem>>
      %dma_start3A_435 = tpu.memref_squeeze %dma_start3A_434 : memref<1x1x128xi32, #tpu.memory_space<vmem>> -> memref<128xi32, #tpu.memory_space<vmem>>
      %dma_start3A_436 = arith.constant 0 : i32
      %dma_start3A_437 = arith.constant 0 : i32
      %dma_start3A_438 = tpu.memref_slice %arg2[%dma_start3A_436, %dma_start3A_437] : memref<100001x128xf32, #tpu.memory_space<hbm>> -> memref<100001x128xf32, #tpu.memory_space<hbm>>
      tpu.enqueue_indirect_dma source(%dma_start3A_438 : memref<100001x128xf32, #tpu.memory_space<hbm>>) target(%dma_start3A_432 : memref<128x128xf32, #tpu.memory_space<vmem>>) offsets(%dma_start3A_435 : memref<128xi32, #tpu.memory_space<vmem>>) semaphore(%arg9 : memref<!tpu.dma_semaphore, #tpu.memory_space<semaphore_mem>>)
      %dma_start3A_439 = arith.constant 1 : i32
      %dma_start3A_440 = arith.constant 1 : i32
      %dma_start3A_441 = arith.constant 0 : i32
      %dma_start3A_442 = arith.constant 0 : i32
      %dma_start3A_443 = tpu.memref_slice %arg7[%dma_start3A_440, %dma_start3A_441, %dma_start3A_442] : memref<2x128x128xf32, #tpu.memory_space<vmem>> -> memref<1x128x128xf32, #tpu.memory_space<vmem>>
      %dma_start3A_444 = tpu.memref_squeeze %dma_start3A_443 : memref<1x128x128xf32, #tpu.memory_space<vmem>> -> memref<128x128xf32, #tpu.memory_space<vmem>>
      %dma_start3A_445 = arith.constant 0 : i32
      %dma_start3A_446 = tpu.memref_slice %arg5[%scan3A_427, %dma_start3A_439, %dma_start3A_445] : memref<25x4x128xi32, #tpu.memory_space<vmem>> -> memref<1x1x128xi32, #tpu.memory_space<vmem>>
      %dma_start3A_447 = tpu.memref_squeeze %dma_start3A_446 : memref<1x1x128xi32, #tpu.memory_space<vmem>> -> memref<128xi32, #tpu.memory_space<vmem>>
      %dma_start3A_448 = arith.constant 0 : i32
      %dma_start3A_449 = arith.constant 0 : i32
      %dma_start3A_450 = tpu.memref_slice %arg2[%dma_start3A_448, %dma_start3A_449] : memref<100001x128xf32, #tpu.memory_space<hbm>> -> memref<100001x128xf32, #tpu.memory_space<hbm>>
      tpu.enqueue_indirect_dma source(%dma_start3A_450 : memref<100001x128xf32, #tpu.memory_space<hbm>>) target(%dma_start3A_444 : memref<128x128xf32, #tpu.memory_space<vmem>>) offsets(%dma_start3A_447 : memref<128xi32, #tpu.memory_space<vmem>>) semaphore(%arg9 : memref<!tpu.dma_semaphore, #tpu.memory_space<semaphore_mem>>)
      %dma_wait3A = arith.constant 0 : i32
      %dma_wait3A_451 = arith.constant 0 : i32
      %dma_wait3A_452 = arith.constant 0 : i32
      %dma_wait3A_453 = arith.constant 0 : i32
      %dma_wait3A_454 = tpu.memref_slice %arg7[%dma_wait3A_451, %dma_wait3A_452, %dma_wait3A_453] : memref<2x128x128xf32, #tpu.memory_space<vmem>> -> memref<1x128x128xf32, #tpu.memory_space<vmem>>
      %dma_wait3A_455 = tpu.memref_squeeze %dma_wait3A_454 : memref<1x128x128xf32, #tpu.memory_space<vmem>> -> memref<128x128xf32, #tpu.memory_space<vmem>>
      %dma_wait3A_456 = arith.constant 0 : i32
      %dma_wait3A_457 = tpu.memref_slice %arg5[%scan3A_427, %dma_wait3A, %dma_wait3A_456] : memref<25x4x128xi32, #tpu.memory_space<vmem>> -> memref<1x1x128xi32, #tpu.memory_space<vmem>>
      %dma_wait3A_458 = tpu.memref_squeeze %dma_wait3A_457 : memref<1x1x128xi32, #tpu.memory_space<vmem>> -> memref<128xi32, #tpu.memory_space<vmem>>
      %dma_wait3A_459 = arith.constant 0 : i32
      %dma_wait3A_460 = arith.constant 0 : i32
      %dma_wait3A_461 = tpu.memref_slice %arg2[%dma_wait3A_459, %dma_wait3A_460] : memref<100001x128xf32, #tpu.memory_space<hbm>> -> memref<100001x128xf32, #tpu.memory_space<hbm>>
      tpu.wait_indirect_dma semaphore(%arg9 : memref<!tpu.dma_semaphore, #tpu.memory_space<semaphore_mem>>) src(%dma_wait3A_461 : memref<100001x128xf32, #tpu.memory_space<hbm>>) dst(%dma_wait3A_455 : memref<128x128xf32, #tpu.memory_space<vmem>>)
      %dma_wait3A_462 = arith.constant 1 : i32
      %dma_wait3A_463 = arith.constant 1 : i32
      %dma_wait3A_464 = arith.constant 0 : i32
      %dma_wait3A_465 = arith.constant 0 : i32
      %dma_wait3A_466 = tpu.memref_slice %arg7[%dma_wait3A_463, %dma_wait3A_464, %dma_wait3A_465] : memref<2x128x128xf32, #tpu.memory_space<vmem>> -> memref<1x128x128xf32, #tpu.memory_space<vmem>>
      %dma_wait3A_467 = tpu.memref_squeeze %dma_wait3A_466 : memref<1x128x128xf32, #tpu.memory_space<vmem>> -> memref<128x128xf32, #tpu.memory_space<vmem>>
      %dma_wait3A_468 = arith.constant 0 : i32
      %dma_wait3A_469 = tpu.memref_slice %arg5[%scan3A_427, %dma_wait3A_462, %dma_wait3A_468] : memref<25x4x128xi32, #tpu.memory_space<vmem>> -> memref<1x1x128xi32, #tpu.memory_space<vmem>>
      %dma_wait3A_470 = tpu.memref_squeeze %dma_wait3A_469 : memref<1x1x128xi32, #tpu.memory_space<vmem>> -> memref<128xi32, #tpu.memory_space<vmem>>
      %dma_wait3A_471 = arith.constant 0 : i32
      %dma_wait3A_472 = arith.constant 0 : i32
      %dma_wait3A_473 = tpu.memref_slice %arg2[%dma_wait3A_471, %dma_wait3A_472] : memref<100001x128xf32, #tpu.memory_space<hbm>> -> memref<100001x128xf32, #tpu.memory_space<hbm>>
      tpu.wait_indirect_dma semaphore(%arg9 : memref<!tpu.dma_semaphore, #tpu.memory_space<semaphore_mem>>) src(%dma_wait3A_473 : memref<100001x128xf32, #tpu.memory_space<hbm>>) dst(%dma_wait3A_467 : memref<128x128xf32, #tpu.memory_space<vmem>>)
      %dma_start3A_474 = arith.constant 0 : i32
      %dma_start3A_475 = arith.constant 0 : i32
      %dma_start3A_476 = arith.constant 0 : i32
      %dma_start3A_477 = arith.constant 0 : i32
      %dma_start3A_478 = tpu.memref_slice %arg7[%dma_start3A_474, %dma_start3A_476, %dma_start3A_477] : memref<2x128x128xf32, #tpu.memory_space<vmem>> -> memref<1x128x128xf32, #tpu.memory_space<vmem>>
      %dma_start3A_479 = tpu.memref_squeeze %dma_start3A_478 : memref<1x128x128xf32, #tpu.memory_space<vmem>> -> memref<128x128xf32, #tpu.memory_space<vmem>>
      %dma_start3A_480 = arith.constant 0 : i32
      %dma_start3A_481 = tpu.memref_slice %arg6[%dma_start3A_475, %dma_start3A_480] : memref<4x128xi32, #tpu.memory_space<vmem>> -> memref<1x128xi32, #tpu.memory_space<vmem>>
      %dma_start3A_482 = tpu.memref_squeeze %dma_start3A_481 : memref<1x128xi32, #tpu.memory_space<vmem>> -> memref<128xi32, #tpu.memory_space<vmem>>
      %dma_start3A_483 = arith.constant 0 : i32
      %dma_start3A_484 = arith.constant 0 : i32
      %dma_start3A_485 = tpu.memref_slice %arg8[%dma_start3A_483, %dma_start3A_484] : memref<8192x128xf32, #tpu.memory_space<vmem_shared>> -> memref<8192x128xf32, #tpu.memory_space<vmem_shared>>
      tpu.enqueue_indirect_dma source(%dma_start3A_479 : memref<128x128xf32, #tpu.memory_space<vmem>>) target(%dma_start3A_485 : memref<8192x128xf32, #tpu.memory_space<vmem_shared>>) offsets(%dma_start3A_482 : memref<128xi32, #tpu.memory_space<vmem>>) semaphore(%arg9 : memref<!tpu.dma_semaphore, #tpu.memory_space<semaphore_mem>>) {add = true}
      %dma_start3A_486 = arith.constant 1 : i32
      %dma_start3A_487 = arith.constant 1 : i32
      %dma_start3A_488 = arith.constant 0 : i32
      %dma_start3A_489 = arith.constant 0 : i32
      %dma_start3A_490 = tpu.memref_slice %arg7[%dma_start3A_486, %dma_start3A_488, %dma_start3A_489] : memref<2x128x128xf32, #tpu.memory_space<vmem>> -> memref<1x128x128xf32, #tpu.memory_space<vmem>>
      %dma_start3A_491 = tpu.memref_squeeze %dma_start3A_490 : memref<1x128x128xf32, #tpu.memory_space<vmem>> -> memref<128x128xf32, #tpu.memory_space<vmem>>
      %dma_start3A_492 = arith.constant 0 : i32
      %dma_start3A_493 = tpu.memref_slice %arg6[%dma_start3A_487, %dma_start3A_492] : memref<4x128xi32, #tpu.memory_space<vmem>> -> memref<1x128xi32, #tpu.memory_space<vmem>>
      %dma_start3A_494 = tpu.memref_squeeze %dma_start3A_493 : memref<1x128xi32, #tpu.memory_space<vmem>> -> memref<128xi32, #tpu.memory_space<vmem>>
      %dma_start3A_495 = arith.constant 0 : i32
      %dma_start3A_496 = arith.constant 0 : i32
      %dma_start3A_497 = tpu.memref_slice %arg8[%dma_start3A_495, %dma_start3A_496] : memref<8192x128xf32, #tpu.memory_space<vmem_shared>> -> memref<8192x128xf32, #tpu.memory_space<vmem_shared>>
      tpu.enqueue_indirect_dma source(%dma_start3A_491 : memref<128x128xf32, #tpu.memory_space<vmem>>) target(%dma_start3A_497 : memref<8192x128xf32, #tpu.memory_space<vmem_shared>>) offsets(%dma_start3A_494 : memref<128xi32, #tpu.memory_space<vmem>>) semaphore(%arg9 : memref<!tpu.dma_semaphore, #tpu.memory_space<semaphore_mem>>) {add = true}
      %dma_wait3A_498 = arith.constant 0 : i32
      %dma_wait3A_499 = arith.constant 0 : i32
      %dma_wait3A_500 = arith.constant 0 : i32
      %dma_wait3A_501 = arith.constant 0 : i32
      %dma_wait3A_502 = tpu.memref_slice %arg7[%dma_wait3A_498, %dma_wait3A_500, %dma_wait3A_501] : memref<2x128x128xf32, #tpu.memory_space<vmem>> -> memref<1x128x128xf32, #tpu.memory_space<vmem>>
      %dma_wait3A_503 = tpu.memref_squeeze %dma_wait3A_502 : memref<1x128x128xf32, #tpu.memory_space<vmem>> -> memref<128x128xf32, #tpu.memory_space<vmem>>
      %dma_wait3A_504 = arith.constant 0 : i32
      %dma_wait3A_505 = tpu.memref_slice %arg6[%dma_wait3A_499, %dma_wait3A_504] : memref<4x128xi32, #tpu.memory_space<vmem>> -> memref<1x128xi32, #tpu.memory_space<vmem>>
      %dma_wait3A_506 = tpu.memref_squeeze %dma_wait3A_505 : memref<1x128xi32, #tpu.memory_space<vmem>> -> memref<128xi32, #tpu.memory_space<vmem>>
      %dma_wait3A_507 = arith.constant 0 : i32
      %dma_wait3A_508 = arith.constant 0 : i32
      %dma_wait3A_509 = tpu.memref_slice %arg8[%dma_wait3A_507, %dma_wait3A_508] : memref<8192x128xf32, #tpu.memory_space<vmem_shared>> -> memref<8192x128xf32, #tpu.memory_space<vmem_shared>>
      tpu.wait_indirect_dma semaphore(%arg9 : memref<!tpu.dma_semaphore, #tpu.memory_space<semaphore_mem>>) src(%dma_wait3A_503 : memref<128x128xf32, #tpu.memory_space<vmem>>) dst(%dma_wait3A_509 : memref<8192x128xf32, #tpu.memory_space<vmem_shared>>)
      %dma_wait3A_510 = arith.constant 1 : i32
      %dma_wait3A_511 = arith.constant 1 : i32
      %dma_wait3A_512 = arith.constant 0 : i32
      %dma_wait3A_513 = arith.constant 0 : i32
      %dma_wait3A_514 = tpu.memref_slice %arg7[%dma_wait3A_510, %dma_wait3A_512, %dma_wait3A_513] : memref<2x128x128xf32, #tpu.memory_space<vmem>> -> memref<1x128x128xf32, #tpu.memory_space<vmem>>
      %dma_wait3A_515 = tpu.memref_squeeze %dma_wait3A_514 : memref<1x128x128xf32, #tpu.memory_space<vmem>> -> memref<128x128xf32, #tpu.memory_space<vmem>>
      %dma_wait3A_516 = arith.constant 0 : i32
      %dma_wait3A_517 = tpu.memref_slice %arg6[%dma_wait3A_511, %dma_wait3A_516] : memref<4x128xi32, #tpu.memory_space<vmem>> -> memref<1x128xi32, #tpu.memory_space<vmem>>
      %dma_wait3A_518 = tpu.memref_squeeze %dma_wait3A_517 : memref<1x128xi32, #tpu.memory_space<vmem>> -> memref<128xi32, #tpu.memory_space<vmem>>
      %dma_wait3A_519 = arith.constant 0 : i32
      %dma_wait3A_520 = arith.constant 0 : i32
      %dma_wait3A_521 = tpu.memref_slice %arg8[%dma_wait3A_519, %dma_wait3A_520] : memref<8192x128xf32, #tpu.memory_space<vmem_shared>> -> memref<8192x128xf32, #tpu.memory_space<vmem_shared>>
      tpu.wait_indirect_dma semaphore(%arg9 : memref<!tpu.dma_semaphore, #tpu.memory_space<semaphore_mem>>) src(%dma_wait3A_515 : memref<128x128xf32, #tpu.memory_space<vmem>>) dst(%dma_wait3A_521 : memref<8192x128xf32, #tpu.memory_space<vmem_shared>>)
      %dma_start3A_522 = arith.constant 2 : i32
      %dma_start3A_523 = arith.constant 0 : i32
      %dma_start3A_524 = arith.constant 0 : i32
      %dma_start3A_525 = arith.constant 0 : i32
      %dma_start3A_526 = tpu.memref_slice %arg7[%dma_start3A_523, %dma_start3A_524, %dma_start3A_525] : memref<2x128x128xf32, #tpu.memory_space<vmem>> -> memref<1x128x128xf32, #tpu.memory_space<vmem>>
      %dma_start3A_527 = tpu.memref_squeeze %dma_start3A_526 : memref<1x128x128xf32, #tpu.memory_space<vmem>> -> memref<128x128xf32, #tpu.memory_space<vmem>>
      %dma_start3A_528 = arith.constant 0 : i32
      %dma_start3A_529 = tpu.memref_slice %arg5[%scan3A_427, %dma_start3A_522, %dma_start3A_528] : memref<25x4x128xi32, #tpu.memory_space<vmem>> -> memref<1x1x128xi32, #tpu.memory_space<vmem>>
      %dma_start3A_530 = tpu.memref_squeeze %dma_start3A_529 : memref<1x1x128xi32, #tpu.memory_space<vmem>> -> memref<128xi32, #tpu.memory_space<vmem>>
      %dma_start3A_531 = arith.constant 0 : i32
      %dma_start3A_532 = arith.constant 0 : i32
      %dma_start3A_533 = tpu.memref_slice %arg2[%dma_start3A_531, %dma_start3A_532] : memref<100001x128xf32, #tpu.memory_space<hbm>> -> memref<100001x128xf32, #tpu.memory_space<hbm>>
      tpu.enqueue_indirect_dma source(%dma_start3A_533 : memref<100001x128xf32, #tpu.memory_space<hbm>>) target(%dma_start3A_527 : memref<128x128xf32, #tpu.memory_space<vmem>>) offsets(%dma_start3A_530 : memref<128xi32, #tpu.memory_space<vmem>>) semaphore(%arg9 : memref<!tpu.dma_semaphore, #tpu.memory_space<semaphore_mem>>)
      %dma_start3A_534 = arith.constant 3 : i32
      %dma_start3A_535 = arith.constant 1 : i32
      %dma_start3A_536 = arith.constant 0 : i32
      %dma_start3A_537 = arith.constant 0 : i32
      %dma_start3A_538 = tpu.memref_slice %arg7[%dma_start3A_535, %dma_start3A_536, %dma_start3A_537] : memref<2x128x128xf32, #tpu.memory_space<vmem>> -> memref<1x128x128xf32, #tpu.memory_space<vmem>>
      %dma_start3A_539 = tpu.memref_squeeze %dma_start3A_538 : memref<1x128x128xf32, #tpu.memory_space<vmem>> -> memref<128x128xf32, #tpu.memory_space<vmem>>
      %dma_start3A_540 = arith.constant 0 : i32
      %dma_start3A_541 = tpu.memref_slice %arg5[%scan3A_427, %dma_start3A_534, %dma_start3A_540] : memref<25x4x128xi32, #tpu.memory_space<vmem>> -> memref<1x1x128xi32, #tpu.memory_space<vmem>>
      %dma_start3A_542 = tpu.memref_squeeze %dma_start3A_541 : memref<1x1x128xi32, #tpu.memory_space<vmem>> -> memref<128xi32, #tpu.memory_space<vmem>>
      %dma_start3A_543 = arith.constant 0 : i32
      %dma_start3A_544 = arith.constant 0 : i32
      %dma_start3A_545 = tpu.memref_slice %arg2[%dma_start3A_543, %dma_start3A_544] : memref<100001x128xf32, #tpu.memory_space<hbm>> -> memref<100001x128xf32, #tpu.memory_space<hbm>>
      tpu.enqueue_indirect_dma source(%dma_start3A_545 : memref<100001x128xf32, #tpu.memory_space<hbm>>) target(%dma_start3A_539 : memref<128x128xf32, #tpu.memory_space<vmem>>) offsets(%dma_start3A_542 : memref<128xi32, #tpu.memory_space<vmem>>) semaphore(%arg9 : memref<!tpu.dma_semaphore, #tpu.memory_space<semaphore_mem>>)
      %dma_wait3A_546 = arith.constant 2 : i32
      %dma_wait3A_547 = arith.constant 0 : i32
      %dma_wait3A_548 = arith.constant 0 : i32
      %dma_wait3A_549 = arith.constant 0 : i32
      %dma_wait3A_550 = tpu.memref_slice %arg7[%dma_wait3A_547, %dma_wait3A_548, %dma_wait3A_549] : memref<2x128x128xf32, #tpu.memory_space<vmem>> -> memref<1x128x128xf32, #tpu.memory_space<vmem>>
      %dma_wait3A_551 = tpu.memref_squeeze %dma_wait3A_550 : memref<1x128x128xf32, #tpu.memory_space<vmem>> -> memref<128x128xf32, #tpu.memory_space<vmem>>
      %dma_wait3A_552 = arith.constant 0 : i32
      %dma_wait3A_553 = tpu.memref_slice %arg5[%scan3A_427, %dma_wait3A_546, %dma_wait3A_552] : memref<25x4x128xi32, #tpu.memory_space<vmem>> -> memref<1x1x128xi32, #tpu.memory_space<vmem>>
      %dma_wait3A_554 = tpu.memref_squeeze %dma_wait3A_553 : memref<1x1x128xi32, #tpu.memory_space<vmem>> -> memref<128xi32, #tpu.memory_space<vmem>>
      %dma_wait3A_555 = arith.constant 0 : i32
      %dma_wait3A_556 = arith.constant 0 : i32
      %dma_wait3A_557 = tpu.memref_slice %arg2[%dma_wait3A_555, %dma_wait3A_556] : memref<100001x128xf32, #tpu.memory_space<hbm>> -> memref<100001x128xf32, #tpu.memory_space<hbm>>
      tpu.wait_indirect_dma semaphore(%arg9 : memref<!tpu.dma_semaphore, #tpu.memory_space<semaphore_mem>>) src(%dma_wait3A_557 : memref<100001x128xf32, #tpu.memory_space<hbm>>) dst(%dma_wait3A_551 : memref<128x128xf32, #tpu.memory_space<vmem>>)
      %dma_wait3A_558 = arith.constant 3 : i32
      %dma_wait3A_559 = arith.constant 1 : i32
      %dma_wait3A_560 = arith.constant 0 : i32
      %dma_wait3A_561 = arith.constant 0 : i32
      %dma_wait3A_562 = tpu.memref_slice %arg7[%dma_wait3A_559, %dma_wait3A_560, %dma_wait3A_561] : memref<2x128x128xf32, #tpu.memory_space<vmem>> -> memref<1x128x128xf32, #tpu.memory_space<vmem>>
      %dma_wait3A_563 = tpu.memref_squeeze %dma_wait3A_562 : memref<1x128x128xf32, #tpu.memory_space<vmem>> -> memref<128x128xf32, #tpu.memory_space<vmem>>
      %dma_wait3A_564 = arith.constant 0 : i32
      %dma_wait3A_565 = tpu.memref_slice %arg5[%scan3A_427, %dma_wait3A_558, %dma_wait3A_564] : memref<25x4x128xi32, #tpu.memory_space<vmem>> -> memref<1x1x128xi32, #tpu.memory_space<vmem>>
      %dma_wait3A_566 = tpu.memref_squeeze %dma_wait3A_565 : memref<1x1x128xi32, #tpu.memory_space<vmem>> -> memref<128xi32, #tpu.memory_space<vmem>>
      %dma_wait3A_567 = arith.constant 0 : i32
      %dma_wait3A_568 = arith.constant 0 : i32
      %dma_wait3A_569 = tpu.memref_slice %arg2[%dma_wait3A_567, %dma_wait3A_568] : memref<100001x128xf32, #tpu.memory_space<hbm>> -> memref<100001x128xf32, #tpu.memory_space<hbm>>
      tpu.wait_indirect_dma semaphore(%arg9 : memref<!tpu.dma_semaphore, #tpu.memory_space<semaphore_mem>>) src(%dma_wait3A_569 : memref<100001x128xf32, #tpu.memory_space<hbm>>) dst(%dma_wait3A_563 : memref<128x128xf32, #tpu.memory_space<vmem>>)
      %dma_start3A_570 = arith.constant 0 : i32
      %dma_start3A_571 = arith.constant 2 : i32
      %dma_start3A_572 = arith.constant 0 : i32
      %dma_start3A_573 = arith.constant 0 : i32
      %dma_start3A_574 = tpu.memref_slice %arg7[%dma_start3A_570, %dma_start3A_572, %dma_start3A_573] : memref<2x128x128xf32, #tpu.memory_space<vmem>> -> memref<1x128x128xf32, #tpu.memory_space<vmem>>
      %dma_start3A_575 = tpu.memref_squeeze %dma_start3A_574 : memref<1x128x128xf32, #tpu.memory_space<vmem>> -> memref<128x128xf32, #tpu.memory_space<vmem>>
      %dma_start3A_576 = arith.constant 0 : i32
      %dma_start3A_577 = tpu.memref_slice %arg6[%dma_start3A_571, %dma_start3A_576] : memref<4x128xi32, #tpu.memory_space<vmem>> -> memref<1x128xi32, #tpu.memory_space<vmem>>
      %dma_start3A_578 = tpu.memref_squeeze %dma_start3A_577 : memref<1x128xi32, #tpu.memory_space<vmem>> -> memref<128xi32, #tpu.memory_space<vmem>>
      %dma_start3A_579 = arith.constant 0 : i32
      %dma_start3A_580 = arith.constant 0 : i32
      %dma_start3A_581 = tpu.memref_slice %arg8[%dma_start3A_579, %dma_start3A_580] : memref<8192x128xf32, #tpu.memory_space<vmem_shared>> -> memref<8192x128xf32, #tpu.memory_space<vmem_shared>>
      tpu.enqueue_indirect_dma source(%dma_start3A_575 : memref<128x128xf32, #tpu.memory_space<vmem>>) target(%dma_start3A_581 : memref<8192x128xf32, #tpu.memory_space<vmem_shared>>) offsets(%dma_start3A_578 : memref<128xi32, #tpu.memory_space<vmem>>) semaphore(%arg9 : memref<!tpu.dma_semaphore, #tpu.memory_space<semaphore_mem>>) {add = true}
      %dma_start3A_582 = arith.constant 1 : i32
      %dma_start3A_583 = arith.constant 3 : i32
      %dma_start3A_584 = arith.constant 0 : i32
      %dma_start3A_585 = arith.constant 0 : i32
      %dma_start3A_586 = tpu.memref_slice %arg7[%dma_start3A_582, %dma_start3A_584, %dma_start3A_585] : memref<2x128x128xf32, #tpu.memory_space<vmem>> -> memref<1x128x128xf32, #tpu.memory_space<vmem>>
      %dma_start3A_587 = tpu.memref_squeeze %dma_start3A_586 : memref<1x128x128xf32, #tpu.memory_space<vmem>> -> memref<128x128xf32, #tpu.memory_space<vmem>>
      %dma_start3A_588 = arith.constant 0 : i32
      %dma_start3A_589 = tpu.memref_slice %arg6[%dma_start3A_583, %dma_start3A_588] : memref<4x128xi32, #tpu.memory_space<vmem>> -> memref<1x128xi32, #tpu.memory_space<vmem>>
      %dma_start3A_590 = tpu.memref_squeeze %dma_start3A_589 : memref<1x128xi32, #tpu.memory_space<vmem>> -> memref<128xi32, #tpu.memory_space<vmem>>
      %dma_start3A_591 = arith.constant 0 : i32
      %dma_start3A_592 = arith.constant 0 : i32
      %dma_start3A_593 = tpu.memref_slice %arg8[%dma_start3A_591, %dma_start3A_592] : memref<8192x128xf32, #tpu.memory_space<vmem_shared>> -> memref<8192x128xf32, #tpu.memory_space<vmem_shared>>
      tpu.enqueue_indirect_dma source(%dma_start3A_587 : memref<128x128xf32, #tpu.memory_space<vmem>>) target(%dma_start3A_593 : memref<8192x128xf32, #tpu.memory_space<vmem_shared>>) offsets(%dma_start3A_590 : memref<128xi32, #tpu.memory_space<vmem>>) semaphore(%arg9 : memref<!tpu.dma_semaphore, #tpu.memory_space<semaphore_mem>>) {add = true}
      %dma_wait3A_594 = arith.constant 0 : i32
      %dma_wait3A_595 = arith.constant 2 : i32
      %dma_wait3A_596 = arith.constant 0 : i32
      %dma_wait3A_597 = arith.constant 0 : i32
      %dma_wait3A_598 = tpu.memref_slice %arg7[%dma_wait3A_594, %dma_wait3A_596, %dma_wait3A_597] : memref<2x128x128xf32, #tpu.memory_space<vmem>> -> memref<1x128x128xf32, #tpu.memory_space<vmem>>
      %dma_wait3A_599 = tpu.memref_squeeze %dma_wait3A_598 : memref<1x128x128xf32, #tpu.memory_space<vmem>> -> memref<128x128xf32, #tpu.memory_space<vmem>>
      %dma_wait3A_600 = arith.constant 0 : i32
      %dma_wait3A_601 = tpu.memref_slice %arg6[%dma_wait3A_595, %dma_wait3A_600] : memref<4x128xi32, #tpu.memory_space<vmem>> -> memref<1x128xi32, #tpu.memory_space<vmem>>
      %dma_wait3A_602 = tpu.memref_squeeze %dma_wait3A_601 : memref<1x128xi32, #tpu.memory_space<vmem>> -> memref<128xi32, #tpu.memory_space<vmem>>
      %dma_wait3A_603 = arith.constant 0 : i32
      %dma_wait3A_604 = arith.constant 0 : i32
      %dma_wait3A_605 = tpu.memref_slice %arg8[%dma_wait3A_603, %dma_wait3A_604] : memref<8192x128xf32, #tpu.memory_space<vmem_shared>> -> memref<8192x128xf32, #tpu.memory_space<vmem_shared>>
      tpu.wait_indirect_dma semaphore(%arg9 : memref<!tpu.dma_semaphore, #tpu.memory_space<semaphore_mem>>) src(%dma_wait3A_599 : memref<128x128xf32, #tpu.memory_space<vmem>>) dst(%dma_wait3A_605 : memref<8192x128xf32, #tpu.memory_space<vmem_shared>>)
      %dma_wait3A_606 = arith.constant 1 : i32
      %dma_wait3A_607 = arith.constant 3 : i32
      %dma_wait3A_608 = arith.constant 0 : i32
      %dma_wait3A_609 = arith.constant 0 : i32
      %dma_wait3A_610 = tpu.memref_slice %arg7[%dma_wait3A_606, %dma_wait3A_608, %dma_wait3A_609] : memref<2x128x128xf32, #tpu.memory_space<vmem>> -> memref<1x128x128xf32, #tpu.memory_space<vmem>>
      %dma_wait3A_611 = tpu.memref_squeeze %dma_wait3A_610 : memref<1x128x128xf32, #tpu.memory_space<vmem>> -> memref<128x128xf32, #tpu.memory_space<vmem>>
      %dma_wait3A_612 = arith.constant 0 : i32
      %dma_wait3A_613 = tpu.memref_slice %arg6[%dma_wait3A_607, %dma_wait3A_612] : memref<4x128xi32, #tpu.memory_space<vmem>> -> memref<1x128xi32, #tpu.memory_space<vmem>>
      %dma_wait3A_614 = tpu.memref_squeeze %dma_wait3A_613 : memref<1x128xi32, #tpu.memory_space<vmem>> -> memref<128xi32, #tpu.memory_space<vmem>>
      %dma_wait3A_615 = arith.constant 0 : i32
      %dma_wait3A_616 = arith.constant 0 : i32
      %dma_wait3A_617 = tpu.memref_slice %arg8[%dma_wait3A_615, %dma_wait3A_616] : memref<8192x128xf32, #tpu.memory_space<vmem_shared>> -> memref<8192x128xf32, #tpu.memory_space<vmem_shared>>
      tpu.wait_indirect_dma semaphore(%arg9 : memref<!tpu.dma_semaphore, #tpu.memory_space<semaphore_mem>>) src(%dma_wait3A_611 : memref<128x128xf32, #tpu.memory_space<vmem>>) dst(%dma_wait3A_617 : memref<8192x128xf32, #tpu.memory_space<vmem_shared>>)
    }
    %scan3A_422 = arith.constant 25 : i32
    %mul3A_423 = arith.constant 512 : i32
    %mul3A_424 = arith.muli %arg1, %mul3A_423 : i32
    %mul3A_425 = arith.constant 512 : i32
    %mul3A_426 = arith.muli %add3A, %mul3A_425 : i32
    "tpu.region"() ({
      %run_scoped3A_427 = tpu.sem_alloc : memref<!tpu.dma_semaphore, #tpu.memory_space<semaphore_mem>>
      %dma_start3A = arith.constant 0 : i32
      %dma_start3A_428 = tpu.memref_slice %arg4[%mul3A_426, %dma_start3A] : memref<16384x128xf32, #tpu.memory_space<hbm>> -> memref<512x128xf32, #tpu.memory_space<hbm>>
      %dma_start3A_429 = arith.constant 0 : i32
      %dma_start3A_430 = tpu.memref_slice %arg8[%mul3A_424, %dma_start3A_429] : memref<8192x128xf32, #tpu.memory_space<vmem_shared>> -> memref<512x128xf32, #tpu.memory_space<vmem_shared>>
      tpu.enqueue_dma source(%dma_start3A_430 : memref<512x128xf32, #tpu.memory_space<vmem_shared>>) target(%dma_start3A_428 : memref<512x128xf32, #tpu.memory_space<hbm>>) target_semaphore(%run_scoped3A_427 : memref<!tpu.dma_semaphore, #tpu.memory_space<semaphore_mem>>)
      %dma_wait3A = arith.constant 0 : i32
      %dma_wait3A_431 = tpu.memref_slice %arg4[%mul3A_426, %dma_wait3A] : memref<16384x128xf32, #tpu.memory_space<hbm>> -> memref<512x128xf32, #tpu.memory_space<hbm>>
      %dma_wait3A_432 = arith.constant 0 : i32
      %dma_wait3A_433 = tpu.memref_slice %arg8[%mul3A_424, %dma_wait3A_432] : memref<8192x128xf32, #tpu.memory_space<vmem_shared>> -> memref<512x128xf32, #tpu.memory_space<vmem_shared>>
      tpu.wait_dma2 semaphore(%run_scoped3A_427 : memref<!tpu.dma_semaphore, #tpu.memory_space<semaphore_mem>>) src(%dma_wait3A_433 : memref<512x128xf32, #tpu.memory_space<vmem_shared>>) dst(%dma_wait3A_431 : memref<512x128xf32, #tpu.memory_space<hbm>>)
      tpu.yield
    }) : () -> ()
    return
  }
}

#map = affine_map<(d0, d1) -> (0, 0)>
#map1 = affine_map<(d0, d1) -> (0)>
module attributes {stable_mosaic.version = 14 : i64} {
  func.func @_dot_body(%arg0: i32, %arg1: i32, %arg2: memref<1000000x128xf32, #tpu.memory_space<hbm>>, %arg3: memref<128x128xi32, #tpu.memory_space<hbm>>, %arg4: memref<16384x128xf32, #tpu.memory_space<hbm>>, %arg5: memref<16384xf32, #tpu.memory_space<hbm>>, %arg6: memref<4x128xi32, #tpu.memory_space<vmem>>, %arg7: memref<2x128x128xf32, #tpu.memory_space<vmem>>, %arg8: memref<512xf32, #tpu.memory_space<vmem>>, %arg9: memref<!tpu.dma_semaphore, #tpu.memory_space<semaphore_mem>>, %arg10: memref<!tpu.dma_semaphore, #tpu.memory_space<semaphore_mem>>) attributes {dimension_semantics = [#tpu.dimension_semantics<core_parallel>, #tpu.dimension_semantics<subcore_parallel>], iteration_bounds = array<i64: 2, 16>, scalar_prefetch = 0 : i64, scratch_operands = 5 : i64, tpu.core_type = #tpu.core_type<sc_vector_subcore>, window_params = [{transform_indices = #map}, {transform_indices = #map}, {transform_indices = #map}, {transform_indices = #map1}]} {
    %mul3A = arith.constant 2 : i32
    %mul3A_0 = arith.muli %arg1, %mul3A : i32
    %add3A = arith.addi %mul3A_0, %arg0 : i32
    %mul3A_1 = arith.constant 4 : i32
    %mul3A_2 = arith.muli %add3A, %mul3A_1 : i32
    %iota3A = tpu.iota {dimensions = array<i32: 0>} : vector<16xi32>
    "tpu.region"() ({
      %run_scoped3A_149 = tpu.sem_alloc : memref<!tpu.dma_semaphore, #tpu.memory_space<semaphore_mem>>
      %dma_start3A_150 = arith.constant 0 : i32
      %dma_start3A_151 = tpu.memref_slice %arg3[%mul3A_2, %dma_start3A_150] : memref<128x128xi32, #tpu.memory_space<hbm>> -> memref<4x128xi32, #tpu.memory_space<hbm>>
      %dma_start3A_152 = arith.constant 0 : i32
      %dma_start3A_153 = tpu.memref_slice %arg3[%mul3A_2, %dma_start3A_152] : memref<128x128xi32, #tpu.memory_space<hbm>> -> memref<4x128xi32, #tpu.memory_space<hbm>>
      tpu.enqueue_dma source(%dma_start3A_153 : memref<4x128xi32, #tpu.memory_space<hbm>>) target(%arg6 : memref<4x128xi32, #tpu.memory_space<vmem>>) target_semaphore(%run_scoped3A_149 : memref<!tpu.dma_semaphore, #tpu.memory_space<semaphore_mem>>)
      %dma_wait3A_154 = arith.constant 0 : i32
      %dma_wait3A_155 = tpu.memref_slice %arg3[%mul3A_2, %dma_wait3A_154] : memref<128x128xi32, #tpu.memory_space<hbm>> -> memref<4x128xi32, #tpu.memory_space<hbm>>
      %dma_wait3A_156 = arith.constant 0 : i32
      %dma_wait3A_157 = tpu.memref_slice %arg3[%mul3A_2, %dma_wait3A_156] : memref<128x128xi32, #tpu.memory_space<hbm>> -> memref<4x128xi32, #tpu.memory_space<hbm>>
      tpu.wait_dma2 semaphore(%run_scoped3A_149 : memref<!tpu.dma_semaphore, #tpu.memory_space<semaphore_mem>>) src(%dma_wait3A_157 : memref<4x128xi32, #tpu.memory_space<hbm>>) dst(%arg6 : memref<4x128xi32, #tpu.memory_space<vmem>>)
      tpu.yield
    }) : () -> ()
    %dma_start3A = arith.constant 0 : i32
    %dma_start3A_3 = arith.constant 0 : i32
    %dma_start3A_4 = arith.constant 0 : i32
    %dma_start3A_5 = arith.constant 0 : i32
    %dma_start3A_6 = tpu.memref_slice %arg7[%dma_start3A_3, %dma_start3A_4, %dma_start3A_5] : memref<2x128x128xf32, #tpu.memory_space<vmem>> -> memref<1x128x128xf32, #tpu.memory_space<vmem>>
    %dma_start3A_7 = tpu.memref_squeeze %dma_start3A_6 : memref<1x128x128xf32, #tpu.memory_space<vmem>> -> memref<128x128xf32, #tpu.memory_space<vmem>>
    %dma_start3A_8 = arith.constant 0 : i32
    %dma_start3A_9 = tpu.memref_slice %arg6[%dma_start3A, %dma_start3A_8] : memref<4x128xi32, #tpu.memory_space<vmem>> -> memref<1x128xi32, #tpu.memory_space<vmem>>
    %dma_start3A_10 = tpu.memref_squeeze %dma_start3A_9 : memref<1x128xi32, #tpu.memory_space<vmem>> -> memref<128xi32, #tpu.memory_space<vmem>>
    %dma_start3A_11 = arith.constant 0 : i32
    %dma_start3A_12 = arith.constant 0 : i32
    %dma_start3A_13 = tpu.memref_slice %arg2[%dma_start3A_11, %dma_start3A_12] : memref<1000000x128xf32, #tpu.memory_space<hbm>> -> memref<1000000x128xf32, #tpu.memory_space<hbm>>
    tpu.enqueue_indirect_dma source(%dma_start3A_13 : memref<1000000x128xf32, #tpu.memory_space<hbm>>) target(%dma_start3A_7 : memref<128x128xf32, #tpu.memory_space<vmem>>) offsets(%dma_start3A_10 : memref<128xi32, #tpu.memory_space<vmem>>) semaphore(%arg10 : memref<!tpu.dma_semaphore, #tpu.memory_space<semaphore_mem>>)
    %mul3A_14 = arith.constant 512 : i32
    %mul3A_15 = arith.muli %add3A, %mul3A_14 : i32
    %add3A_16 = arith.constant 0 : i32
    %add3A_17 = arith.addi %mul3A_15, %add3A_16 : i32
    %run_scoped3A = arith.constant 1 : i32
    "tpu.region"() ({
      %run_scoped3A_149 = tpu.sem_alloc : memref<!tpu.dma_semaphore, #tpu.memory_space<semaphore_mem>>
      %dma_start3A_150 = arith.constant 0 : i32
      %dma_start3A_151 = arith.constant 0 : i32
      %dma_start3A_152 = tpu.memref_slice %arg7[%run_scoped3A, %dma_start3A_150, %dma_start3A_151] : memref<2x128x128xf32, #tpu.memory_space<vmem>> -> memref<1x128x128xf32, #tpu.memory_space<vmem>>
      %dma_start3A_153 = tpu.memref_squeeze %dma_start3A_152 : memref<1x128x128xf32, #tpu.memory_space<vmem>> -> memref<128x128xf32, #tpu.memory_space<vmem>>
      %dma_start3A_154 = arith.constant 0 : i32
      %dma_start3A_155 = tpu.memref_slice %arg4[%add3A_17, %dma_start3A_154] : memref<16384x128xf32, #tpu.memory_space<hbm>> -> memref<128x128xf32, #tpu.memory_space<hbm>>
      %dma_start3A_156 = arith.constant 0 : i32
      %dma_start3A_157 = arith.constant 0 : i32
      %dma_start3A_158 = tpu.memref_slice %arg7[%run_scoped3A, %dma_start3A_156, %dma_start3A_157] : memref<2x128x128xf32, #tpu.memory_space<vmem>> -> memref<1x128x128xf32, #tpu.memory_space<vmem>>
      %dma_start3A_159 = tpu.memref_squeeze %dma_start3A_158 : memref<1x128x128xf32, #tpu.memory_space<vmem>> -> memref<128x128xf32, #tpu.memory_space<vmem>>
      %dma_start3A_160 = arith.constant 0 : i32
      %dma_start3A_161 = tpu.memref_slice %arg4[%add3A_17, %dma_start3A_160] : memref<16384x128xf32, #tpu.memory_space<hbm>> -> memref<128x128xf32, #tpu.memory_space<hbm>>
      tpu.enqueue_dma source(%dma_start3A_161 : memref<128x128xf32, #tpu.memory_space<hbm>>) target(%dma_start3A_159 : memref<128x128xf32, #tpu.memory_space<vmem>>) target_semaphore(%run_scoped3A_149 : memref<!tpu.dma_semaphore, #tpu.memory_space<semaphore_mem>>)
      %dma_wait3A_162 = arith.constant 0 : i32
      %dma_wait3A_163 = arith.constant 0 : i32
      %dma_wait3A_164 = tpu.memref_slice %arg7[%run_scoped3A, %dma_wait3A_162, %dma_wait3A_163] : memref<2x128x128xf32, #tpu.memory_space<vmem>> -> memref<1x128x128xf32, #tpu.memory_space<vmem>>
      %dma_wait3A_165 = tpu.memref_squeeze %dma_wait3A_164 : memref<1x128x128xf32, #tpu.memory_space<vmem>> -> memref<128x128xf32, #tpu.memory_space<vmem>>
      %dma_wait3A_166 = arith.constant 0 : i32
      %dma_wait3A_167 = tpu.memref_slice %arg4[%add3A_17, %dma_wait3A_166] : memref<16384x128xf32, #tpu.memory_space<hbm>> -> memref<128x128xf32, #tpu.memory_space<hbm>>
      %dma_wait3A_168 = arith.constant 0 : i32
      %dma_wait3A_169 = arith.constant 0 : i32
      %dma_wait3A_170 = tpu.memref_slice %arg7[%run_scoped3A, %dma_wait3A_168, %dma_wait3A_169] : memref<2x128x128xf32, #tpu.memory_space<vmem>> -> memref<1x128x128xf32, #tpu.memory_space<vmem>>
      %dma_wait3A_171 = tpu.memref_squeeze %dma_wait3A_170 : memref<1x128x128xf32, #tpu.memory_space<vmem>> -> memref<128x128xf32, #tpu.memory_space<vmem>>
      %dma_wait3A_172 = arith.constant 0 : i32
      %dma_wait3A_173 = tpu.memref_slice %arg4[%add3A_17, %dma_wait3A_172] : memref<16384x128xf32, #tpu.memory_space<hbm>> -> memref<128x128xf32, #tpu.memory_space<hbm>>
      tpu.wait_dma2 semaphore(%run_scoped3A_149 : memref<!tpu.dma_semaphore, #tpu.memory_space<semaphore_mem>>) src(%dma_wait3A_173 : memref<128x128xf32, #tpu.memory_space<hbm>>) dst(%dma_wait3A_171 : memref<128x128xf32, #tpu.memory_space<vmem>>)
      tpu.yield
    }) : () -> ()
    %dma_wait3A = arith.constant 0 : i32
    %dma_wait3A_18 = arith.constant 0 : i32
    %dma_wait3A_19 = arith.constant 0 : i32
    %dma_wait3A_20 = arith.constant 0 : i32
    %dma_wait3A_21 = tpu.memref_slice %arg7[%dma_wait3A_18, %dma_wait3A_19, %dma_wait3A_20] : memref<2x128x128xf32, #tpu.memory_space<vmem>> -> memref<1x128x128xf32, #tpu.memory_space<vmem>>
    %dma_wait3A_22 = tpu.memref_squeeze %dma_wait3A_21 : memref<1x128x128xf32, #tpu.memory_space<vmem>> -> memref<128x128xf32, #tpu.memory_space<vmem>>
    %dma_wait3A_23 = arith.constant 0 : i32
    %dma_wait3A_24 = tpu.memref_slice %arg6[%dma_wait3A, %dma_wait3A_23] : memref<4x128xi32, #tpu.memory_space<vmem>> -> memref<1x128xi32, #tpu.memory_space<vmem>>
    %dma_wait3A_25 = tpu.memref_squeeze %dma_wait3A_24 : memref<1x128xi32, #tpu.memory_space<vmem>> -> memref<128xi32, #tpu.memory_space<vmem>>
    %dma_wait3A_26 = arith.constant 0 : i32
    %dma_wait3A_27 = arith.constant 0 : i32
    %dma_wait3A_28 = tpu.memref_slice %arg2[%dma_wait3A_26, %dma_wait3A_27] : memref<1000000x128xf32, #tpu.memory_space<hbm>> -> memref<1000000x128xf32, #tpu.memory_space<hbm>>
    tpu.wait_indirect_dma semaphore(%arg10 : memref<!tpu.dma_semaphore, #tpu.memory_space<semaphore_mem>>) src(%dma_wait3A_28 : memref<1000000x128xf32, #tpu.memory_space<hbm>>) dst(%dma_wait3A_22 : memref<128x128xf32, #tpu.memory_space<vmem>>)
    %scan3A = arith.constant 0 : i32
    %scan3A_29 = arith.constant 0 : i32
    %scan3A_30 = arith.constant 1 : i32
    %scan3A_31 = arith.constant 0 : i32
    %scan3A_32 = arith.constant 8 : i32
    %scan3A_33 = arith.addi %scan3A_31, %scan3A_32 : i32
    %scan3A_34 = arith.constant 1 : i32
    scf.for %scan3A_149 = %scan3A_31 to %scan3A_33 step %scan3A_34  : i32 {
      %mul3A_150 = arith.constant 16 : i32
      %mul3A_151 = arith.muli %scan3A_149, %mul3A_150 : i32
      %add3A_152 = vector.broadcast %mul3A_151 : i32 to vector<16xi32>
      %add3A_153 = arith.addi %add3A_152, %iota3A : vector<16xi32>
      %broadcast_in_dim3A = arith.constant 0.000000e+00 : f32
      %broadcast_in_dim3A_154 = vector.broadcast %broadcast_in_dim3A : f32 to vector<16xf32>
      %scan3A_155 = arith.constant 0 : i32
      %scan3A_156 = arith.constant 65 : i32
      %scan3A_157 = arith.addi %scan3A_155, %scan3A_156 : i32
      %scan3A_158 = arith.constant 1 : i32
      %scan3A_159 = scf.for %scan3A_166 = %scan3A_155 to %scan3A_157 step %scan3A_158 iter_args(%scan3A_167 = %broadcast_in_dim3A_154) -> (vector<16xf32>)  : i32 {
        %broadcast_in_dim3A_168 = arith.constant 0 : i32
        %broadcast_in_dim3A_169 = vector.broadcast %broadcast_in_dim3A_168 : i32 to vector<16xi32>
        %add3A_170 = vector.broadcast %scan3A_166 : i32 to vector<16xi32>
        %add3A_171 = arith.addi %broadcast_in_dim3A_169, %add3A_170 : vector<16xi32>
        %gather3A = arith.constant 0 : i32
        %gather3A_172 = arith.constant 0 : i32
        %gather3A_173 = tpu.memref_slice %arg7[%scan3A_29, %gather3A, %gather3A_172] : memref<2x128x128xf32, #tpu.memory_space<vmem>> -> memref<1x128x128xf32, #tpu.memory_space<vmem>>
        %gather3A_174 = tpu.memref_squeeze %gather3A_173 : memref<1x128x128xf32, #tpu.memory_space<vmem>> -> memref<128x128xf32, #tpu.memory_space<vmem>>
        %gather3A_175 = tpu.vector_load_idx %gather3A_174[%add3A_153, %add3A_171] : memref<128x128xf32, #tpu.memory_space<vmem>>[vector<16xi32>, vector<16xi32>], vector<16xf32>,
        %gather3A_176 = arith.constant 0 : i32
        %gather3A_177 = arith.constant 0 : i32
        %gather3A_178 = tpu.memref_slice %arg7[%scan3A_30, %gather3A_176, %gather3A_177] : memref<2x128x128xf32, #tpu.memory_space<vmem>> -> memref<1x128x128xf32, #tpu.memory_space<vmem>>
        %gather3A_179 = tpu.memref_squeeze %gather3A_178 : memref<1x128x128xf32, #tpu.memory_space<vmem>> -> memref<128x128xf32, #tpu.memory_space<vmem>>
        %gather3A_180 = tpu.vector_load_idx %gather3A_179[%add3A_153, %add3A_171] : memref<128x128xf32, #tpu.memory_space<vmem>>[vector<16xi32>, vector<16xi32>], vector<16xf32>,
        %mul3A_181 = arith.mulf %gather3A_175, %gather3A_180 : vector<16xf32>
        %add3A_182 = arith.addf %scan3A_167, %mul3A_181 : vector<16xf32>
        scf.yield %add3A_182 : vector<16xf32>
      }
      %scan3A_160 = arith.constant 65 : i32
      %mul3A_161 = arith.constant 16 : i32
      %mul3A_162 = arith.muli %scan3A_149, %mul3A_161 : i32
      %add3A_163 = arith.constant 0 : i32
      %add3A_164 = arith.addi %add3A_163, %mul3A_162 : i32
      %swap3A = arith.index_cast %add3A_164 : i32 to index
      %swap3A_165 = tpu.vector_load %arg8[%swap3A] {strides = array<i32>} : memref<512xf32, #tpu.memory_space<vmem>>, vector<16xf32>,
      tpu.vector_store %arg8[%swap3A], %scan3A_159 {strides = array<i32>} : memref<512xf32, #tpu.memory_space<vmem>>, vector<16xf32>,
    }
    %scan3A_35 = arith.constant 8 : i32
    %dma_start3A_36 = arith.constant 1 : i32
    %dma_start3A_37 = arith.constant 0 : i32
    %dma_start3A_38 = arith.constant 0 : i32
    %dma_start3A_39 = arith.constant 0 : i32
    %dma_start3A_40 = tpu.memref_slice %arg7[%dma_start3A_37, %dma_start3A_38, %dma_start3A_39] : memref<2x128x128xf32, #tpu.memory_space<vmem>> -> memref<1x128x128xf32, #tpu.memory_space<vmem>>
    %dma_start3A_41 = tpu.memref_squeeze %dma_start3A_40 : memref<1x128x128xf32, #tpu.memory_space<vmem>> -> memref<128x128xf32, #tpu.memory_space<vmem>>
    %dma_start3A_42 = arith.constant 0 : i32
    %dma_start3A_43 = tpu.memref_slice %arg6[%dma_start3A_36, %dma_start3A_42] : memref<4x128xi32, #tpu.memory_space<vmem>> -> memref<1x128xi32, #tpu.memory_space<vmem>>
    %dma_start3A_44 = tpu.memref_squeeze %dma_start3A_43 : memref<1x128xi32, #tpu.memory_space<vmem>> -> memref<128xi32, #tpu.memory_space<vmem>>
    %dma_start3A_45 = arith.constant 0 : i32
    %dma_start3A_46 = arith.constant 0 : i32
    %dma_start3A_47 = tpu.memref_slice %arg2[%dma_start3A_45, %dma_start3A_46] : memref<1000000x128xf32, #tpu.memory_space<hbm>> -> memref<1000000x128xf32, #tpu.memory_space<hbm>>
    tpu.enqueue_indirect_dma source(%dma_start3A_47 : memref<1000000x128xf32, #tpu.memory_space<hbm>>) target(%dma_start3A_41 : memref<128x128xf32, #tpu.memory_space<vmem>>) offsets(%dma_start3A_44 : memref<128xi32, #tpu.memory_space<vmem>>) semaphore(%arg10 : memref<!tpu.dma_semaphore, #tpu.memory_space<semaphore_mem>>)
    %mul3A_48 = arith.constant 512 : i32
    %mul3A_49 = arith.muli %add3A, %mul3A_48 : i32
    %add3A_50 = arith.constant 128 : i32
    %add3A_51 = arith.addi %mul3A_49, %add3A_50 : i32
    %run_scoped3A_52 = arith.constant 1 : i32
    "tpu.region"() ({
      %run_scoped3A_149 = tpu.sem_alloc : memref<!tpu.dma_semaphore, #tpu.memory_space<semaphore_mem>>
      %dma_start3A_150 = arith.constant 0 : i32
      %dma_start3A_151 = arith.constant 0 : i32
      %dma_start3A_152 = tpu.memref_slice %arg7[%run_scoped3A_52, %dma_start3A_150, %dma_start3A_151] : memref<2x128x128xf32, #tpu.memory_space<vmem>> -> memref<1x128x128xf32, #tpu.memory_space<vmem>>
      %dma_start3A_153 = tpu.memref_squeeze %dma_start3A_152 : memref<1x128x128xf32, #tpu.memory_space<vmem>> -> memref<128x128xf32, #tpu.memory_space<vmem>>
      %dma_start3A_154 = arith.constant 0 : i32
      %dma_start3A_155 = tpu.memref_slice %arg4[%add3A_51, %dma_start3A_154] : memref<16384x128xf32, #tpu.memory_space<hbm>> -> memref<128x128xf32, #tpu.memory_space<hbm>>
      %dma_start3A_156 = arith.constant 0 : i32
      %dma_start3A_157 = arith.constant 0 : i32
      %dma_start3A_158 = tpu.memref_slice %arg7[%run_scoped3A_52, %dma_start3A_156, %dma_start3A_157] : memref<2x128x128xf32, #tpu.memory_space<vmem>> -> memref<1x128x128xf32, #tpu.memory_space<vmem>>
      %dma_start3A_159 = tpu.memref_squeeze %dma_start3A_158 : memref<1x128x128xf32, #tpu.memory_space<vmem>> -> memref<128x128xf32, #tpu.memory_space<vmem>>
      %dma_start3A_160 = arith.constant 0 : i32
      %dma_start3A_161 = tpu.memref_slice %arg4[%add3A_51, %dma_start3A_160] : memref<16384x128xf32, #tpu.memory_space<hbm>> -> memref<128x128xf32, #tpu.memory_space<hbm>>
      tpu.enqueue_dma source(%dma_start3A_161 : memref<128x128xf32, #tpu.memory_space<hbm>>) target(%dma_start3A_159 : memref<128x128xf32, #tpu.memory_space<vmem>>) target_semaphore(%run_scoped3A_149 : memref<!tpu.dma_semaphore, #tpu.memory_space<semaphore_mem>>)
      %dma_wait3A_162 = arith.constant 0 : i32
      %dma_wait3A_163 = arith.constant 0 : i32
      %dma_wait3A_164 = tpu.memref_slice %arg7[%run_scoped3A_52, %dma_wait3A_162, %dma_wait3A_163] : memref<2x128x128xf32, #tpu.memory_space<vmem>> -> memref<1x128x128xf32, #tpu.memory_space<vmem>>
      %dma_wait3A_165 = tpu.memref_squeeze %dma_wait3A_164 : memref<1x128x128xf32, #tpu.memory_space<vmem>> -> memref<128x128xf32, #tpu.memory_space<vmem>>
      %dma_wait3A_166 = arith.constant 0 : i32
      %dma_wait3A_167 = tpu.memref_slice %arg4[%add3A_51, %dma_wait3A_166] : memref<16384x128xf32, #tpu.memory_space<hbm>> -> memref<128x128xf32, #tpu.memory_space<hbm>>
      %dma_wait3A_168 = arith.constant 0 : i32
      %dma_wait3A_169 = arith.constant 0 : i32
      %dma_wait3A_170 = tpu.memref_slice %arg7[%run_scoped3A_52, %dma_wait3A_168, %dma_wait3A_169] : memref<2x128x128xf32, #tpu.memory_space<vmem>> -> memref<1x128x128xf32, #tpu.memory_space<vmem>>
      %dma_wait3A_171 = tpu.memref_squeeze %dma_wait3A_170 : memref<1x128x128xf32, #tpu.memory_space<vmem>> -> memref<128x128xf32, #tpu.memory_space<vmem>>
      %dma_wait3A_172 = arith.constant 0 : i32
      %dma_wait3A_173 = tpu.memref_slice %arg4[%add3A_51, %dma_wait3A_172] : memref<16384x128xf32, #tpu.memory_space<hbm>> -> memref<128x128xf32, #tpu.memory_space<hbm>>
      tpu.wait_dma2 semaphore(%run_scoped3A_149 : memref<!tpu.dma_semaphore, #tpu.memory_space<semaphore_mem>>) src(%dma_wait3A_173 : memref<128x128xf32, #tpu.memory_space<hbm>>) dst(%dma_wait3A_171 : memref<128x128xf32, #tpu.memory_space<vmem>>)
      tpu.yield
    }) : () -> ()
    %dma_wait3A_53 = arith.constant 1 : i32
    %dma_wait3A_54 = arith.constant 0 : i32
    %dma_wait3A_55 = arith.constant 0 : i32
    %dma_wait3A_56 = arith.constant 0 : i32
    %dma_wait3A_57 = tpu.memref_slice %arg7[%dma_wait3A_54, %dma_wait3A_55, %dma_wait3A_56] : memref<2x128x128xf32, #tpu.memory_space<vmem>> -> memref<1x128x128xf32, #tpu.memory_space<vmem>>
    %dma_wait3A_58 = tpu.memref_squeeze %dma_wait3A_57 : memref<1x128x128xf32, #tpu.memory_space<vmem>> -> memref<128x128xf32, #tpu.memory_space<vmem>>
    %dma_wait3A_59 = arith.constant 0 : i32
    %dma_wait3A_60 = tpu.memref_slice %arg6[%dma_wait3A_53, %dma_wait3A_59] : memref<4x128xi32, #tpu.memory_space<vmem>> -> memref<1x128xi32, #tpu.memory_space<vmem>>
    %dma_wait3A_61 = tpu.memref_squeeze %dma_wait3A_60 : memref<1x128xi32, #tpu.memory_space<vmem>> -> memref<128xi32, #tpu.memory_space<vmem>>
    %dma_wait3A_62 = arith.constant 0 : i32
    %dma_wait3A_63 = arith.constant 0 : i32
    %dma_wait3A_64 = tpu.memref_slice %arg2[%dma_wait3A_62, %dma_wait3A_63] : memref<1000000x128xf32, #tpu.memory_space<hbm>> -> memref<1000000x128xf32, #tpu.memory_space<hbm>>
    tpu.wait_indirect_dma semaphore(%arg10 : memref<!tpu.dma_semaphore, #tpu.memory_space<semaphore_mem>>) src(%dma_wait3A_64 : memref<1000000x128xf32, #tpu.memory_space<hbm>>) dst(%dma_wait3A_58 : memref<128x128xf32, #tpu.memory_space<vmem>>)
    %scan3A_65 = arith.constant 0 : i32
    %scan3A_66 = arith.constant 0 : i32
    %scan3A_67 = arith.constant 1 : i32
    %scan3A_68 = arith.constant 0 : i32
    %scan3A_69 = arith.constant 8 : i32
    %scan3A_70 = arith.addi %scan3A_68, %scan3A_69 : i32
    %scan3A_71 = arith.constant 1 : i32
    scf.for %scan3A_149 = %scan3A_68 to %scan3A_70 step %scan3A_71  : i32 {
      %mul3A_150 = arith.constant 16 : i32
      %mul3A_151 = arith.muli %scan3A_149, %mul3A_150 : i32
      %add3A_152 = vector.broadcast %mul3A_151 : i32 to vector<16xi32>
      %add3A_153 = arith.addi %add3A_152, %iota3A : vector<16xi32>
      %broadcast_in_dim3A = arith.constant 0.000000e+00 : f32
      %broadcast_in_dim3A_154 = vector.broadcast %broadcast_in_dim3A : f32 to vector<16xf32>
      %scan3A_155 = arith.constant 0 : i32
      %scan3A_156 = arith.constant 65 : i32
      %scan3A_157 = arith.addi %scan3A_155, %scan3A_156 : i32
      %scan3A_158 = arith.constant 1 : i32
      %scan3A_159 = scf.for %scan3A_166 = %scan3A_155 to %scan3A_157 step %scan3A_158 iter_args(%scan3A_167 = %broadcast_in_dim3A_154) -> (vector<16xf32>)  : i32 {
        %broadcast_in_dim3A_168 = arith.constant 0 : i32
        %broadcast_in_dim3A_169 = vector.broadcast %broadcast_in_dim3A_168 : i32 to vector<16xi32>
        %add3A_170 = vector.broadcast %scan3A_166 : i32 to vector<16xi32>
        %add3A_171 = arith.addi %broadcast_in_dim3A_169, %add3A_170 : vector<16xi32>
        %gather3A = arith.constant 0 : i32
        %gather3A_172 = arith.constant 0 : i32
        %gather3A_173 = tpu.memref_slice %arg7[%scan3A_66, %gather3A, %gather3A_172] : memref<2x128x128xf32, #tpu.memory_space<vmem>> -> memref<1x128x128xf32, #tpu.memory_space<vmem>>
        %gather3A_174 = tpu.memref_squeeze %gather3A_173 : memref<1x128x128xf32, #tpu.memory_space<vmem>> -> memref<128x128xf32, #tpu.memory_space<vmem>>
        %gather3A_175 = tpu.vector_load_idx %gather3A_174[%add3A_153, %add3A_171] : memref<128x128xf32, #tpu.memory_space<vmem>>[vector<16xi32>, vector<16xi32>], vector<16xf32>,
        %gather3A_176 = arith.constant 0 : i32
        %gather3A_177 = arith.constant 0 : i32
        %gather3A_178 = tpu.memref_slice %arg7[%scan3A_67, %gather3A_176, %gather3A_177] : memref<2x128x128xf32, #tpu.memory_space<vmem>> -> memref<1x128x128xf32, #tpu.memory_space<vmem>>
        %gather3A_179 = tpu.memref_squeeze %gather3A_178 : memref<1x128x128xf32, #tpu.memory_space<vmem>> -> memref<128x128xf32, #tpu.memory_space<vmem>>
        %gather3A_180 = tpu.vector_load_idx %gather3A_179[%add3A_153, %add3A_171] : memref<128x128xf32, #tpu.memory_space<vmem>>[vector<16xi32>, vector<16xi32>], vector<16xf32>,
        %mul3A_181 = arith.mulf %gather3A_175, %gather3A_180 : vector<16xf32>
        %add3A_182 = arith.addf %scan3A_167, %mul3A_181 : vector<16xf32>
        scf.yield %add3A_182 : vector<16xf32>
      }
      %scan3A_160 = arith.constant 65 : i32
      %mul3A_161 = arith.constant 16 : i32
      %mul3A_162 = arith.muli %scan3A_149, %mul3A_161 : i32
      %add3A_163 = arith.constant 128 : i32
      %add3A_164 = arith.addi %add3A_163, %mul3A_162 : i32
      %swap3A = arith.index_cast %add3A_164 : i32 to index
      %swap3A_165 = tpu.vector_load %arg8[%swap3A] {strides = array<i32>} : memref<512xf32, #tpu.memory_space<vmem>>, vector<16xf32>,
      tpu.vector_store %arg8[%swap3A], %scan3A_159 {strides = array<i32>} : memref<512xf32, #tpu.memory_space<vmem>>, vector<16xf32>,
    }
    %scan3A_72 = arith.constant 8 : i32
    %dma_start3A_73 = arith.constant 2 : i32
    %dma_start3A_74 = arith.constant 0 : i32
    %dma_start3A_75 = arith.constant 0 : i32
    %dma_start3A_76 = arith.constant 0 : i32
    %dma_start3A_77 = tpu.memref_slice %arg7[%dma_start3A_74, %dma_start3A_75, %dma_start3A_76] : memref<2x128x128xf32, #tpu.memory_space<vmem>> -> memref<1x128x128xf32, #tpu.memory_space<vmem>>
    %dma_start3A_78 = tpu.memref_squeeze %dma_start3A_77 : memref<1x128x128xf32, #tpu.memory_space<vmem>> -> memref<128x128xf32, #tpu.memory_space<vmem>>
    %dma_start3A_79 = arith.constant 0 : i32
    %dma_start3A_80 = tpu.memref_slice %arg6[%dma_start3A_73, %dma_start3A_79] : memref<4x128xi32, #tpu.memory_space<vmem>> -> memref<1x128xi32, #tpu.memory_space<vmem>>
    %dma_start3A_81 = tpu.memref_squeeze %dma_start3A_80 : memref<1x128xi32, #tpu.memory_space<vmem>> -> memref<128xi32, #tpu.memory_space<vmem>>
    %dma_start3A_82 = arith.constant 0 : i32
    %dma_start3A_83 = arith.constant 0 : i32
    %dma_start3A_84 = tpu.memref_slice %arg2[%dma_start3A_82, %dma_start3A_83] : memref<1000000x128xf32, #tpu.memory_space<hbm>> -> memref<1000000x128xf32, #tpu.memory_space<hbm>>
    tpu.enqueue_indirect_dma source(%dma_start3A_84 : memref<1000000x128xf32, #tpu.memory_space<hbm>>) target(%dma_start3A_78 : memref<128x128xf32, #tpu.memory_space<vmem>>) offsets(%dma_start3A_81 : memref<128xi32, #tpu.memory_space<vmem>>) semaphore(%arg10 : memref<!tpu.dma_semaphore, #tpu.memory_space<semaphore_mem>>)
    %mul3A_85 = arith.constant 512 : i32
    %mul3A_86 = arith.muli %add3A, %mul3A_85 : i32
    %add3A_87 = arith.constant 256 : i32
    %add3A_88 = arith.addi %mul3A_86, %add3A_87 : i32
    %run_scoped3A_89 = arith.constant 1 : i32
    "tpu.region"() ({
      %run_scoped3A_149 = tpu.sem_alloc : memref<!tpu.dma_semaphore, #tpu.memory_space<semaphore_mem>>
      %dma_start3A_150 = arith.constant 0 : i32
      %dma_start3A_151 = arith.constant 0 : i32
      %dma_start3A_152 = tpu.memref_slice %arg7[%run_scoped3A_89, %dma_start3A_150, %dma_start3A_151] : memref<2x128x128xf32, #tpu.memory_space<vmem>> -> memref<1x128x128xf32, #tpu.memory_space<vmem>>
      %dma_start3A_153 = tpu.memref_squeeze %dma_start3A_152 : memref<1x128x128xf32, #tpu.memory_space<vmem>> -> memref<128x128xf32, #tpu.memory_space<vmem>>
      %dma_start3A_154 = arith.constant 0 : i32
      %dma_start3A_155 = tpu.memref_slice %arg4[%add3A_88, %dma_start3A_154] : memref<16384x128xf32, #tpu.memory_space<hbm>> -> memref<128x128xf32, #tpu.memory_space<hbm>>
      %dma_start3A_156 = arith.constant 0 : i32
      %dma_start3A_157 = arith.constant 0 : i32
      %dma_start3A_158 = tpu.memref_slice %arg7[%run_scoped3A_89, %dma_start3A_156, %dma_start3A_157] : memref<2x128x128xf32, #tpu.memory_space<vmem>> -> memref<1x128x128xf32, #tpu.memory_space<vmem>>
      %dma_start3A_159 = tpu.memref_squeeze %dma_start3A_158 : memref<1x128x128xf32, #tpu.memory_space<vmem>> -> memref<128x128xf32, #tpu.memory_space<vmem>>
      %dma_start3A_160 = arith.constant 0 : i32
      %dma_start3A_161 = tpu.memref_slice %arg4[%add3A_88, %dma_start3A_160] : memref<16384x128xf32, #tpu.memory_space<hbm>> -> memref<128x128xf32, #tpu.memory_space<hbm>>
      tpu.enqueue_dma source(%dma_start3A_161 : memref<128x128xf32, #tpu.memory_space<hbm>>) target(%dma_start3A_159 : memref<128x128xf32, #tpu.memory_space<vmem>>) target_semaphore(%run_scoped3A_149 : memref<!tpu.dma_semaphore, #tpu.memory_space<semaphore_mem>>)
      %dma_wait3A_162 = arith.constant 0 : i32
      %dma_wait3A_163 = arith.constant 0 : i32
      %dma_wait3A_164 = tpu.memref_slice %arg7[%run_scoped3A_89, %dma_wait3A_162, %dma_wait3A_163] : memref<2x128x128xf32, #tpu.memory_space<vmem>> -> memref<1x128x128xf32, #tpu.memory_space<vmem>>
      %dma_wait3A_165 = tpu.memref_squeeze %dma_wait3A_164 : memref<1x128x128xf32, #tpu.memory_space<vmem>> -> memref<128x128xf32, #tpu.memory_space<vmem>>
      %dma_wait3A_166 = arith.constant 0 : i32
      %dma_wait3A_167 = tpu.memref_slice %arg4[%add3A_88, %dma_wait3A_166] : memref<16384x128xf32, #tpu.memory_space<hbm>> -> memref<128x128xf32, #tpu.memory_space<hbm>>
      %dma_wait3A_168 = arith.constant 0 : i32
      %dma_wait3A_169 = arith.constant 0 : i32
      %dma_wait3A_170 = tpu.memref_slice %arg7[%run_scoped3A_89, %dma_wait3A_168, %dma_wait3A_169] : memref<2x128x128xf32, #tpu.memory_space<vmem>> -> memref<1x128x128xf32, #tpu.memory_space<vmem>>
      %dma_wait3A_171 = tpu.memref_squeeze %dma_wait3A_170 : memref<1x128x128xf32, #tpu.memory_space<vmem>> -> memref<128x128xf32, #tpu.memory_space<vmem>>
      %dma_wait3A_172 = arith.constant 0 : i32
      %dma_wait3A_173 = tpu.memref_slice %arg4[%add3A_88, %dma_wait3A_172] : memref<16384x128xf32, #tpu.memory_space<hbm>> -> memref<128x128xf32, #tpu.memory_space<hbm>>
      tpu.wait_dma2 semaphore(%run_scoped3A_149 : memref<!tpu.dma_semaphore, #tpu.memory_space<semaphore_mem>>) src(%dma_wait3A_173 : memref<128x128xf32, #tpu.memory_space<hbm>>) dst(%dma_wait3A_171 : memref<128x128xf32, #tpu.memory_space<vmem>>)
      tpu.yield
    }) : () -> ()
    %dma_wait3A_90 = arith.constant 2 : i32
    %dma_wait3A_91 = arith.constant 0 : i32
    %dma_wait3A_92 = arith.constant 0 : i32
    %dma_wait3A_93 = arith.constant 0 : i32
    %dma_wait3A_94 = tpu.memref_slice %arg7[%dma_wait3A_91, %dma_wait3A_92, %dma_wait3A_93] : memref<2x128x128xf32, #tpu.memory_space<vmem>> -> memref<1x128x128xf32, #tpu.memory_space<vmem>>
    %dma_wait3A_95 = tpu.memref_squeeze %dma_wait3A_94 : memref<1x128x128xf32, #tpu.memory_space<vmem>> -> memref<128x128xf32, #tpu.memory_space<vmem>>
    %dma_wait3A_96 = arith.constant 0 : i32
    %dma_wait3A_97 = tpu.memref_slice %arg6[%dma_wait3A_90, %dma_wait3A_96] : memref<4x128xi32, #tpu.memory_space<vmem>> -> memref<1x128xi32, #tpu.memory_space<vmem>>
    %dma_wait3A_98 = tpu.memref_squeeze %dma_wait3A_97 : memref<1x128xi32, #tpu.memory_space<vmem>> -> memref<128xi32, #tpu.memory_space<vmem>>
    %dma_wait3A_99 = arith.constant 0 : i32
    %dma_wait3A_100 = arith.constant 0 : i32
    %dma_wait3A_101 = tpu.memref_slice %arg2[%dma_wait3A_99, %dma_wait3A_100] : memref<1000000x128xf32, #tpu.memory_space<hbm>> -> memref<1000000x128xf32, #tpu.memory_space<hbm>>
    tpu.wait_indirect_dma semaphore(%arg10 : memref<!tpu.dma_semaphore, #tpu.memory_space<semaphore_mem>>) src(%dma_wait3A_101 : memref<1000000x128xf32, #tpu.memory_space<hbm>>) dst(%dma_wait3A_95 : memref<128x128xf32, #tpu.memory_space<vmem>>)
    %scan3A_102 = arith.constant 0 : i32
    %scan3A_103 = arith.constant 0 : i32
    %scan3A_104 = arith.constant 1 : i32
    %scan3A_105 = arith.constant 0 : i32
    %scan3A_106 = arith.constant 8 : i32
    %scan3A_107 = arith.addi %scan3A_105, %scan3A_106 : i32
    %scan3A_108 = arith.constant 1 : i32
    scf.for %scan3A_149 = %scan3A_105 to %scan3A_107 step %scan3A_108  : i32 {
      %mul3A_150 = arith.constant 16 : i32
      %mul3A_151 = arith.muli %scan3A_149, %mul3A_150 : i32
      %add3A_152 = vector.broadcast %mul3A_151 : i32 to vector<16xi32>
      %add3A_153 = arith.addi %add3A_152, %iota3A : vector<16xi32>
      %broadcast_in_dim3A = arith.constant 0.000000e+00 : f32
      %broadcast_in_dim3A_154 = vector.broadcast %broadcast_in_dim3A : f32 to vector<16xf32>
      %scan3A_155 = arith.constant 0 : i32
      %scan3A_156 = arith.constant 65 : i32
      %scan3A_157 = arith.addi %scan3A_155, %scan3A_156 : i32
      %scan3A_158 = arith.constant 1 : i32
      %scan3A_159 = scf.for %scan3A_166 = %scan3A_155 to %scan3A_157 step %scan3A_158 iter_args(%scan3A_167 = %broadcast_in_dim3A_154) -> (vector<16xf32>)  : i32 {
        %broadcast_in_dim3A_168 = arith.constant 0 : i32
        %broadcast_in_dim3A_169 = vector.broadcast %broadcast_in_dim3A_168 : i32 to vector<16xi32>
        %add3A_170 = vector.broadcast %scan3A_166 : i32 to vector<16xi32>
        %add3A_171 = arith.addi %broadcast_in_dim3A_169, %add3A_170 : vector<16xi32>
        %gather3A = arith.constant 0 : i32
        %gather3A_172 = arith.constant 0 : i32
        %gather3A_173 = tpu.memref_slice %arg7[%scan3A_103, %gather3A, %gather3A_172] : memref<2x128x128xf32, #tpu.memory_space<vmem>> -> memref<1x128x128xf32, #tpu.memory_space<vmem>>
        %gather3A_174 = tpu.memref_squeeze %gather3A_173 : memref<1x128x128xf32, #tpu.memory_space<vmem>> -> memref<128x128xf32, #tpu.memory_space<vmem>>
        %gather3A_175 = tpu.vector_load_idx %gather3A_174[%add3A_153, %add3A_171] : memref<128x128xf32, #tpu.memory_space<vmem>>[vector<16xi32>, vector<16xi32>], vector<16xf32>,
        %gather3A_176 = arith.constant 0 : i32
        %gather3A_177 = arith.constant 0 : i32
        %gather3A_178 = tpu.memref_slice %arg7[%scan3A_104, %gather3A_176, %gather3A_177] : memref<2x128x128xf32, #tpu.memory_space<vmem>> -> memref<1x128x128xf32, #tpu.memory_space<vmem>>
        %gather3A_179 = tpu.memref_squeeze %gather3A_178 : memref<1x128x128xf32, #tpu.memory_space<vmem>> -> memref<128x128xf32, #tpu.memory_space<vmem>>
        %gather3A_180 = tpu.vector_load_idx %gather3A_179[%add3A_153, %add3A_171] : memref<128x128xf32, #tpu.memory_space<vmem>>[vector<16xi32>, vector<16xi32>], vector<16xf32>,
        %mul3A_181 = arith.mulf %gather3A_175, %gather3A_180 : vector<16xf32>
        %add3A_182 = arith.addf %scan3A_167, %mul3A_181 : vector<16xf32>
        scf.yield %add3A_182 : vector<16xf32>
      }
      %scan3A_160 = arith.constant 65 : i32
      %mul3A_161 = arith.constant 16 : i32
      %mul3A_162 = arith.muli %scan3A_149, %mul3A_161 : i32
      %add3A_163 = arith.constant 256 : i32
      %add3A_164 = arith.addi %add3A_163, %mul3A_162 : i32
      %swap3A = arith.index_cast %add3A_164 : i32 to index
      %swap3A_165 = tpu.vector_load %arg8[%swap3A] {strides = array<i32>} : memref<512xf32, #tpu.memory_space<vmem>>, vector<16xf32>,
      tpu.vector_store %arg8[%swap3A], %scan3A_159 {strides = array<i32>} : memref<512xf32, #tpu.memory_space<vmem>>, vector<16xf32>,
    }
    %scan3A_109 = arith.constant 8 : i32
    %dma_start3A_110 = arith.constant 3 : i32
    %dma_start3A_111 = arith.constant 0 : i32
    %dma_start3A_112 = arith.constant 0 : i32
    %dma_start3A_113 = arith.constant 0 : i32
    %dma_start3A_114 = tpu.memref_slice %arg7[%dma_start3A_111, %dma_start3A_112, %dma_start3A_113] : memref<2x128x128xf32, #tpu.memory_space<vmem>> -> memref<1x128x128xf32, #tpu.memory_space<vmem>>
    %dma_start3A_115 = tpu.memref_squeeze %dma_start3A_114 : memref<1x128x128xf32, #tpu.memory_space<vmem>> -> memref<128x128xf32, #tpu.memory_space<vmem>>
    %dma_start3A_116 = arith.constant 0 : i32
    %dma_start3A_117 = tpu.memref_slice %arg6[%dma_start3A_110, %dma_start3A_116] : memref<4x128xi32, #tpu.memory_space<vmem>> -> memref<1x128xi32, #tpu.memory_space<vmem>>
    %dma_start3A_118 = tpu.memref_squeeze %dma_start3A_117 : memref<1x128xi32, #tpu.memory_space<vmem>> -> memref<128xi32, #tpu.memory_space<vmem>>
    %dma_start3A_119 = arith.constant 0 : i32
    %dma_start3A_120 = arith.constant 0 : i32
    %dma_start3A_121 = tpu.memref_slice %arg2[%dma_start3A_119, %dma_start3A_120] : memref<1000000x128xf32, #tpu.memory_space<hbm>> -> memref<1000000x128xf32, #tpu.memory_space<hbm>>
    tpu.enqueue_indirect_dma source(%dma_start3A_121 : memref<1000000x128xf32, #tpu.memory_space<hbm>>) target(%dma_start3A_115 : memref<128x128xf32, #tpu.memory_space<vmem>>) offsets(%dma_start3A_118 : memref<128xi32, #tpu.memory_space<vmem>>) semaphore(%arg10 : memref<!tpu.dma_semaphore, #tpu.memory_space<semaphore_mem>>)
    %mul3A_122 = arith.constant 512 : i32
    %mul3A_123 = arith.muli %add3A, %mul3A_122 : i32
    %add3A_124 = arith.constant 384 : i32
    %add3A_125 = arith.addi %mul3A_123, %add3A_124 : i32
    %run_scoped3A_126 = arith.constant 1 : i32
    "tpu.region"() ({
      %run_scoped3A_149 = tpu.sem_alloc : memref<!tpu.dma_semaphore, #tpu.memory_space<semaphore_mem>>
      %dma_start3A_150 = arith.constant 0 : i32
      %dma_start3A_151 = arith.constant 0 : i32
      %dma_start3A_152 = tpu.memref_slice %arg7[%run_scoped3A_126, %dma_start3A_150, %dma_start3A_151] : memref<2x128x128xf32, #tpu.memory_space<vmem>> -> memref<1x128x128xf32, #tpu.memory_space<vmem>>
      %dma_start3A_153 = tpu.memref_squeeze %dma_start3A_152 : memref<1x128x128xf32, #tpu.memory_space<vmem>> -> memref<128x128xf32, #tpu.memory_space<vmem>>
      %dma_start3A_154 = arith.constant 0 : i32
      %dma_start3A_155 = tpu.memref_slice %arg4[%add3A_125, %dma_start3A_154] : memref<16384x128xf32, #tpu.memory_space<hbm>> -> memref<128x128xf32, #tpu.memory_space<hbm>>
      %dma_start3A_156 = arith.constant 0 : i32
      %dma_start3A_157 = arith.constant 0 : i32
      %dma_start3A_158 = tpu.memref_slice %arg7[%run_scoped3A_126, %dma_start3A_156, %dma_start3A_157] : memref<2x128x128xf32, #tpu.memory_space<vmem>> -> memref<1x128x128xf32, #tpu.memory_space<vmem>>
      %dma_start3A_159 = tpu.memref_squeeze %dma_start3A_158 : memref<1x128x128xf32, #tpu.memory_space<vmem>> -> memref<128x128xf32, #tpu.memory_space<vmem>>
      %dma_start3A_160 = arith.constant 0 : i32
      %dma_start3A_161 = tpu.memref_slice %arg4[%add3A_125, %dma_start3A_160] : memref<16384x128xf32, #tpu.memory_space<hbm>> -> memref<128x128xf32, #tpu.memory_space<hbm>>
      tpu.enqueue_dma source(%dma_start3A_161 : memref<128x128xf32, #tpu.memory_space<hbm>>) target(%dma_start3A_159 : memref<128x128xf32, #tpu.memory_space<vmem>>) target_semaphore(%run_scoped3A_149 : memref<!tpu.dma_semaphore, #tpu.memory_space<semaphore_mem>>)
      %dma_wait3A_162 = arith.constant 0 : i32
      %dma_wait3A_163 = arith.constant 0 : i32
      %dma_wait3A_164 = tpu.memref_slice %arg7[%run_scoped3A_126, %dma_wait3A_162, %dma_wait3A_163] : memref<2x128x128xf32, #tpu.memory_space<vmem>> -> memref<1x128x128xf32, #tpu.memory_space<vmem>>
      %dma_wait3A_165 = tpu.memref_squeeze %dma_wait3A_164 : memref<1x128x128xf32, #tpu.memory_space<vmem>> -> memref<128x128xf32, #tpu.memory_space<vmem>>
      %dma_wait3A_166 = arith.constant 0 : i32
      %dma_wait3A_167 = tpu.memref_slice %arg4[%add3A_125, %dma_wait3A_166] : memref<16384x128xf32, #tpu.memory_space<hbm>> -> memref<128x128xf32, #tpu.memory_space<hbm>>
      %dma_wait3A_168 = arith.constant 0 : i32
      %dma_wait3A_169 = arith.constant 0 : i32
      %dma_wait3A_170 = tpu.memref_slice %arg7[%run_scoped3A_126, %dma_wait3A_168, %dma_wait3A_169] : memref<2x128x128xf32, #tpu.memory_space<vmem>> -> memref<1x128x128xf32, #tpu.memory_space<vmem>>
      %dma_wait3A_171 = tpu.memref_squeeze %dma_wait3A_170 : memref<1x128x128xf32, #tpu.memory_space<vmem>> -> memref<128x128xf32, #tpu.memory_space<vmem>>
      %dma_wait3A_172 = arith.constant 0 : i32
      %dma_wait3A_173 = tpu.memref_slice %arg4[%add3A_125, %dma_wait3A_172] : memref<16384x128xf32, #tpu.memory_space<hbm>> -> memref<128x128xf32, #tpu.memory_space<hbm>>
      tpu.wait_dma2 semaphore(%run_scoped3A_149 : memref<!tpu.dma_semaphore, #tpu.memory_space<semaphore_mem>>) src(%dma_wait3A_173 : memref<128x128xf32, #tpu.memory_space<hbm>>) dst(%dma_wait3A_171 : memref<128x128xf32, #tpu.memory_space<vmem>>)
      tpu.yield
    }) : () -> ()
    %dma_wait3A_127 = arith.constant 3 : i32
    %dma_wait3A_128 = arith.constant 0 : i32
    %dma_wait3A_129 = arith.constant 0 : i32
    %dma_wait3A_130 = arith.constant 0 : i32
    %dma_wait3A_131 = tpu.memref_slice %arg7[%dma_wait3A_128, %dma_wait3A_129, %dma_wait3A_130] : memref<2x128x128xf32, #tpu.memory_space<vmem>> -> memref<1x128x128xf32, #tpu.memory_space<vmem>>
    %dma_wait3A_132 = tpu.memref_squeeze %dma_wait3A_131 : memref<1x128x128xf32, #tpu.memory_space<vmem>> -> memref<128x128xf32, #tpu.memory_space<vmem>>
    %dma_wait3A_133 = arith.constant 0 : i32
    %dma_wait3A_134 = tpu.memref_slice %arg6[%dma_wait3A_127, %dma_wait3A_133] : memref<4x128xi32, #tpu.memory_space<vmem>> -> memref<1x128xi32, #tpu.memory_space<vmem>>
    %dma_wait3A_135 = tpu.memref_squeeze %dma_wait3A_134 : memref<1x128xi32, #tpu.memory_space<vmem>> -> memref<128xi32, #tpu.memory_space<vmem>>
    %dma_wait3A_136 = arith.constant 0 : i32
    %dma_wait3A_137 = arith.constant 0 : i32
    %dma_wait3A_138 = tpu.memref_slice %arg2[%dma_wait3A_136, %dma_wait3A_137] : memref<1000000x128xf32, #tpu.memory_space<hbm>> -> memref<1000000x128xf32, #tpu.memory_space<hbm>>
    tpu.wait_indirect_dma semaphore(%arg10 : memref<!tpu.dma_semaphore, #tpu.memory_space<semaphore_mem>>) src(%dma_wait3A_138 : memref<1000000x128xf32, #tpu.memory_space<hbm>>) dst(%dma_wait3A_132 : memref<128x128xf32, #tpu.memory_space<vmem>>)
    %scan3A_139 = arith.constant 0 : i32
    %scan3A_140 = arith.constant 0 : i32
    %scan3A_141 = arith.constant 1 : i32
    %scan3A_142 = arith.constant 0 : i32
    %scan3A_143 = arith.constant 8 : i32
    %scan3A_144 = arith.addi %scan3A_142, %scan3A_143 : i32
    %scan3A_145 = arith.constant 1 : i32
    scf.for %scan3A_149 = %scan3A_142 to %scan3A_144 step %scan3A_145  : i32 {
      %mul3A_150 = arith.constant 16 : i32
      %mul3A_151 = arith.muli %scan3A_149, %mul3A_150 : i32
      %add3A_152 = vector.broadcast %mul3A_151 : i32 to vector<16xi32>
      %add3A_153 = arith.addi %add3A_152, %iota3A : vector<16xi32>
      %broadcast_in_dim3A = arith.constant 0.000000e+00 : f32
      %broadcast_in_dim3A_154 = vector.broadcast %broadcast_in_dim3A : f32 to vector<16xf32>
      %scan3A_155 = arith.constant 0 : i32
      %scan3A_156 = arith.constant 65 : i32
      %scan3A_157 = arith.addi %scan3A_155, %scan3A_156 : i32
      %scan3A_158 = arith.constant 1 : i32
      %scan3A_159 = scf.for %scan3A_166 = %scan3A_155 to %scan3A_157 step %scan3A_158 iter_args(%scan3A_167 = %broadcast_in_dim3A_154) -> (vector<16xf32>)  : i32 {
        %broadcast_in_dim3A_168 = arith.constant 0 : i32
        %broadcast_in_dim3A_169 = vector.broadcast %broadcast_in_dim3A_168 : i32 to vector<16xi32>
        %add3A_170 = vector.broadcast %scan3A_166 : i32 to vector<16xi32>
        %add3A_171 = arith.addi %broadcast_in_dim3A_169, %add3A_170 : vector<16xi32>
        %gather3A = arith.constant 0 : i32
        %gather3A_172 = arith.constant 0 : i32
        %gather3A_173 = tpu.memref_slice %arg7[%scan3A_140, %gather3A, %gather3A_172] : memref<2x128x128xf32, #tpu.memory_space<vmem>> -> memref<1x128x128xf32, #tpu.memory_space<vmem>>
        %gather3A_174 = tpu.memref_squeeze %gather3A_173 : memref<1x128x128xf32, #tpu.memory_space<vmem>> -> memref<128x128xf32, #tpu.memory_space<vmem>>
        %gather3A_175 = tpu.vector_load_idx %gather3A_174[%add3A_153, %add3A_171] : memref<128x128xf32, #tpu.memory_space<vmem>>[vector<16xi32>, vector<16xi32>], vector<16xf32>,
        %gather3A_176 = arith.constant 0 : i32
        %gather3A_177 = arith.constant 0 : i32
        %gather3A_178 = tpu.memref_slice %arg7[%scan3A_141, %gather3A_176, %gather3A_177] : memref<2x128x128xf32, #tpu.memory_space<vmem>> -> memref<1x128x128xf32, #tpu.memory_space<vmem>>
        %gather3A_179 = tpu.memref_squeeze %gather3A_178 : memref<1x128x128xf32, #tpu.memory_space<vmem>> -> memref<128x128xf32, #tpu.memory_space<vmem>>
        %gather3A_180 = tpu.vector_load_idx %gather3A_179[%add3A_153, %add3A_171] : memref<128x128xf32, #tpu.memory_space<vmem>>[vector<16xi32>, vector<16xi32>], vector<16xf32>,
        %mul3A_181 = arith.mulf %gather3A_175, %gather3A_180 : vector<16xf32>
        %add3A_182 = arith.addf %scan3A_167, %mul3A_181 : vector<16xf32>
        scf.yield %add3A_182 : vector<16xf32>
      }
      %scan3A_160 = arith.constant 65 : i32
      %mul3A_161 = arith.constant 16 : i32
      %mul3A_162 = arith.muli %scan3A_149, %mul3A_161 : i32
      %add3A_163 = arith.constant 384 : i32
      %add3A_164 = arith.addi %add3A_163, %mul3A_162 : i32
      %swap3A = arith.index_cast %add3A_164 : i32 to index
      %swap3A_165 = tpu.vector_load %arg8[%swap3A] {strides = array<i32>} : memref<512xf32, #tpu.memory_space<vmem>>, vector<16xf32>,
      tpu.vector_store %arg8[%swap3A], %scan3A_159 {strides = array<i32>} : memref<512xf32, #tpu.memory_space<vmem>>, vector<16xf32>,
    }
    %scan3A_146 = arith.constant 8 : i32
    %mul3A_147 = arith.constant 512 : i32
    %mul3A_148 = arith.muli %add3A, %mul3A_147 : i32
    "tpu.region"() ({
      %run_scoped3A_149 = tpu.sem_alloc : memref<!tpu.dma_semaphore, #tpu.memory_space<semaphore_mem>>
      %dma_start3A_150 = tpu.memref_slice %arg5[%mul3A_148] : memref<16384xf32, #tpu.memory_space<hbm>> -> memref<512xf32, #tpu.memory_space<hbm>>
      %dma_start3A_151 = tpu.memref_slice %arg5[%mul3A_148] : memref<16384xf32, #tpu.memory_space<hbm>> -> memref<512xf32, #tpu.memory_space<hbm>>
      tpu.enqueue_dma source(%arg8 : memref<512xf32, #tpu.memory_space<vmem>>) target(%dma_start3A_151 : memref<512xf32, #tpu.memory_space<hbm>>) target_semaphore(%run_scoped3A_149 : memref<!tpu.dma_semaphore, #tpu.memory_space<semaphore_mem>>)
      %dma_wait3A_152 = tpu.memref_slice %arg5[%mul3A_148] : memref<16384xf32, #tpu.memory_space<hbm>> -> memref<512xf32, #tpu.memory_space<hbm>>
      %dma_wait3A_153 = tpu.memref_slice %arg5[%mul3A_148] : memref<16384xf32, #tpu.memory_space<hbm>> -> memref<512xf32, #tpu.memory_space<hbm>>
      tpu.wait_dma2 semaphore(%run_scoped3A_149 : memref<!tpu.dma_semaphore, #tpu.memory_space<semaphore_mem>>) src(%arg8 : memref<512xf32, #tpu.memory_space<vmem>>) dst(%dma_wait3A_153 : memref<512xf32, #tpu.memory_space<hbm>>)
      tpu.yield
    }) : () -> ()
    return
  }
}

</mosaic_0001>

<sc_bundles>
// kernel: kernel.4.cloned.1.call-start
scs
__scs_entry_jumppad:
0x0: {  	(pc) =	sbr.rel $0x88, $3  }
0x1: {  	(tag) =	ssettag $0x0;
	lr =	simm.s32 $0x1  }
0x2: {  	[smem:$0x3F9D] =	sst lr;
	_ =	strace $0xD0000000  }
0x3: {  	_ = 	snop  }
0x4: {  	_ = 	snop  }
0x5: {  	_ = 	snop  }
0x6: {  	_ = 	snop  }
0x7: {  	_ = 	snop  }
__scs_overlays_trampoline_lowered:
0x8: {  	[smem:$0x3FAC] =	sst s0  }
0x9: {  	[smem:$0x3FAD] =	sst s1  }
0xa: {  	[smem:$0x3FAE] =	sst s2  }
0xb: {  	[smem:$0x3FAF] =	sst s3  }
0xc: {  	[smem:$0x3FB0] =	sst s4  }
0xd: {  	[smem:$0x3FB1] =	sst s5  }
0xe: {  	[smem:$0x3FB2] =	sst s6  }
0xf: {  	[smem:$0x3FB3] =	sst s7  }
0x10: {  	[smem:$0x3FB4] =	sst s8  }
0x11: {  	[smem:$0x3FB5] =	sst s9;
	s0 =	simm.s32 @!p0 $0x0  }
0x12: {  	s1 =	sld [smem:$0x3F9B];
	s0 =	simm.s32 @p0 $0x1  }
0x13: {  	[smem:$0x3FB6] =	sst s0;
	s0 =	simm.s32 @!p1 $0x0  }
0x14: {  	s2 =	sld [smem:$0x3F9A];
	s0 =	simm.s32 @p1 $0x1  }
0x15: {  	[smem:$0x3FB7] =	sst s0;
	s0 =	simm.s32 @!p2 $0x0  }
0x16: {  	s3 =	sld [smem:$0x3FDB];
	s0 =	simm.s32 @p2 $0x1  }
0x17: {  	s4 =	simm.s32 $0x1BF5;
	[smem:$0x3FB9] =	sst s0  }
0x18: {  	s0 =	sld [smem:$0x3F9C];
	_ =	swait.ge [sflag:s4], $0x0  }
0x19: {  	s7 =	sld [smem:$0x3F9D]  }
0x1a: {  	s8 =	sadd.s32 $0xFFFFE003, lr  }
0x1b: {  	s9 =	sadd.s32 $0xFFFFFEF7, lr;
	s5 =	simm.s32 $0xFFFFFFFF;
	p2 =	slt.u32 s8, $0xFFFFF086  }
0x1c: {  	p1 =	slt.u32 s9, $0xF7A;
	s5 =	simm.s32 @!p2 $0x0  }
0x1d: {  	s5 =	simm.s32 @p1 $0x1;
	p0 =	seq.s32 s7, s2  }
0x1e: {  	s7 =	smul.u32 @!p0 $0xF7A, s2;
	p2 =	seq.s32 @!p0 s5, $0x0  }
0x1f: {  	s9 =	smul.u32 $0xF7A, s1;
	s8 =	simm.s32 @!p0 $0x1BF5;
	p2 =	por !p2, p0  }
0x20: {  	[sflag:s8] =	ssyncset.s32 @!p0 $0xFFFFF086;
	s6 =	sadd.s32 @!p0 s3, s7;
	s7 =	simm.s32 @!p0 $0x108  }
0x21: {  	s3 =	sadd.s32 s3, s9;
	s6 =	sadd.s32 @!p0 $0x88, s6;
	s7 =	simm.s32 @p2 $0x1082  }
0x22: {  	[simem:s7], [sflag:s8] =	dma.local @!p0 [hbm:s6], $0xF7A  }
0x23: {  	s9 =	sor.u32 $0xD0000000, s2;
	s6 =	simm.s32 $0x108;
	_ =	swait.ge @!p0 [sflag:s8], $0x0  }
0x24: {  	s3 =	sadd.s32 $0x88, s3;
	s6 =	simm.s32 @!p1 $0x1082;
	[sflag:s4] =	ssyncset.s32 $0xFFFFF086  }
0x25: {  	[simem:s6], [sflag:s4] =	dma.local [hbm:s3], $0xF7A  }
0x26: {  	[smem:$0x3F9D] =	sst s1;
	(tag) =	ssettag s2;
	_ =	strace s9  }
0x27: {  	s1 =	sld [smem:$0x3FAD]  }
0x28: {  	s2 =	sld [smem:$0x3FAE]  }
0x29: {  	s4 =	sld [smem:$0x3FB0]  }
0x2a: {  	p0 =	seq.s32 s5, $0x0;
	s5 =	sld [smem:$0x3FB1]  }
0x2b: {  	s6 =	sld [smem:$0x3FB2]  }
0x2c: {  	s7 =	sld [smem:$0x3FB3]  }
0x2d: {  	s3 =	simm.s32 $0x108;
	s8 =	sld [smem:$0x3FB4]  }
0x2e: {  	s3 =	simm.s32 @!p0 $0x1082;
	s9 =	sld [smem:$0x3FB5]  }
0x2f: {  	lr =	sadd.s32 s0, s3;
	s0 =	sld [smem:$0x3FAC]  }
0x30: {  	s3 =	sld [smem:$0x3FAF]  }
0x31: {  	[smem:$0x3FB8] =	sst s10  }
0x32: {  	s10 =	sld [smem:$0x3FB6];
	_ =	sdelay $0x3  }
0x33: {  	p0 =	seq.s32 s10, $0x1;
	s10 =	sld [smem:$0x3FB8];
	_ =	sdelay $0x3  }
0x34: {  	[smem:$0x3FB8] =	sst s10  }
0x35: {  	s10 =	sld [smem:$0x3FB7];
	_ =	sdelay $0x3  }
0x36: {  	p1 =	seq.s32 s10, $0x1;
	s10 =	sld [smem:$0x3FB8];
	_ =	sdelay $0x3  }
0x37: {  	[smem:$0x3FB8] =	sst s10  }
0x38: {  	s10 =	sld [smem:$0x3FB9]  }
0x39: {  	_ = 	snop;
	(pc) =	sbr.ind lr, $3  }
0x3a: {  	_ = 	snop  }
0x3b: {  	_ = 	snop  }
0x3c: {  	p2 =	seq.s32 s10, $0x1;
	s10 =	sld [smem:$0x3FB8]  }
0x3d: {  	_ =	shalt  }
0x3e: {  	_ =	shalt  }
0x3f: {  	_ =	shalt  }
0x40: {  	_ =	shalt  }
0x41: {  	_ =	shalt  }
0x42: {  	_ =	shalt  }
0x43: {  	_ =	shalt  }
0x44: {  	_ =	shalt  }
0x45: {  	_ =	shalt  }
0x46: {  	_ =	shalt  }
0x47: {  	_ =	shalt  }
0x48: {  	_ =	shalt  }
0x49: {  	_ =	shalt  }
0x4a: {  	_ =	shalt  }
0x4b: {  	_ =	shalt  }
0x4c: {  	_ =	shalt  }
0x4d: {  	_ =	shalt  }
0x4e: {  	_ =	shalt  }
0x4f: {  	_ =	shalt  }
0x50: {  	_ =	shalt  }
0x51: {  	_ =	shalt  }
0x52: {  	_ =	shalt  }
0x53: {  	_ =	shalt  }
0x54: {  	_ =	shalt  }
0x55: {  	_ =	shalt  }
0x56: {  	_ =	shalt  }
0x57: {  	_ =	shalt  }
0x58: {  	_ =	shalt  }
0x59: {  	_ =	shalt  }
0x5a: {  	_ =	shalt  }
0x5b: {  	_ =	shalt  }
0x5c: {  	_ =	shalt  }
0x5d: {  	_ =	shalt  }
0x5e: {  	_ =	shalt  }
0x5f: {  	_ =	shalt  }
0x60: {  	_ =	shalt  }
0x61: {  	_ =	shalt  }
0x62: {  	_ =	shalt  }
0x63: {  	_ =	shalt  }
0x64: {  	_ =	shalt  }
0x65: {  	_ =	shalt  }
0x66: {  	_ =	shalt  }
0x67: {  	_ =	shalt  }
0x68: {  	_ =	shalt  }
0x69: {  	_ =	shalt  }
0x6a: {  	_ =	shalt  }
0x6b: {  	_ =	shalt  }
0x6c: {  	_ =	shalt  }
0x6d: {  	_ =	shalt  }
0x6e: {  	_ =	shalt  }
0x6f: {  	_ =	shalt  }
0x70: {  	_ =	shalt  }
0x71: {  	_ =	shalt  }
0x72: {  	_ =	shalt  }
0x73: {  	_ =	shalt  }
0x74: {  	_ =	shalt  }
0x75: {  	_ =	shalt  }
0x76: {  	_ =	shalt  }
0x77: {  	_ =	shalt  }
0x78: {  	_ =	shalt  }
0x79: {  	_ =	shalt  }
0x7a: {  	_ =	shalt  }
0x7b: {  	_ =	shalt  }
0x7c: {  	_ =	shalt  }
0x7d: {  	_ =	shalt  }
0x7e: {  	_ =	shalt  }
0x7f: {  	_ =	shalt  }
0x80: {  	_ =	shalt  }
0x81: {  	_ =	shalt  }
0x82: {  	_ =	shalt  }
0x83: {  	_ =	shalt  }
0x84: {  	_ =	shalt  }
0x85: {  	_ =	shalt  }
0x86: {  	_ =	shalt  }
0x87: {  	_ =	shalt  }
.Lfunc_end0:
.L_simem_size_0:
called_computation_lowered:
.L_overlay_start_0:
0x88: {  	s2 =	sld [smem:$0x3FD9]  }
0x89: {  	s3 =	sld [smem:$0x3FFE];
	_ =	sdelay $0x1  }
0x8a: {  	s1 =	srdreg.scid  }
0x8b: {  	s0 =	sand.u32 $0x1, s1  }
0x8c: {  	s16 =	sshll.u32 s0, $0xA;
	s2 =	sadd.s32 s3, s2  }
0x8d: {  	s2 =	sadd.s32 s2, s16  }
0x8e: {  	[smem:$0x3FC4] =	sst s2  }
0x8f: {  	_ = 	snop  }
0x90: {  	(tm) =	ssettm $0x1  }
0x91: {  	s17 =	sld [smem:$0x3FFB];
	_ =	sdelay $0x3  }
0x92: {  	_ =	strace s17  }
0x93: {  	s2 =	sld [smem:$0x3FFC];
	_ =	sdelay $0x3  }
0x94: {  	_ =	strace s2  }
0x95: {  	s2 =	sld [smem:$0x3FFD];
	_ =	sdelay $0x3  }
0x96: {  	_ =	strace s2  }
0x97: {  	_ =	strace $0x8FFFFFFF  }
0x98: {  	s18 =	sld [smem:$0x3FDB];
	_ =	sdelay $0x1  }
0x99: {  	s19 =	simm.s32 $_scs_section_size  }
0x9a: {  	s4 =	simm.s32 $_size__tile_overlayer_lowered;
	s5 =	simm.s32 $_tile_overlayer_lowered  }
0x9b: {  	s22 =	simm.s32 $0x1BFF;
	s21 =	sshll.u32 s5, $0x1;
	s2 =	sadd.s32 s19, s18  }
0x9c: {  	s6 =	simm.s32 $0x0;
	s20 =	sshll.u32 s4, $0x1;
	s4 =	sadd.s32 s21, s2  }
0x9d: {  	[timem:s6], [sflag:s22] =	dma.local [hbm:s4], s20  }
0x9e: {  	_ =	swait.ge [sflag:s22], s20  }
0x9f: {  	s3 =	ssub.s32 $0x0, s20;
	[sflag:s22] =	ssyncset.done $0x0  }
0xa0: {  	[sflag:s22] =	ssyncadd.s32 s3;
	_ =	sdelay $0x1  }
0xa1: {  	s23 =	simm.s32 $0x1B8B  }
0xa2: {  	_ =	swait.ge [sflag:s23], $0x1  }
0xa3: {  	[sflag:s23] =	ssyncset.done $0x0  }
0xa4: {  	s25 =	simm.s32 $0x1B8E;
	s24 =	sld [smem:$0x3FFE];
	[sflag:s23] =	ssyncadd.s32 $0xFFFFFFFF  }
0xa5: {  	s26 =	simm.s32 $execute0_lowered;
	[smem:$0x3FD2] =	sst s25  }
0xa6: {  	s4 =	sshll.u32 s26, $0x1;
	_ =	strace $0x80000046;
	[dreg:$0x1] =	wrdreg $0xFFFFFFFF  }
0xa7: {  	s28 =	simm.s32 $_size_execute0_lowered;
	s2 =	sadd.s32 s2, s4;
	[dreg:$0x0] =	wrdreg $0x0  }
0xa8: {  	s4 =	sshll.u32 s28, $0x1;
	[dreg:$0x2] =	wrdreg s2  }
0xa9: {  	[dreg:$0x3] =	wrdreg s4  }
0xaa: {  	[dreg:$0x4] =	wrdreg $0xC0  }
0xab: {  	_ =	task [dreg:s6], $0x5FFFF  }
0xac: {  	[dreg:$0x1] =	wrdreg $0xFFFFFFFF  }
0xad: {  	[dreg:$0x0] =	wrdreg $0x60  }
0xae: {  	[dreg:$0x2] =	wrdreg s24  }
0xaf: {  	[dreg:$0x3] =	wrdreg $0xB4000  }
0xb0: {  	[dreg:$0x4] =	wrdreg $0x9  }
0xb1: {  	_ =	task.clear_ibuf [dreg:s6], $0x5FFFF;
	_ =	strace $0x90000046  }
0xb2: {  	s29 =	simm.s32 $0x9;
	_ =	strace $0x80000048  }
0xb3: {  	_ =	swait.ge [sflag:s29], $0x1  }
0xb4: {  	[sflag:s29] =	ssyncadd.s32 $0xFFFFFFFF  }
0xb5: {  	_ =	strace $0x90000048  }
0xb6: {  	_ =	sfence  }
0xb7: {  	s30 =	sld [smem:$0x0];
	_ =	sdelay $0x2  }
0xb8: {  	s31 =	sshll.u32 s1, $0xD;
	s1 =	sshrl.u32 s1, $0x2  }
0xb9: {  	s3 =	sand.u32 $0x4000, s31;
	s1 =	sadd.s32 s1, s30  }
0xba: {  	s0 =	sor.u32 s3, s0;
	s1 =	sshll.u32 s1, $0x11  }
0xbb: {  	s0 =	sor.u32 s1, s0  }
0xbc: {  	s0 =	sadd.s32 $0x8F2B, s0  }
0xbd: {  	[sflag:s0] =	ssyncadd.remote.s32 $0x1  }
0xbe: {  	_ =	sfence.sel $0xFFFF  }
0xbf: {  	[dreg:$0x0] =	wrdreg $0xFFFFFFFF;
	(pc) =	sbr.abs _section_cstart, $3  }
0xc0: {  	[dreg:$0x1] =	wrdreg $0xFFFFFFFF  }
0xc1: {  	_ =	task.clear_ibuf [dreg:s6], $0x2FFFF;
	_ =	strace $0x9FFFFFFF  }
0xc2: {  	(tm) =	ssettm $0x7FFFFFFF  }
0xc3: {  	_ =	shalt  }
tec
execute0_lowered:
.L_overlay_start_1:
0x0: {  	(tag) =	ssettag $0x1  }
0x1: {  	s5 =	rddreg [dreg:$0x0]  }
0x2: {  	s2 =	rddreg [dreg:$0x1]  }
0x3: {  	s4 =	srdreg.scid;
	s1 =	stileid.u32  }
0x4: {  	s3 =	simm.s32 $0x0;
	s6 =	sand.u32 $0x1, s4;
	s24 =	sshll.u32 s1, $0x1  }
0x5: {  	[smem:$0x7FF] =	sst s3;
	s7 =	sor.u32 s6, s24  }
0x6: {  	s6 =	ssub.s32 $0x2, s6;
	s8 =	sshll.u32 s7, $0x6;
	s7 =	sshll.u32 s7, $0xD  }
0x7: {  	s4 =	sadd.s32 $0x19C00, s5;
	s25 =	sshrl.u32 s6, $0x1;
	s0 =	sadd.s32 s7, s5  }
0x8: {  	_ =	strace $0x80000047;
	s26 =	ssub.s32 s6, s25;
	[dreg:$0x4] =	wrdreg s0  }
0x9: {  	s10 =	sadd.s32 s8, s5;
	s5 =	sshll.u32 s1, $0x9;
	[dreg:$0x3] =	wrdreg s26  }
0xa: {  	s28 =	sor.u32 $0x10, s5;
	s30 =	sor.u32 $0x20, s5;
	s31 =	sor.u32 $0x30, s5  }
0xb: {  	s9 =	sor.u32 $0x40, s5;
	s13 =	sor.u32 $0x50, s5;
	s14 =	sor.u32 $0x60, s5  }
0xc: {  	s15 =	sor.u32 $0x70, s5;
	s16 =	sor.u32 $0x80, s5;
	s17 =	sor.u32 $0x90, s5  }
0xd: {  	s18 =	sor.u32 $0xA0, s5;
	s19 =	sor.u32 $0xB0, s5;
	s20 =	sor.u32 $0xC0, s5  }
0xe: {  	s21 =	sor.u32 $0xD0, s5;
	s22 =	sor.u32 $0xE0, s5;
	s23 =	sor.u32 $0xF0, s5  }
0xf: {  	s24 =	sor.u32 $0x100, s5;
	s25 =	sor.u32 $0x110, s5;
	s11 =	sor.u32 $0x120, s5  }
0x10: {  	s29 =	sor.u32 $0x140, s5;
	s12 =	sor.u32 $0x150, s5;
	s0 =	sor.u32 $0x180, s5  }
0x11: {  	v31 =	vlaneseq.u32;
	s26 =	sor.u32 $0x1E0, s5;
	[dreg:$0x7] =	wrdreg s11;
	s11 =	sor.u32 $0x130, s5  }
0x12: {  	[dreg:$0x5] =	wrdreg s12;
	v2 =	vor.u32 s31, v31;
	s31 =	sor.u32 $0x160, s5;
	s12 =	sor.u32 $0x170, s5  }
0x13: {  	v1 =	vor.u32 s30, v31;
	v4 =	vor.u32 s13, v31;
	v5 =	vor.u32 s14, v31;
	s13 =	sor.u32 $0x190, s5;
	s30 =	sor.u32 $0x1A0, s5;
	s14 =	sor.u32 $0x1B0, s5  }
0x14: {  	v6 =	vor.u32 s15, v31;
	v8 =	vor.u32 s18, v31;
	s18 =	sor.u32 $0x1C0, s5;
	s15 =	sor.u32 $0x1D0, s5;
	v15 =	vor.u32 s23, v31;
	s23 =	rddreg [dreg:$0x4]  }
0x15: {  	v0 =	vor.u32 s28, v31;
	v7 =	vor.u32 s17, v31;
	s17 =	sshll.u32 s1, $0x10;
	s28 =	sor.u32 $0x1F0, s5;
	v17 =	vor.u32 s25, v31;
	s25 =	rddreg [dreg:$0x3]  }
0x16: {  	v9 =	vor.u32 s19, v31;
	v10 =	vor.u32 s20, v31;
	s19 =	sshll.u32 s16, $0x7;
	s20 =	sshll.u32 s24, $0x7;
	[dreg:$0x8] =	wrdreg s13  }
0x17: {  	v3 =	vor.u32 s9, v31;
	v12 =	vor.u32 s21, v31;
	s21 =	sshll.u32 s0, $0x7;
	s9 =	sadd.s32 $0xC00, s10;
	[dreg:$0x6] =	wrdreg s14  }
0x18: {  	v14 =	vor.u32 s16, v31;
	s10 =	sadd.s32 $0xD400, s10;
	s16 =	simm.s32 $0x4000;
	[dreg:$0x9] =	wrdreg s15  }
0x19: {  	v11 =	vor.u32 s5, v31;
	s5 =	sadd.s32 s17, s2;
	s6 =	sadd.s32 s19, s2;
	s7 =	sadd.s32 s20, s2  }
0x1a: {  	v13 =	vor.u32 s22, v31;
	s8 =	sadd.s32 s21, s2;
	s22 =	rddreg [dreg:$0x7];
	v19 =	vor.u32 s11, v31;
	s11 =	sadd.s32 $0x1A0800, s23  }
0x1b: {  	v32 =	vimm.f32 $0.0e+00;
	v16 =	vor.u32 s24, v31;
	s24 =	rddreg [dreg:$0x5];
	v23 =	vor.u32 s12, v31;
	s12 =	smax.u32 s25, $0x1;
	s13 =	simm.s32 $0x3400  }
0x1c: {  	v20 =	vor.u32 s29, v31;
	v24 =	vor.u32 s0, v31;
	v30 =	vor.u32 s26, v31;
	s14 =	simm.s32 $0x2;
	s15 =	simm.s32 $0x200;
	s29 =	rddreg [dreg:$0x8]  }
0x1d: {  	v22 =	vor.u32 s31, v31;
	v26 =	vor.u32 s30, v31;
	s17 =	simm.s32 $0x80;
	v28 =	vor.u32 s18, v31;
	s18 =	simm.s32 $0x7400;
	s30 =	rddreg [dreg:$0x6]  }
0x1e: {  	s19 =	simm.s32 $0x1;
	s20 =	simm.s32 $0x3200;
	v18 =	vor.u32 s22, v31;
	v21 =	vor.u32 s24, v31;
	s31 =	rddreg [dreg:$0x9];
	v25 =	vor.u32 s29, v31  }
0x1f: {  	s21 =	simm.s32 $0x3280;
	s23 =	simm.s32 $0x3380;
	s22 =	simm.s32 $0x3300;
	v27 =	vor.u32 s30, v31;
	v29 =	vor.u32 s31, v31;
	v31 =	vor.u32 s28, v31  }
.LBB2_1:
0x20: {  	[tilespmem:$0x3200] =	vst v11  }
0x21: {  	[tilespmem:$0x3210] =	vst v0  }
0x22: {  	[tilespmem:$0x3220] =	vst v1  }
0x23: {  	[tilespmem:$0x3230] =	vst v2  }
0x24: {  	[tilespmem:$0x3240] =	vst v3  }
0x25: {  	[tilespmem:$0x3250] =	vst v4  }
0x26: {  	[tilespmem:$0x3260] =	vst v5  }
0x27: {  	[tilespmem:$0x3270] =	vst v6  }
0x28: {  	[tilespmem:$0x3280] =	vst v14  }
0x29: {  	[tilespmem:$0x3290] =	vst v7  }
0x2a: {  	[tilespmem:$0x32A0] =	vst v8  }
0x2b: {  	[tilespmem:$0x32B0] =	vst v9  }
0x2c: {  	[tilespmem:$0x32C0] =	vst v10  }
0x2d: {  	[tilespmem:$0x32D0] =	vst v12  }
0x2e: {  	[tilespmem:$0x32E0] =	vst v13  }
0x2f: {  	[tilespmem:$0x32F0] =	vst v15  }
0x30: {  	[tilespmem:$0x3300] =	vst v16  }
0x31: {  	[tilespmem:$0x3310] =	vst v17  }
0x32: {  	[tilespmem:$0x3320] =	vst v18  }
0x33: {  	[tilespmem:$0x3330] =	vst v19  }
0x34: {  	[tilespmem:$0x3340] =	vst v20  }
0x35: {  	[tilespmem:$0x3350] =	vst v21  }
0x36: {  	[tilespmem:$0x3360] =	vst v22  }
0x37: {  	[tilespmem:$0x3370] =	vst v23  }
0x38: {  	[tilespmem:$0x3380] =	vst v24  }
0x39: {  	[tilespmem:$0x3390] =	vst v25  }
0x3a: {  	[tilespmem:$0x33A0] =	vst v26  }
0x3b: {  	[tilespmem:$0x33B0] =	vst v27  }
0x3c: {  	[tilespmem:$0x33C0] =	vst v28  }
0x3d: {  	[tilespmem:$0x33D0] =	vst v29  }
0x3e: {  	[tilespmem:$0x33E0] =	vst v30  }
0x3f: {  	[tilespmem:$0x33F0] =	vst v31;
	s24 =	simm.s32 $0x0;
	s25 =	simm.s32 $0x200  }
.LBB2_2:
0x40: {  	p0 =	sne.s32 s25, $0xFE00;
	[tilespmem:s24+$0x3470] =	vst v32  }
0x41: {  	[tilespmem:s24+$0x3400] =	vst v32  }
0x42: {  	[tilespmem:s24+$0x3410] =	vst v32  }
.Ltmp0:
0x43: {  	[tilespmem:s24+$0x3420] =	vst v32;
	(pc) =	sbr.rel @p0 .LBB2_2-.Ltmp0, $4  }
0x44: {  	[tilespmem:s24+$0x3430] =	vst v32  }
0x45: {  	[tilespmem:s24+$0x3440] =	vst v32  }
0x46: {  	[tilespmem:s24+$0x3450] =	vst v32  }
0x47: {  	[tilespmem:s24+$0x3460] =	vst v32;
	s24 =	sshra.s32 s25, $0x2;
	s25 =	sadd.s32 $0x200, s25  }
0x48: {  	[tilespmem:s24+$0x3470] =	vst v32  }
0x49: {  	[tilespmem:s24+$0x3400] =	vst v32  }
0x4a: {  	[tilespmem:s24+$0x3410] =	vst v32  }
0x4b: {  	[tilespmem:s24+$0x3420] =	vst v32  }
0x4c: {  	[tilespmem:s24+$0x3430] =	vst v32  }
0x4d: {  	[tilespmem:s24+$0x3440] =	vst v32  }
0x4e: {  	[tilespmem:s24+$0x3450] =	vst v32  }
0x4f: {  	[tilespmem:s24+$0x3460] =	vst v32  }
0x50: {  	[spmem:s5] =	stream.linear.scatter [tilespmem:s13], [sflag:$0x2], $0x4000, $0x38;
	[tilespmem:$0x1B400] =	vst v63  }
0x51: {  	_ =	swait.ge [sflag:s14], $0x4000  }
0x52: {  	[sflag:s14] =	ssyncset.done $0x0  }
0x53: {  	[sflag:s14] =	ssyncadd.s32 $0xFFFFC000  }
0x54: {  	[spmem:s6] =	stream.linear.scatter [tilespmem:s13], [sflag:$0x2], $0x4000, $0x38;
	[tilespmem:$0x1B400] =	vst v63  }
0x55: {  	_ =	swait.ge [sflag:s14], $0x4000  }
0x56: {  	[sflag:s14] =	ssyncset.done $0x0  }
0x57: {  	[sflag:s14] =	ssyncadd.s32 $0xFFFFC000  }
0x58: {  	[spmem:s7] =	stream.linear.scatter [tilespmem:s13], [sflag:$0x2], $0x4000, $0x38;
	[tilespmem:$0x1B400] =	vst v63  }
0x59: {  	_ =	swait.ge [sflag:s14], $0x4000  }
0x5a: {  	[sflag:s14] =	ssyncset.done $0x0  }
0x5b: {  	[sflag:s14] =	ssyncadd.s32 $0xFFFFC000  }
0x5c: {  	[spmem:s8] =	stream.linear.scatter [tilespmem:s13], [sflag:$0x2], $0x4000, $0x38;
	[tilespmem:$0x1B400] =	vst v63  }
0x5d: {  	_ =	swait.ge [sflag:s14], $0x4000  }
0x5e: {  	[sflag:s14] =	ssyncset.done $0x0  }
0x5f: {  	s0 =	simm.s32 $0x0;
	[sflag:s14] =	ssyncadd.s32 $0xFFFFC000  }
0x60: {  	[tilespmem:s0], [sflag:$0x2] =	stream.strided.gather [hbm4b:s9+s15], $0x3200, s16, s15, $0x38;
	[tilespmem:$0x1B400] =	vst v63  }
0x61: {  	_ =	swait.ge [sflag:s14], $0x3200  }
0x62: {  	[sflag:s14] =	ssyncset.done $0x0  }
0x63: {  	s28 =	simm.s32 $0x0;
	[sflag:s14] =	ssyncadd.s32 $0xFFFFCE00  }
0x64: {  	[tilespmem:s13], [sflag:$0x1] =	stream.indirect.gather [hbm4b:s4+s17], $0x80, s28, s17, $0xb8;
	[tilespmem:$0x1B400] =	vst v63  }
0x65: {  	s29 =	simm.s32 $0x80  }
0x66: {  	[tilespmem:s18], [sflag:$0x1] =	stream.indirect.gather [hbm4b:s4+s17], $0x80, s29, s17, $0xb8;
	[tilespmem:$0x1B400] =	vst v63  }
0x67: {  	_ =	swait.ge [sflag:s19], $0x4000  }
0x68: {  	[sflag:s19] =	ssyncset.done $0x0  }
0x69: {  	[sflag:s19] =	ssyncadd.s32 $0xFFFFC000  }
0x6a: {  	_ =	swait.ge [sflag:s19], $0x4000  }
0x6b: {  	[sflag:s19] =	ssyncset.done $0x0  }
0x6c: {  	[sflag:s19] =	ssyncadd.s32 $0xFFFFC000  }
0x6d: {  	[spmem:s2] =	stream.indirect.scatter.add.f32 [tilespmem:s13], [sflag:$0x1], $0x80, s20, s17, $0xb8;
	[tilespmem:$0x1B400] =	vst v63  }
0x6e: {  	_ = 	snop  }
0x6f: {  	[spmem:s2] =	stream.indirect.scatter.add.f32 [tilespmem:s18], [sflag:$0x1], $0x80, s21, s17, $0xb8;
	[tilespmem:$0x1B400] =	vst v63  }
0x70: {  	_ =	swait.ge [sflag:s19], $0x4000  }
0x71: {  	[sflag:s19] =	ssyncset.done $0x0  }
0x72: {  	[sflag:s19] =	ssyncadd.s32 $0xFFFFC000  }
0x73: {  	_ =	swait.ge [sflag:s19], $0x4000  }
0x74: {  	[sflag:s19] =	ssyncset.done $0x0  }
0x75: {  	s30 =	simm.s32 $0x100;
	[sflag:s19] =	ssyncadd.s32 $0xFFFFC000  }
0x76: {  	[tilespmem:s13], [sflag:$0x1] =	stream.indirect.gather [hbm4b:s4+s17], $0x80, s30, s17, $0xb8;
	[tilespmem:$0x1B400] =	vst v63  }
0x77: {  	s31 =	simm.s32 $0x180  }
0x78: {  	[tilespmem:s18], [sflag:$0x1] =	stream.indirect.gather [hbm4b:s4+s17], $0x80, s31, s17, $0xb8;
	[tilespmem:$0x1B400] =	vst v63  }
0x79: {  	_ =	swait.ge [sflag:s19], $0x4000  }
0x7a: {  	[sflag:s19] =	ssyncset.done $0x0  }
0x7b: {  	[sflag:s19] =	ssyncadd.s32 $0xFFFFC000  }
0x7c: {  	_ =	swait.ge [sflag:s19], $0x4000  }
0x7d: {  	[sflag:s19] =	ssyncset.done $0x0  }
0x7e: {  	[sflag:s19] =	ssyncadd.s32 $0xFFFFC000  }
0x7f: {  	[spmem:s2] =	stream.indirect.scatter.add.f32 [tilespmem:s13], [sflag:$0x1], $0x80, s22, s17, $0xb8;
	[tilespmem:$0x1B400] =	vst v63  }
0x80: {  	_ = 	snop  }
0x81: {  	[spmem:s2] =	stream.indirect.scatter.add.f32 [tilespmem:s18], [sflag:$0x1], $0x80, s23, s17, $0xb8;
	[tilespmem:$0x1B400] =	vst v63  }
0x82: {  	_ =	swait.ge [sflag:s19], $0x4000  }
0x83: {  	[sflag:s19] =	ssyncset.done $0x0  }
0x84: {  	[sflag:s19] =	ssyncadd.s32 $0xFFFFC000  }
0x85: {  	_ =	swait.ge [sflag:s19], $0x4000  }
0x86: {  	s24 =	simm.s32 $0x800;
	s26 =	simm.s32 $0x1000;
	[sflag:s19] =	ssyncset.done $0x0  }
.LBB2_4:
0x87: {  	s0 =	sshra.s32 s24, $0x2  }
0x88: {  	[sflag:s19] =	ssyncadd.s32 $0xFFFFC000;
	s24 =	smov.u32 s26;
	s25 =	sadd.s32 $0x800, s26  }
0x89: {  	[tilespmem:s13], [sflag:$0x1] =	stream.indirect.gather [hbm4b:s4+s17], $0x80, s0, s17, $0xb8;
	[tilespmem:$0x1B400] =	vst v63  }
0x8a: {  	p0 =	sne.s32 s26, $0xC000;
	s26 =	sadd.s32 $0x80, s0  }
0x8b: {  	[tilespmem:s18], [sflag:$0x1] =	stream.indirect.gather [hbm4b:s4+s17], $0x80, s26, s17, $0xb8;
	[tilespmem:$0x1B400] =	vst v63  }
0x8c: {  	_ =	swait.ge [sflag:s19], $0x4000  }
0x8d: {  	[sflag:s19] =	ssyncset.done $0x0  }
0x8e: {  	[sflag:s19] =	ssyncadd.s32 $0xFFFFC000  }
0x8f: {  	_ =	swait.ge [sflag:s19], $0x4000  }
0x90: {  	[sflag:s19] =	ssyncset.done $0x0  }
0x91: {  	[sflag:s19] =	ssyncadd.s32 $0xFFFFC000  }
0x92: {  	[spmem:s2] =	stream.indirect.scatter.add.f32 [tilespmem:s13], [sflag:$0x1], $0x80, s20, s17, $0xb8;
	[tilespmem:$0x1B400] =	vst v63  }
0x93: {  	_ = 	snop  }
0x94: {  	[spmem:s2] =	stream.indirect.scatter.add.f32 [tilespmem:s18], [sflag:$0x1], $0x80, s21, s17, $0xb8;
	[tilespmem:$0x1B400] =	vst v63  }
0x95: {  	_ =	swait.ge [sflag:s19], $0x4000  }
0x96: {  	[sflag:s19] =	ssyncset.done $0x0  }
0x97: {  	[sflag:s19] =	ssyncadd.s32 $0xFFFFC000  }
0x98: {  	_ =	swait.ge [sflag:s19], $0x4000  }
0x99: {  	[sflag:s19] =	ssyncset.done $0x0  }
0x9a: {  	s26 =	sadd.s32 $0x100, s0;
	[sflag:s19] =	ssyncadd.s32 $0xFFFFC000  }
0x9b: {  	[tilespmem:s13], [sflag:$0x1] =	stream.indirect.gather [hbm4b:s4+s17], $0x80, s26, s17, $0xb8;
	[tilespmem:$0x1B400] =	vst v63  }
0x9c: {  	s0 =	sadd.s32 $0x180, s0  }
0x9d: {  	[tilespmem:s18], [sflag:$0x1] =	stream.indirect.gather [hbm4b:s4+s17], $0x80, s0, s17, $0xb8;
	[tilespmem:$0x1B400] =	vst v63  }
0x9e: {  	_ =	swait.ge [sflag:s19], $0x4000  }
0x9f: {  	[sflag:s19] =	ssyncset.done $0x0  }
0xa0: {  	[sflag:s19] =	ssyncadd.s32 $0xFFFFC000  }
0xa1: {  	_ =	swait.ge [sflag:s19], $0x4000  }
0xa2: {  	[sflag:s19] =	ssyncset.done $0x0  }
0xa3: {  	[sflag:s19] =	ssyncadd.s32 $0xFFFFC000  }
0xa4: {  	[spmem:s2] =	stream.indirect.scatter.add.f32 [tilespmem:s13], [sflag:$0x1], $0x80, s22, s17, $0xb8;
	[tilespmem:$0x1B400] =	vst v63  }
0xa5: {  	_ = 	snop  }
0xa6: {  	[spmem:s2] =	stream.indirect.scatter.add.f32 [tilespmem:s18], [sflag:$0x1], $0x80, s23, s17, $0xb8;
	[tilespmem:$0x1B400] =	vst v63  }
.Ltmp1:
0xa7: {  	_ =	swait.ge [sflag:s19], $0x4000;
	(pc) =	sbr.rel @p0 .LBB2_4-.Ltmp1, $4  }
0xa8: {  	[sflag:s19] =	ssyncset.done $0x0  }
0xa9: {  	[sflag:s19] =	ssyncadd.s32 $0xFFFFC000  }
0xaa: {  	_ =	swait.ge [sflag:s19], $0x4000  }
0xab: {  	s26 =	smov.u32 s25;
	[sflag:s19] =	ssyncset.done $0x0  }
0xac: {  	s0 =	sshra.s32 s24, $0x2;
	[sflag:s19] =	ssyncadd.s32 $0xFFFFC000  }
0xad: {  	[tilespmem:s13], [sflag:$0x1] =	stream.indirect.gather [hbm4b:s4+s17], $0x80, s0, s17, $0xb8;
	[tilespmem:$0x1B400] =	vst v63  }
0xae: {  	s24 =	sadd.s32 $0x80, s0  }
0xaf: {  	[tilespmem:s18], [sflag:$0x1] =	stream.indirect.gather [hbm4b:s4+s17], $0x80, s24, s17, $0xb8;
	[tilespmem:$0x1B400] =	vst v63  }
0xb0: {  	_ =	swait.ge [sflag:s19], $0x4000  }
0xb1: {  	[sflag:s19] =	ssyncset.done $0x0  }
0xb2: {  	[sflag:s19] =	ssyncadd.s32 $0xFFFFC000  }
0xb3: {  	_ =	swait.ge [sflag:s19], $0x4000  }
0xb4: {  	[sflag:s19] =	ssyncset.done $0x0  }
0xb5: {  	[sflag:s19] =	ssyncadd.s32 $0xFFFFC000  }
0xb6: {  	[spmem:s2] =	stream.indirect.scatter.add.f32 [tilespmem:s13], [sflag:$0x1], $0x80, s20, s17, $0xb8;
	[tilespmem:$0x1B400] =	vst v63  }
0xb7: {  	_ = 	snop  }
0xb8: {  	[spmem:s2] =	stream.indirect.scatter.add.f32 [tilespmem:s18], [sflag:$0x1], $0x80, s21, s17, $0xb8;
	[tilespmem:$0x1B400] =	vst v63  }
0xb9: {  	_ =	swait.ge [sflag:s19], $0x4000  }
0xba: {  	[sflag:s19] =	ssyncset.done $0x0  }
0xbb: {  	[sflag:s19] =	ssyncadd.s32 $0xFFFFC000  }
0xbc: {  	_ =	swait.ge [sflag:s19], $0x4000  }
0xbd: {  	[sflag:s19] =	ssyncset.done $0x0  }
0xbe: {  	s25 =	sadd.s32 $0x100, s0;
	[sflag:s19] =	ssyncadd.s32 $0xFFFFC000  }
0xbf: {  	[tilespmem:s13], [sflag:$0x1] =	stream.indirect.gather [hbm4b:s4+s17], $0x80, s25, s17, $0xb8;
	[tilespmem:$0x1B400] =	vst v63  }
0xc0: {  	s0 =	sadd.s32 $0x180, s0  }
0xc1: {  	[tilespmem:s18], [sflag:$0x1] =	stream.indirect.gather [hbm4b:s4+s17], $0x80, s0, s17, $0xb8;
	[tilespmem:$0x1B400] =	vst v63  }
0xc2: {  	_ =	swait.ge [sflag:s19], $0x4000  }
0xc3: {  	[sflag:s19] =	ssyncset.done $0x0  }
0xc4: {  	[sflag:s19] =	ssyncadd.s32 $0xFFFFC000  }
0xc5: {  	_ =	swait.ge [sflag:s19], $0x4000  }
0xc6: {  	[sflag:s19] =	ssyncset.done $0x0  }
0xc7: {  	[sflag:s19] =	ssyncadd.s32 $0xFFFFC000  }
0xc8: {  	[spmem:s2] =	stream.indirect.scatter.add.f32 [tilespmem:s13], [sflag:$0x1], $0x80, s22, s17, $0xb8;
	[tilespmem:$0x1B400] =	vst v63  }
0xc9: {  	_ = 	snop  }
0xca: {  	[spmem:s2] =	stream.indirect.scatter.add.f32 [tilespmem:s18], [sflag:$0x1], $0x80, s23, s17, $0xb8;
	[tilespmem:$0x1B400] =	vst v63  }
0xcb: {  	_ =	swait.ge [sflag:s19], $0x4000  }
0xcc: {  	[sflag:s19] =	ssyncset.done $0x0  }
0xcd: {  	[sflag:s19] =	ssyncadd.s32 $0xFFFFC000  }
0xce: {  	_ =	swait.ge [sflag:s19], $0x4000  }
0xcf: {  	[sflag:s19] =	ssyncset.done $0x0  }
0xd0: {  	s26 =	simm.s32 $0x0;
	[sflag:s19] =	ssyncadd.s32 $0xFFFFC000  }
0xd1: {  	[tilespmem:s26], [sflag:$0x2] =	stream.strided.gather [hbm4b:s10+s15], $0x3200, s16, s15, $0x38;
	[tilespmem:$0x1B400] =	vst v63  }
0xd2: {  	_ =	swait.ge [sflag:s14], $0x3200  }
0xd3: {  	[sflag:s14] =	ssyncset.done $0x0  }
0xd4: {  	s28 =	simm.s32 $0x0;
	[sflag:s14] =	ssyncadd.s32 $0xFFFFCE00  }
0xd5: {  	[tilespmem:s13], [sflag:$0x1] =	stream.indirect.gather [hbm4b:s4+s17], $0x80, s28, s17, $0xb8;
	[tilespmem:$0x1B400] =	vst v63  }
0xd6: {  	s29 =	simm.s32 $0x80  }
0xd7: {  	[tilespmem:s18], [sflag:$0x1] =	stream.indirect.gather [hbm4b:s4+s17], $0x80, s29, s17, $0xb8;
	[tilespmem:$0x1B400] =	vst v63  }
0xd8: {  	_ =	swait.ge [sflag:s19], $0x4000  }
0xd9: {  	[sflag:s19] =	ssyncset.done $0x0  }
0xda: {  	[sflag:s19] =	ssyncadd.s32 $0xFFFFC000  }
0xdb: {  	_ =	swait.ge [sflag:s19], $0x4000  }
0xdc: {  	[sflag:s19] =	ssyncset.done $0x0  }
0xdd: {  	[sflag:s19] =	ssyncadd.s32 $0xFFFFC000  }
0xde: {  	[spmem:s2] =	stream.indirect.scatter.add.f32 [tilespmem:s13], [sflag:$0x1], $0x80, s20, s17, $0xb8;
	[tilespmem:$0x1B400] =	vst v63  }
0xdf: {  	_ = 	snop  }
0xe0: {  	[spmem:s2] =	stream.indirect.scatter.add.f32 [tilespmem:s18], [sflag:$0x1], $0x80, s21, s17, $0xb8;
	[tilespmem:$0x1B400] =	vst v63  }
0xe1: {  	_ =	swait.ge [sflag:s19], $0x4000  }
0xe2: {  	[sflag:s19] =	ssyncset.done $0x0  }
0xe3: {  	[sflag:s19] =	ssyncadd.s32 $0xFFFFC000  }
0xe4: {  	_ =	swait.ge [sflag:s19], $0x4000  }
0xe5: {  	[sflag:s19] =	ssyncset.done $0x0  }
0xe6: {  	s30 =	simm.s32 $0x100;
	[sflag:s19] =	ssyncadd.s32 $0xFFFFC000  }
0xe7: {  	[tilespmem:s13], [sflag:$0x1] =	stream.indirect.gather [hbm4b:s4+s17], $0x80, s30, s17, $0xb8;
	[tilespmem:$0x1B400] =	vst v63  }
0xe8: {  	s31 =	simm.s32 $0x180  }
0xe9: {  	[tilespmem:s18], [sflag:$0x1] =	stream.indirect.gather [hbm4b:s4+s17], $0x80, s31, s17, $0xb8;
	[tilespmem:$0x1B400] =	vst v63  }
0xea: {  	_ =	swait.ge [sflag:s19], $0x4000  }
0xeb: {  	[sflag:s19] =	ssyncset.done $0x0  }
0xec: {  	[sflag:s19] =	ssyncadd.s32 $0xFFFFC000  }
0xed: {  	_ =	swait.ge [sflag:s19], $0x4000  }
0xee: {  	[sflag:s19] =	ssyncset.done $0x0  }
0xef: {  	[sflag:s19] =	ssyncadd.s32 $0xFFFFC000  }
0xf0: {  	[spmem:s2] =	stream.indirect.scatter.add.f32 [tilespmem:s13], [sflag:$0x1], $0x80, s22, s17, $0xb8;
	[tilespmem:$0x1B400] =	vst v63  }
0xf1: {  	_ = 	snop  }
0xf2: {  	[spmem:s2] =	stream.indirect.scatter.add.f32 [tilespmem:s18], [sflag:$0x1], $0x80, s23, s17, $0xb8;
	[tilespmem:$0x1B400] =	vst v63  }
0xf3: {  	_ =	swait.ge [sflag:s19], $0x4000  }
0xf4: {  	[sflag:s19] =	ssyncset.done $0x0  }
0xf5: {  	[sflag:s19] =	ssyncadd.s32 $0xFFFFC000  }
0xf6: {  	_ =	swait.ge [sflag:s19], $0x4000  }
0xf7: {  	s24 =	simm.s32 $0x800;
	s26 =	simm.s32 $0x1000;
	[sflag:s19] =	ssyncset.done $0x0  }
.LBB2_6:
0xf8: {  	s0 =	sshra.s32 s24, $0x2  }
0xf9: {  	[sflag:s19] =	ssyncadd.s32 $0xFFFFC000;
	s24 =	smov.u32 s26;
	s25 =	sadd.s32 $0x800, s26  }
0xfa: {  	[tilespmem:s13], [sflag:$0x1] =	stream.indirect.gather [hbm4b:s4+s17], $0x80, s0, s17, $0xb8;
	[tilespmem:$0x1B400] =	vst v63  }
0xfb: {  	p0 =	sne.s32 s26, $0xC000;
	s26 =	sadd.s32 $0x80, s0  }
0xfc: {  	[tilespmem:s18], [sflag:$0x1] =	stream.indirect.gather [hbm4b:s4+s17], $0x80, s26, s17, $0xb8;
	[tilespmem:$0x1B400] =	vst v63  }
0xfd: {  	_ =	swait.ge [sflag:s19], $0x4000  }
0xfe: {  	[sflag:s19] =	ssyncset.done $0x0  }
0xff: {  	[sflag:s19] =	ssyncadd.s32 $0xFFFFC000  }
0x100: {  	_ =	swait.ge [sflag:s19], $0x4000  }
0x101: {  	[sflag:s19] =	ssyncset.done $0x0  }
0x102: {  	[sflag:s19] =	ssyncadd.s32 $0xFFFFC000  }
0x103: {  	[spmem:s2] =	stream.indirect.scatter.add.f32 [tilespmem:s13], [sflag:$0x1], $0x80, s20, s17, $0xb8;
	[tilespmem:$0x1B400] =	vst v63  }
0x104: {  	_ = 	snop  }
0x105: {  	[spmem:s2] =	stream.indirect.scatter.add.f32 [tilespmem:s18], [sflag:$0x1], $0x80, s21, s17, $0xb8;
	[tilespmem:$0x1B400] =	vst v63  }
0x106: {  	_ =	swait.ge [sflag:s19], $0x4000  }
0x107: {  	[sflag:s19] =	ssyncset.done $0x0  }
0x108: {  	[sflag:s19] =	ssyncadd.s32 $0xFFFFC000  }
0x109: {  	_ =	swait.ge [sflag:s19], $0x4000  }
0x10a: {  	[sflag:s19] =	ssyncset.done $0x0  }
0x10b: {  	s26 =	sadd.s32 $0x100, s0;
	[sflag:s19] =	ssyncadd.s32 $0xFFFFC000  }
0x10c: {  	[tilespmem:s13], [sflag:$0x1] =	stream.indirect.gather [hbm4b:s4+s17], $0x80, s26, s17, $0xb8;
	[tilespmem:$0x1B400] =	vst v63  }
0x10d: {  	s0 =	sadd.s32 $0x180, s0  }
0x10e: {  	[tilespmem:s18], [sflag:$0x1] =	stream.indirect.gather [hbm4b:s4+s17], $0x80, s0, s17, $0xb8;
	[tilespmem:$0x1B400] =	vst v63  }
0x10f: {  	_ =	swait.ge [sflag:s19], $0x4000  }
0x110: {  	[sflag:s19] =	ssyncset.done $0x0  }
0x111: {  	[sflag:s19] =	ssyncadd.s32 $0xFFFFC000  }
0x112: {  	_ =	swait.ge [sflag:s19], $0x4000  }
0x113: {  	[sflag:s19] =	ssyncset.done $0x0  }
0x114: {  	[sflag:s19] =	ssyncadd.s32 $0xFFFFC000  }
0x115: {  	[spmem:s2] =	stream.indirect.scatter.add.f32 [tilespmem:s13], [sflag:$0x1], $0x80, s22, s17, $0xb8;
	[tilespmem:$0x1B400] =	vst v63  }
0x116: {  	_ = 	snop  }
0x117: {  	[spmem:s2] =	stream.indirect.scatter.add.f32 [tilespmem:s18], [sflag:$0x1], $0x80, s23, s17, $0xb8;
	[tilespmem:$0x1B400] =	vst v63  }
.Ltmp2:
0x118: {  	_ =	swait.ge [sflag:s19], $0x4000;
	(pc) =	sbr.rel @p0 .LBB2_6-.Ltmp2, $4  }
0x119: {  	[sflag:s19] =	ssyncset.done $0x0  }
0x11a: {  	[sflag:s19] =	ssyncadd.s32 $0xFFFFC000  }
0x11b: {  	_ =	swait.ge [sflag:s19], $0x4000  }
0x11c: {  	s26 =	smov.u32 s25;
	[sflag:s19] =	ssyncset.done $0x0  }
0x11d: {  	s0 =	sshra.s32 s24, $0x2;
	[sflag:s19] =	ssyncadd.s32 $0xFFFFC000  }
0x11e: {  	[tilespmem:s13], [sflag:$0x1] =	stream.indirect.gather [hbm4b:s4+s17], $0x80, s0, s17, $0xb8;
	[tilespmem:$0x1B400] =	vst v63  }
0x11f: {  	s24 =	sadd.s32 $0x80, s0  }
0x120: {  	[tilespmem:s18], [sflag:$0x1] =	stream.indirect.gather [hbm4b:s4+s17], $0x80, s24, s17, $0xb8;
	[tilespmem:$0x1B400] =	vst v63  }
0x121: {  	_ =	swait.ge [sflag:s19], $0x4000  }
0x122: {  	[sflag:s19] =	ssyncset.done $0x0  }
0x123: {  	[sflag:s19] =	ssyncadd.s32 $0xFFFFC000  }
0x124: {  	_ =	swait.ge [sflag:s19], $0x4000  }
0x125: {  	[sflag:s19] =	ssyncset.done $0x0  }
0x126: {  	[sflag:s19] =	ssyncadd.s32 $0xFFFFC000  }
0x127: {  	[spmem:s2] =	stream.indirect.scatter.add.f32 [tilespmem:s13], [sflag:$0x1], $0x80, s20, s17, $0xb8;
	[tilespmem:$0x1B400] =	vst v63  }
0x128: {  	_ = 	snop  }
0x129: {  	[spmem:s2] =	stream.indirect.scatter.add.f32 [tilespmem:s18], [sflag:$0x1], $0x80, s21, s17, $0xb8;
	[tilespmem:$0x1B400] =	vst v63  }
0x12a: {  	_ =	swait.ge [sflag:s19], $0x4000  }
0x12b: {  	[sflag:s19] =	ssyncset.done $0x0  }
0x12c: {  	[sflag:s19] =	ssyncadd.s32 $0xFFFFC000  }
0x12d: {  	_ =	swait.ge [sflag:s19], $0x4000  }
0x12e: {  	[sflag:s19] =	ssyncset.done $0x0  }
0x12f: {  	s29 =	sadd.s32 $0x100, s0;
	[sflag:s19] =	ssyncadd.s32 $0xFFFFC000  }
0x130: {  	[tilespmem:s13], [sflag:$0x1] =	stream.indirect.gather [hbm4b:s4+s17], $0x80, s29, s17, $0xb8;
	[tilespmem:$0x1B400] =	vst v63  }
0x131: {  	s0 =	sadd.s32 $0x180, s0  }
0x132: {  	[tilespmem:s18], [sflag:$0x1] =	stream.indirect.gather [hbm4b:s4+s17], $0x80, s0, s17, $0xb8;
	[tilespmem:$0x1B400] =	vst v63  }
0x133: {  	_ =	swait.ge [sflag:s19], $0x4000  }
0x134: {  	[sflag:s19] =	ssyncset.done $0x0  }
0x135: {  	[sflag:s19] =	ssyncadd.s32 $0xFFFFC000  }
0x136: {  	_ =	swait.ge [sflag:s19], $0x4000  }
0x137: {  	[sflag:s19] =	ssyncset.done $0x0  }
0x138: {  	[sflag:s19] =	ssyncadd.s32 $0xFFFFC000  }
0x139: {  	[spmem:s2] =	stream.indirect.scatter.add.f32 [tilespmem:s13], [sflag:$0x1], $0x80, s22, s17, $0xb8;
	[tilespmem:$0x1B400] =	vst v63  }
0x13a: {  	_ = 	snop  }
0x13b: {  	[spmem:s2] =	stream.indirect.scatter.add.f32 [tilespmem:s18], [sflag:$0x1], $0x80, s23, s17, $0xb8;
	[tilespmem:$0x1B400] =	vst v63  }
0x13c: {  	_ =	swait.ge [sflag:s19], $0x4000  }
0x13d: {  	[sflag:s19] =	ssyncset.done $0x0  }
0x13e: {  	[sflag:s19] =	ssyncadd.s32 $0xFFFFC000  }
0x13f: {  	s30 =	sshll.u32 s1, $0x6;
	s3 =	sadd.s32 $0x1, s3;
	_ =	swait.ge [sflag:s19], $0x4000  }
0x140: {  	s31 =	sshrl.u32 s5, $0x3;
	p0 =	sne.s32 s3, s12;
	[sflag:s19] =	ssyncset.done $0x0  }
.Ltmp3:
0x141: {  	s0 =	sor.u32 $0x1C02, s30;
	[sflag:s19] =	ssyncadd.s32 $0xFFFFC000;
	(pc) =	sbr.rel @p0 .LBB2_1-.Ltmp3, $4  }
0x142: {  	[hbm:s11], [sflag:s0] =	dma.local [spmem:s31], $0x2000  }
0x143: {  	_ =	swait.ge [sflag:s14], $0x2000  }
0x144: {  	[sflag:s14] =	ssyncset.done $0x0  }
0x145: {  	[sflag:s14] =	ssyncadd.s32 $0xFFFFE000  }
0x146: {  	_ =	sfence.sel $0x180000  }
0x147: {  	[bflag:$0x0] =	sbarrier.arrive $0xFFFF  }
0x148: {  	_ =	strace $0x90000047  }
0x149: {  	[bflag:$0x2] =	sbarrier.arrive $0xFFFF  }
0x14a: {  	p0 =	sne.s32 s1, $0x0;
	s0 =	rddreg [dreg:$0x2]  }
0x14b: {  	s0 =	sadd.s32 @!p0 $0x100000, s0  }
0x14c: {  	[sflag:s0] =	ssyncadd.tile.s32 @!p0 $0x1;
	_ =	shalt  }
.Lfunc_end2:
_tile_overlayer_lowered:
.L_overlay_start_2:
0x14d: {  	(tag) =	ssettag $0x2  }
0x14e: {  	s0 =	rddreg [dreg:$0x0];
	s2 =	stileid.u32  }
0x14f: {  	s1 =	rddreg [dreg:$0x1];
	p0 =	sne.s32 s2, $0x0  }
0x150: {  	s3 =	rddreg [dreg:$0x2];
	[bflag:$0x3] =	sbarrier.arrive $0xFFFF;
	s2 =	simm.s32 @!p0 $0x1C02  }
0x151: {  	[timem:s3], [sflag:s2] =	dma.local @!p0 [hbm:s0], s1  }
0x152: {  	s0 =	simm.s32 @!p0 $0x2  }
0x153: {  	_ =	swait.ge @!p0 [sflag:s0], s1  }
0x154: {  	s1 =	ssub.s32 @!p0 $0x0, s1;
	[sflag:s0] =	ssyncset.done @!p0 $0x0  }
0x155: {  	[sflag:s0] =	ssyncadd.s32 @!p0 s1  }
0x156: {  	[bflag:$0x3] =	sbarrier.arrive $0xFFFF  }
0x157: {  	_ =	shalt  }

// kernel: kernel.7.cloned.1.call-start
scs
__scs_entry_jumppad:
0x0: {  	(pc) =	sbr.rel $0x88, $3  }
0x1: {  	(tag) =	ssettag $0x0;
	lr =	simm.s32 $0x1  }
0x2: {  	[smem:$0x3F9D] =	sst lr;
	_ =	strace $0xD0000000  }
0x3: {  	_ = 	snop  }
0x4: {  	_ = 	snop  }
0x5: {  	_ = 	snop  }
0x6: {  	_ = 	snop  }
0x7: {  	_ = 	snop  }
__scs_overlays_trampoline_lowered:
0x8: {  	[smem:$0x3FAC] =	sst s0  }
0x9: {  	[smem:$0x3FAD] =	sst s1  }
0xa: {  	[smem:$0x3FAE] =	sst s2  }
0xb: {  	[smem:$0x3FAF] =	sst s3  }
0xc: {  	[smem:$0x3FB0] =	sst s4  }
0xd: {  	[smem:$0x3FB1] =	sst s5  }
0xe: {  	[smem:$0x3FB2] =	sst s6  }
0xf: {  	[smem:$0x3FB3] =	sst s7  }
0x10: {  	[smem:$0x3FB4] =	sst s8  }
0x11: {  	[smem:$0x3FB5] =	sst s9;
	s0 =	simm.s32 @!p0 $0x0  }
0x12: {  	s1 =	sld [smem:$0x3F9B];
	s0 =	simm.s32 @p0 $0x1  }
0x13: {  	[smem:$0x3FB6] =	sst s0;
	s0 =	simm.s32 @!p1 $0x0  }
0x14: {  	s2 =	sld [smem:$0x3F9A];
	s0 =	simm.s32 @p1 $0x1  }
0x15: {  	[smem:$0x3FB7] =	sst s0;
	s0 =	simm.s32 @!p2 $0x0  }
0x16: {  	s3 =	sld [smem:$0x3FDB];
	s0 =	simm.s32 @p2 $0x1  }
0x17: {  	s4 =	simm.s32 $0x1BF5;
	[smem:$0x3FB9] =	sst s0  }
0x18: {  	s0 =	sld [smem:$0x3F9C];
	_ =	swait.ge [sflag:s4], $0x0  }
0x19: {  	s7 =	sld [smem:$0x3F9D]  }
0x1a: {  	s8 =	sadd.s32 $0xFFFFE003, lr  }
0x1b: {  	s9 =	sadd.s32 $0xFFFFFEF7, lr;
	s5 =	simm.s32 $0xFFFFFFFF;
	p2 =	slt.u32 s8, $0xFFFFF086  }
0x1c: {  	p1 =	slt.u32 s9, $0xF7A;
	s5 =	simm.s32 @!p2 $0x0  }
0x1d: {  	s5 =	simm.s32 @p1 $0x1;
	p0 =	seq.s32 s7, s2  }
0x1e: {  	s7 =	smul.u32 @!p0 $0xF7A, s2;
	p2 =	seq.s32 @!p0 s5, $0x0  }
0x1f: {  	s9 =	smul.u32 $0xF7A, s1;
	s8 =	simm.s32 @!p0 $0x1BF5;
	p2 =	por !p2, p0  }
0x20: {  	[sflag:s8] =	ssyncset.s32 @!p0 $0xFFFFF086;
	s6 =	sadd.s32 @!p0 s3, s7;
	s7 =	simm.s32 @!p0 $0x108  }
0x21: {  	s3 =	sadd.s32 s3, s9;
	s6 =	sadd.s32 @!p0 $0x88, s6;
	s7 =	simm.s32 @p2 $0x1082  }
0x22: {  	[simem:s7], [sflag:s8] =	dma.local @!p0 [hbm:s6], $0xF7A  }
0x23: {  	s9 =	sor.u32 $0xD0000000, s2;
	s6 =	simm.s32 $0x108;
	_ =	swait.ge @!p0 [sflag:s8], $0x0  }
0x24: {  	s3 =	sadd.s32 $0x88, s3;
	s6 =	simm.s32 @!p1 $0x1082;
	[sflag:s4] =	ssyncset.s32 $0xFFFFF086  }
0x25: {  	[simem:s6], [sflag:s4] =	dma.local [hbm:s3], $0xF7A  }
0x26: {  	[smem:$0x3F9D] =	sst s1;
	(tag) =	ssettag s2;
	_ =	strace s9  }
0x27: {  	s1 =	sld [smem:$0x3FAD]  }
0x28: {  	s2 =	sld [smem:$0x3FAE]  }
0x29: {  	s4 =	sld [smem:$0x3FB0]  }
0x2a: {  	p0 =	seq.s32 s5, $0x0;
	s5 =	sld [smem:$0x3FB1]  }
0x2b: {  	s6 =	sld [smem:$0x3FB2]  }
0x2c: {  	s7 =	sld [smem:$0x3FB3]  }
0x2d: {  	s3 =	simm.s32 $0x108;
	s8 =	sld [smem:$0x3FB4]  }
0x2e: {  	s3 =	simm.s32 @!p0 $0x1082;
	s9 =	sld [smem:$0x3FB5]  }
0x2f: {  	lr =	sadd.s32 s0, s3;
	s0 =	sld [smem:$0x3FAC]  }
0x30: {  	s3 =	sld [smem:$0x3FAF]  }
0x31: {  	[smem:$0x3FB8] =	sst s10  }
0x32: {  	s10 =	sld [smem:$0x3FB6];
	_ =	sdelay $0x3  }
0x33: {  	p0 =	seq.s32 s10, $0x1;
	s10 =	sld [smem:$0x3FB8];
	_ =	sdelay $0x3  }
0x34: {  	[smem:$0x3FB8] =	sst s10  }
0x35: {  	s10 =	sld [smem:$0x3FB7];
	_ =	sdelay $0x3  }
0x36: {  	p1 =	seq.s32 s10, $0x1;
	s10 =	sld [smem:$0x3FB8];
	_ =	sdelay $0x3  }
0x37: {  	[smem:$0x3FB8] =	sst s10  }
0x38: {  	s10 =	sld [smem:$0x3FB9]  }
0x39: {  	_ = 	snop;
	(pc) =	sbr.ind lr, $3  }
0x3a: {  	_ = 	snop  }
0x3b: {  	_ = 	snop  }
0x3c: {  	p2 =	seq.s32 s10, $0x1;
	s10 =	sld [smem:$0x3FB8]  }
0x3d: {  	_ =	shalt  }
0x3e: {  	_ =	shalt  }
0x3f: {  	_ =	shalt  }
0x40: {  	_ =	shalt  }
0x41: {  	_ =	shalt  }
0x42: {  	_ =	shalt  }
0x43: {  	_ =	shalt  }
0x44: {  	_ =	shalt  }
0x45: {  	_ =	shalt  }
0x46: {  	_ =	shalt  }
0x47: {  	_ =	shalt  }
0x48: {  	_ =	shalt  }
0x49: {  	_ =	shalt  }
0x4a: {  	_ =	shalt  }
0x4b: {  	_ =	shalt  }
0x4c: {  	_ =	shalt  }
0x4d: {  	_ =	shalt  }
0x4e: {  	_ =	shalt  }
0x4f: {  	_ =	shalt  }
0x50: {  	_ =	shalt  }
0x51: {  	_ =	shalt  }
0x52: {  	_ =	shalt  }
0x53: {  	_ =	shalt  }
0x54: {  	_ =	shalt  }
0x55: {  	_ =	shalt  }
0x56: {  	_ =	shalt  }
0x57: {  	_ =	shalt  }
0x58: {  	_ =	shalt  }
0x59: {  	_ =	shalt  }
0x5a: {  	_ =	shalt  }
0x5b: {  	_ =	shalt  }
0x5c: {  	_ =	shalt  }
0x5d: {  	_ =	shalt  }
0x5e: {  	_ =	shalt  }
0x5f: {  	_ =	shalt  }
0x60: {  	_ =	shalt  }
0x61: {  	_ =	shalt  }
0x62: {  	_ =	shalt  }
0x63: {  	_ =	shalt  }
0x64: {  	_ =	shalt  }
0x65: {  	_ =	shalt  }
0x66: {  	_ =	shalt  }
0x67: {  	_ =	shalt  }
0x68: {  	_ =	shalt  }
0x69: {  	_ =	shalt  }
0x6a: {  	_ =	shalt  }
0x6b: {  	_ =	shalt  }
0x6c: {  	_ =	shalt  }
0x6d: {  	_ =	shalt  }
0x6e: {  	_ =	shalt  }
0x6f: {  	_ =	shalt  }
0x70: {  	_ =	shalt  }
0x71: {  	_ =	shalt  }
0x72: {  	_ =	shalt  }
0x73: {  	_ =	shalt  }
0x74: {  	_ =	shalt  }
0x75: {  	_ =	shalt  }
0x76: {  	_ =	shalt  }
0x77: {  	_ =	shalt  }
0x78: {  	_ =	shalt  }
0x79: {  	_ =	shalt  }
0x7a: {  	_ =	shalt  }
0x7b: {  	_ =	shalt  }
0x7c: {  	_ =	shalt  }
0x7d: {  	_ =	shalt  }
0x7e: {  	_ =	shalt  }
0x7f: {  	_ =	shalt  }
0x80: {  	_ =	shalt  }
0x81: {  	_ =	shalt  }
0x82: {  	_ =	shalt  }
0x83: {  	_ =	shalt  }
0x84: {  	_ =	shalt  }
0x85: {  	_ =	shalt  }
0x86: {  	_ =	shalt  }
0x87: {  	_ =	shalt  }
.Lfunc_end0:
.L_simem_size_0:
called_computation.1_lowered:
.L_overlay_start_0:
0x88: {  	s2 =	sld [smem:$0x3FD9]  }
0x89: {  	s3 =	sld [smem:$0x3FFE];
	_ =	sdelay $0x1  }
0x8a: {  	s1 =	srdreg.scid  }
0x8b: {  	s0 =	sand.u32 $0x1, s1  }
0x8c: {  	s17 =	sshll.u32 s0, $0xA;
	s2 =	sadd.s32 s3, s2  }
0x8d: {  	s2 =	sadd.s32 s2, s17  }
0x8e: {  	[smem:$0x3FC4] =	sst s2  }
0x8f: {  	_ = 	snop  }
0x90: {  	s2 =	sld [smem:$0x3FC7]  }
0x91: {  	s18 =	sld [smem:$0x3FD0];
	(tm) =	ssettm $0x1  }
0x92: {  	s4 =	sld [smem:$0x3FFB];
	_ =	sdelay $0x3  }
0x93: {  	_ =	strace s4  }
0x94: {  	s4 =	sld [smem:$0x3FFC];
	_ =	sdelay $0x3  }
0x95: {  	_ =	strace s4  }
0x96: {  	s4 =	sld [smem:$0x3FFD];
	_ =	sdelay $0x3  }
0x97: {  	_ =	strace s4  }
0x98: {  	_ =	strace $0x8FFFFFFF  }
0x99: {  	s19 =	sld [smem:$0x3FDB];
	_ =	sdelay $0x1  }
0x9a: {  	s5 =	simm.s32 $_scs_section_size  }
0x9b: {  	s6 =	simm.s32 $_size__tile_overlayer_lowered;
	s7 =	simm.s32 $_tile_overlayer_lowered  }
0x9c: {  	s22 =	simm.s32 $0x1BFF;
	s21 =	sshll.u32 s7, $0x1;
	s4 =	sadd.s32 s5, s19  }
0x9d: {  	s8 =	simm.s32 $0x0;
	s20 =	sshll.u32 s6, $0x1;
	s6 =	sadd.s32 s21, s4  }
0x9e: {  	[timem:s8], [sflag:s22] =	dma.local [hbm:s6], s20  }
0x9f: {  	_ =	swait.ge [sflag:s22], s20  }
0xa0: {  	s5 =	ssub.s32 $0x0, s20;
	[sflag:s22] =	ssyncset.done $0x0  }
0xa1: {  	[sflag:s22] =	ssyncadd.s32 s5;
	_ =	sdelay $0x1  }
0xa2: {  	s23 =	simm.s32 $0x1B8B  }
0xa3: {  	_ =	swait.ge [sflag:s23], $0x1  }
0xa4: {  	[sflag:s23] =	ssyncset.done $0x0  }
0xa5: {  	s25 =	simm.s32 $0x1B8E;
	s24 =	sld [smem:$0x3FFE];
	[sflag:s23] =	ssyncadd.s32 $0xFFFFFFFF  }
0xa6: {  	s26 =	simm.s32 $execute0_lowered;
	[smem:$0x3FD2] =	sst s25  }
0xa7: {  	s6 =	sshll.u32 s26, $0x1;
	_ =	strace $0x80000049;
	[dreg:$0x1] =	wrdreg $0xFFFFFFFF  }
0xa8: {  	s28 =	simm.s32 $_size_execute0_lowered;
	s4 =	sadd.s32 s4, s6;
	[dreg:$0x0] =	wrdreg $0x0  }
0xa9: {  	s6 =	sshll.u32 s28, $0x1;
	[dreg:$0x2] =	wrdreg s4  }
0xaa: {  	[dreg:$0x3] =	wrdreg s6  }
0xab: {  	[dreg:$0x4] =	wrdreg $0xC0  }
0xac: {  	_ =	task [dreg:s8], $0x5FFFF  }
0xad: {  	[dreg:$0x1] =	wrdreg $0xFFFFFFFF  }
0xae: {  	[dreg:$0x0] =	wrdreg $0x60  }
0xaf: {  	[dreg:$0x2] =	wrdreg s24  }
0xb0: {  	[dreg:$0x3] =	wrdreg s2  }
0xb1: {  	[dreg:$0x4] =	wrdreg s18  }
0xb2: {  	[dreg:$0x5] =	wrdreg $0x9  }
0xb3: {  	_ =	task.clear_ibuf [dreg:s8], $0x6FFFF;
	_ =	strace $0x90000049  }
0xb4: {  	s29 =	simm.s32 $0x9;
	_ =	strace $0x8000004B  }
0xb5: {  	_ =	swait.ge [sflag:s29], $0x1  }
0xb6: {  	[sflag:s29] =	ssyncadd.s32 $0xFFFFFFFF  }
0xb7: {  	_ =	strace $0x9000004B  }
0xb8: {  	_ =	sfence  }
0xb9: {  	s30 =	sld [smem:$0x0];
	_ =	sdelay $0x2  }
0xba: {  	s31 =	sshll.u32 s1, $0xD;
	s1 =	sshrl.u32 s1, $0x2  }
0xbb: {  	s3 =	sand.u32 $0x4000, s31;
	s1 =	sadd.s32 s1, s30  }
0xbc: {  	s0 =	sor.u32 s3, s0;
	s1 =	sshll.u32 s1, $0x11  }
0xbd: {  	s0 =	sor.u32 s1, s0  }
0xbe: {  	s0 =	sadd.s32 $0x8F2B, s0  }
0xbf: {  	[sflag:s0] =	ssyncadd.remote.s32 $0x1  }
0xc0: {  	_ =	sfence.sel $0xFFFF  }
0xc1: {  	[dreg:$0x0] =	wrdreg $0xFFFFFFFF;
	(pc) =	sbr.abs _section_cstart, $3  }
0xc2: {  	[dreg:$0x1] =	wrdreg $0xFFFFFFFF  }
0xc3: {  	_ =	task.clear_ibuf [dreg:s8], $0x2FFFF;
	_ =	strace $0x9FFFFFFF  }
0xc4: {  	(tm) =	ssettm $0x7FFFFFFF  }
0xc5: {  	_ =	shalt  }
tec
execute0_lowered:
.L_overlay_start_1:
0x0: {  	(tag) =	ssettag $0x1  }
0x1: {  	s4 =	rddreg [dreg:$0x0]  }
0x2: {  	s5 =	rddreg [dreg:$0x1]  }
0x3: {  	s9 =	rddreg [dreg:$0x2]  }
0x4: {  	s0 =	rddreg [dreg:$0x3];
	s3 =	srdreg.scid  }
0x5: {  	s1 =	stileid.u32;
	s2 =	simm.s32 $0x0;
	s13 =	simm.s32 $0x200  }
0x6: {  	s14 =	simm.s32 $0x4200;
	s15 =	simm.s32 $0x1;
	s16 =	simm.s32 $0x100  }
0x7: {  	s17 =	simm.s32 $0x180;
	s18 =	simm.s32 $0x8200;
	s19 =	simm.s32 $0x0  }
0x8: {  	s3 =	sand.u32 $0x1, s3;
	s6 =	sshll.u32 s1, $0x1;
	[smem:$0x7FF] =	sst s2  }
0x9: {  	s6 =	sor.u32 s3, s6;
	_ =	strace $0x8000004A;
	s8 =	ssub.s32 $0x2, s3  }
0xa: {  	s3 =	sadd.s32 $0x1E0800, s4;
	s7 =	sshll.u32 s6, $0xD;
	s31 =	sshrl.u32 s8, $0x1  }
0xb: {  	s12 =	sshll.u32 s6, $0x6;
	s10 =	sadd.s32 s7, s4;
	s11 =	ssub.s32 s8, s31  }
0xc: {  	s5 =	sadd.s32 s5, s12;
	s9 =	sadd.s32 s9, s12;
	s4 =	sadd.s32 $0x1A0800, s10  }
0xd: {  	v0 =	vlaneseq.u32;
	s12 =	simm.s32 $0x80;
	s6 =	sadd.s32 $0x1A1000, s10;
	s7 =	sadd.s32 $0x1A1800, s10  }
0xe: {  	v0 =	vmul.u32 $0x80, v0;
	s8 =	sadd.s32 $0x1A2000, s10;
	s10 =	smax.u32 s11, $0x1;
	s11 =	simm.s32 $0x2  }
.LBB2_1:
0xf: {  	[tilespmem:s2], [sflag:$0x2] =	stream.linear.gather [hbm4b:s5+s2], $0x200, $0x38;
	[tilespmem:$0x8400] =	vst v63  }
0x10: {  	_ =	swait.ge [sflag:s11], $0x200  }
0x11: {  	[sflag:s11] =	ssyncset.done $0x0  }
0x12: {  	[sflag:s11] =	ssyncadd.s32 $0xFFFFFE00  }
0x13: {  	[tilespmem:s13], [sflag:$0x1] =	stream.indirect.gather [hbm4b:s3+s12], $0x80, s2, s12, $0xb8;
	[tilespmem:$0x8400] =	vst v63  }
0x14: {  	_ = 	snop  }
0x15: {  	[tilespmem:s14], [sflag:$0x2] =	stream.linear.gather [hbm4b:s4+s2], $0x4000, $0x38;
	[tilespmem:$0x8400] =	vst v63  }
0x16: {  	_ =	swait.ge [sflag:s11], $0x4000  }
0x17: {  	[sflag:s11] =	ssyncset.done $0x0  }
0x18: {  	[sflag:s11] =	ssyncadd.s32 $0xFFFFC000  }
0x19: {  	_ =	swait.ge [sflag:s15], $0x4000  }
0x1a: {  	[sflag:s15] =	ssyncset.done $0x0  }
0x1b: {  	s20 =	simm.s32 $0x0;
	[sflag:s15] =	ssyncadd.s32 $0xFFFFC000  }
.LBB2_2:
0x1c: {  	s22 =	simm.s32 $0x0  }
0x1d: {  	s21 =	sshll.u32 s20, $0x4;
	v1 =	vmov s22  }
0x1e: {  	v2 =	vmov s21;
	v1 =	vand.u32 $0x7F, v1  }
0x1f: {  	v2 =	vshll.u32 v2, $0x7;
	v3 =	vbroadcast v1, $0x0  }
0x20: {  	v1 =	vor.u32 v0, v2  }
0x21: {  	s30 =	simm.s32 $0x1;
	v2 =	vor.u32 v1, v3  }
0x22: {  	v3 =	vmov s30  }
0x23: {  	v3 =	vand.u32 $0x7F, v3  }
0x24: {  	v3 =	vbroadcast v3, $0x0;
	_ =	sdelay $0x1  }
0x25: {  	v4 =	vor.u32 v1, v3;
	v6 =	vld.idx.msk [tilespmem:v2+s13+$0x0], $0xffff  }
0x26: {  	s31 =	simm.s32 $0x2;
	v7 =	vld.idx.msk [tilespmem:v2+s14+$0x0], $0xffff  }
0x27: {  	v2 =	vmov s31  }
0x28: {  	v2 =	vand.u32 $0x7F, v2  }
0x29: {  	v5 =	vbroadcast v2, $0x0  }
0x2a: {  	v2 =	vld.idx.msk [tilespmem:v4+s13+$0x0], $0xffff  }
0x2b: {  	s22 =	simm.s32 $0x3;
	v3 =	vimm.f32 $0.0e+00;
	v5 =	vor.u32 v1, v5;
	v4 =	vld.idx.msk [tilespmem:v4+s14+$0x0], $0xffff;
	v6 =	vmul.f32 v7, v6  }
.LBB2_3:
0x2c: {  	p0 =	sne.s32 s22, $0x40  }
.Ltmp0:
0x2d: {  	v7 =	vmov s22;
	v3 =	vadd.f32 v6, v3;
	(pc) =	sbr.rel @p0 .LBB2_3-.Ltmp0, $4  }
0x2e: {  	s22 =	sadd.s32 $0x1, s22;
	v8 =	vand.u32 $0x7F, v7  }
0x2f: {  	v7 =	vbroadcast v8, $0x0  }
0x30: {  	v6 =	vmov v2;
	v2 =	vld.idx.msk [tilespmem:v5+s13+$0x0], $0xffff  }
0x31: {  	v6 =	vmul.f32 v4, v6;
	v4 =	vld.idx.msk [tilespmem:v5+s14+$0x0], $0xffff;
	v5 =	vor.u32 v1, v7  }
0x32: {  	_ =	sdelay $0x3  }
0x33: {  	v1 =	vld.idx.msk [tilespmem:v5+s13+$0x0], $0xffff  }
0x34: {  	v63 =	vld.idx.msk [tilespmem:v5+s14+$0x0], $0xffff;
	_ =	sdelay $0x2  }
0x35: {  	s20 =	sadd.s32 $0x1, s20;
	v3 =	vadd.f32 v6, v3;
	v2 =	vmul.f32 v4, v2  }
0x36: {  	p0 =	sne.s32 s20, $0x8  }
.Ltmp1:
0x37: {  	v1 =	vmul.f32 v63, v1;
	v2 =	vadd.f32 v2, v3;
	(pc) =	sbr.rel @p0 .LBB2_2-.Ltmp1, $3  }
0x38: {  	_ = 	snop  }
0x39: {  	v1 =	vadd.f32 v1, v2;
	_ =	sdelay $0x1  }
0x3a: {  	[tilespmem:s21+$0x8200] =	vst v1  }
0x3b: {  	[tilespmem:s13], [sflag:$0x1] =	stream.indirect.gather [hbm4b:s3+s12], $0x80, s12, s12, $0xb8;
	[tilespmem:$0x8400] =	vst v63  }
0x3c: {  	s20 =	simm.s32 $0x0  }
0x3d: {  	[tilespmem:s14], [sflag:$0x2] =	stream.linear.gather [hbm4b:s6+s20], $0x4000, $0x38;
	[tilespmem:$0x8400] =	vst v63  }
0x3e: {  	_ =	swait.ge [sflag:s11], $0x4000  }
0x3f: {  	[sflag:s11] =	ssyncset.done $0x0  }
0x40: {  	[sflag:s11] =	ssyncadd.s32 $0xFFFFC000  }
0x41: {  	_ =	swait.ge [sflag:s15], $0x4000  }
0x42: {  	[sflag:s15] =	ssyncset.done $0x0  }
0x43: {  	s21 =	simm.s32 $0x0;
	[sflag:s15] =	ssyncadd.s32 $0xFFFFC000  }
.LBB2_6:
0x44: {  	s22 =	sshll.u32 s21, $0x4;
	v1 =	vmov s20  }
0x45: {  	v2 =	vmov s22;
	v1 =	vand.u32 $0x7F, v1  }
0x46: {  	v2 =	vshll.u32 v2, $0x7;
	v3 =	vbroadcast v1, $0x0  }
0x47: {  	v1 =	vor.u32 v0, v2  }
0x48: {  	s23 =	simm.s32 $0x1;
	v2 =	vor.u32 v1, v3  }
0x49: {  	v3 =	vmov s23  }
0x4a: {  	v3 =	vand.u32 $0x7F, v3  }
0x4b: {  	v3 =	vbroadcast v3, $0x0;
	_ =	sdelay $0x1  }
0x4c: {  	v4 =	vor.u32 v1, v3;
	v6 =	vld.idx.msk [tilespmem:v2+s13+$0x0], $0xffff  }
0x4d: {  	s31 =	simm.s32 $0x2;
	v7 =	vld.idx.msk [tilespmem:v2+s14+$0x0], $0xffff  }
0x4e: {  	v2 =	vmov s31  }
0x4f: {  	v2 =	vand.u32 $0x7F, v2  }
0x50: {  	v5 =	vbroadcast v2, $0x0  }
0x51: {  	v2 =	vld.idx.msk [tilespmem:v4+s13+$0x0], $0xffff  }
0x52: {  	s23 =	simm.s32 $0x3;
	v3 =	vimm.f32 $0.0e+00;
	v5 =	vor.u32 v1, v5;
	v4 =	vld.idx.msk [tilespmem:v4+s14+$0x0], $0xffff;
	v6 =	vmul.f32 v7, v6  }
.LBB2_7:
0x53: {  	p0 =	sne.s32 s23, $0x40  }
.Ltmp2:
0x54: {  	v7 =	vmov s23;
	v3 =	vadd.f32 v6, v3;
	(pc) =	sbr.rel @p0 .LBB2_7-.Ltmp2, $4  }
0x55: {  	s23 =	sadd.s32 $0x1, s23;
	v8 =	vand.u32 $0x7F, v7  }
0x56: {  	v7 =	vbroadcast v8, $0x0  }
0x57: {  	v6 =	vmov v2;
	v2 =	vld.idx.msk [tilespmem:v5+s13+$0x0], $0xffff  }
0x58: {  	v6 =	vmul.f32 v4, v6;
	v4 =	vld.idx.msk [tilespmem:v5+s14+$0x0], $0xffff;
	v5 =	vor.u32 v1, v7  }
0x59: {  	_ =	sdelay $0x3  }
0x5a: {  	v1 =	vld.idx.msk [tilespmem:v5+s13+$0x0], $0xffff  }
0x5b: {  	v63 =	vld.idx.msk [tilespmem:v5+s14+$0x0], $0xffff;
	_ =	sdelay $0x2  }
0x5c: {  	s21 =	sadd.s32 $0x1, s21;
	v3 =	vadd.f32 v6, v3;
	v2 =	vmul.f32 v4, v2  }
0x5d: {  	p0 =	sne.s32 s21, $0x8  }
.Ltmp3:
0x5e: {  	v1 =	vmul.f32 v63, v1;
	v2 =	vadd.f32 v2, v3;
	(pc) =	sbr.rel @p0 .LBB2_6-.Ltmp3, $3  }
0x5f: {  	_ = 	snop  }
0x60: {  	v1 =	vadd.f32 v1, v2;
	_ =	sdelay $0x1  }
0x61: {  	[tilespmem:s22+$0x8280] =	vst v1  }
0x62: {  	[tilespmem:s13], [sflag:$0x1] =	stream.indirect.gather [hbm4b:s3+s12], $0x80, s16, s12, $0xb8;
	[tilespmem:$0x8400] =	vst v63  }
0x63: {  	s20 =	simm.s32 $0x0  }
0x64: {  	[tilespmem:s14], [sflag:$0x2] =	stream.linear.gather [hbm4b:s7+s20], $0x4000, $0x38;
	[tilespmem:$0x8400] =	vst v63  }
0x65: {  	_ =	swait.ge [sflag:s11], $0x4000  }
0x66: {  	[sflag:s11] =	ssyncset.done $0x0  }
0x67: {  	[sflag:s11] =	ssyncadd.s32 $0xFFFFC000  }
0x68: {  	_ =	swait.ge [sflag:s15], $0x4000  }
0x69: {  	[sflag:s15] =	ssyncset.done $0x0  }
0x6a: {  	s21 =	simm.s32 $0x0;
	[sflag:s15] =	ssyncadd.s32 $0xFFFFC000  }
.LBB2_10:
0x6b: {  	s22 =	sshll.u32 s21, $0x4;
	v1 =	vmov s20  }
0x6c: {  	v2 =	vmov s22;
	v1 =	vand.u32 $0x7F, v1  }
0x6d: {  	v2 =	vshll.u32 v2, $0x7;
	v3 =	vbroadcast v1, $0x0  }
0x6e: {  	v1 =	vor.u32 v0, v2  }
0x6f: {  	s23 =	simm.s32 $0x1;
	v2 =	vor.u32 v1, v3  }
0x70: {  	v3 =	vmov s23  }
0x71: {  	v3 =	vand.u32 $0x7F, v3  }
0x72: {  	v3 =	vbroadcast v3, $0x0;
	_ =	sdelay $0x1  }
0x73: {  	v4 =	vor.u32 v1, v3;
	v6 =	vld.idx.msk [tilespmem:v2+s13+$0x0], $0xffff  }
0x74: {  	s31 =	simm.s32 $0x2;
	v7 =	vld.idx.msk [tilespmem:v2+s14+$0x0], $0xffff  }
0x75: {  	v2 =	vmov s31  }
0x76: {  	v2 =	vand.u32 $0x7F, v2  }
0x77: {  	v5 =	vbroadcast v2, $0x0  }
0x78: {  	v2 =	vld.idx.msk [tilespmem:v4+s13+$0x0], $0xffff  }
0x79: {  	s23 =	simm.s32 $0x3;
	v3 =	vimm.f32 $0.0e+00;
	v5 =	vor.u32 v1, v5;
	v4 =	vld.idx.msk [tilespmem:v4+s14+$0x0], $0xffff;
	v6 =	vmul.f32 v7, v6  }
.LBB2_11:
0x7a: {  	p0 =	sne.s32 s23, $0x40  }
.Ltmp4:
0x7b: {  	v7 =	vmov s23;
	v3 =	vadd.f32 v6, v3;
	(pc) =	sbr.rel @p0 .LBB2_11-.Ltmp4, $4  }
0x7c: {  	s23 =	sadd.s32 $0x1, s23;
	v8 =	vand.u32 $0x7F, v7  }
0x7d: {  	v7 =	vbroadcast v8, $0x0  }
0x7e: {  	v6 =	vmov v2;
	v2 =	vld.idx.msk [tilespmem:v5+s13+$0x0], $0xffff  }
0x7f: {  	v6 =	vmul.f32 v4, v6;
	v4 =	vld.idx.msk [tilespmem:v5+s14+$0x0], $0xffff;
	v5 =	vor.u32 v1, v7  }
0x80: {  	_ =	sdelay $0x3  }
0x81: {  	v1 =	vld.idx.msk [tilespmem:v5+s13+$0x0], $0xffff  }
0x82: {  	v63 =	vld.idx.msk [tilespmem:v5+s14+$0x0], $0xffff;
	_ =	sdelay $0x2  }
0x83: {  	s21 =	sadd.s32 $0x1, s21;
	v3 =	vadd.f32 v6, v3;
	v2 =	vmul.f32 v4, v2  }
0x84: {  	p0 =	sne.s32 s21, $0x8  }
.Ltmp5:
0x85: {  	v1 =	vmul.f32 v63, v1;
	v2 =	vadd.f32 v2, v3;
	(pc) =	sbr.rel @p0 .LBB2_10-.Ltmp5, $3  }
0x86: {  	_ = 	snop  }
0x87: {  	v1 =	vadd.f32 v1, v2;
	_ =	sdelay $0x1  }
0x88: {  	[tilespmem:s22+$0x8300] =	vst v1  }
0x89: {  	[tilespmem:s13], [sflag:$0x1] =	stream.indirect.gather [hbm4b:s3+s12], $0x80, s17, s12, $0xb8;
	[tilespmem:$0x8400] =	vst v63  }
0x8a: {  	s20 =	simm.s32 $0x0  }
0x8b: {  	[tilespmem:s14], [sflag:$0x2] =	stream.linear.gather [hbm4b:s8+s20], $0x4000, $0x38;
	[tilespmem:$0x8400] =	vst v63  }
0x8c: {  	_ =	swait.ge [sflag:s11], $0x4000  }
0x8d: {  	[sflag:s11] =	ssyncset.done $0x0  }
0x8e: {  	[sflag:s11] =	ssyncadd.s32 $0xFFFFC000  }
0x8f: {  	_ =	swait.ge [sflag:s15], $0x4000  }
0x90: {  	[sflag:s15] =	ssyncset.done $0x0  }
0x91: {  	s21 =	simm.s32 $0x0;
	[sflag:s15] =	ssyncadd.s32 $0xFFFFC000  }
.LBB2_14:
0x92: {  	s22 =	sshll.u32 s21, $0x4;
	v1 =	vmov s20  }
0x93: {  	v2 =	vmov s22;
	v1 =	vand.u32 $0x7F, v1  }
0x94: {  	v2 =	vshll.u32 v2, $0x7;
	v3 =	vbroadcast v1, $0x0  }
0x95: {  	v1 =	vor.u32 v0, v2  }
0x96: {  	s23 =	simm.s32 $0x1;
	v2 =	vor.u32 v1, v3  }
0x97: {  	v3 =	vmov s23  }
0x98: {  	v3 =	vand.u32 $0x7F, v3  }
0x99: {  	v3 =	vbroadcast v3, $0x0;
	_ =	sdelay $0x1  }
0x9a: {  	v4 =	vor.u32 v1, v3;
	v6 =	vld.idx.msk [tilespmem:v2+s13+$0x0], $0xffff  }
0x9b: {  	s31 =	simm.s32 $0x2;
	v7 =	vld.idx.msk [tilespmem:v2+s14+$0x0], $0xffff  }
0x9c: {  	v2 =	vmov s31  }
0x9d: {  	v2 =	vand.u32 $0x7F, v2  }
0x9e: {  	v5 =	vbroadcast v2, $0x0  }
0x9f: {  	v2 =	vld.idx.msk [tilespmem:v4+s13+$0x0], $0xffff  }
0xa0: {  	s23 =	simm.s32 $0x3;
	v3 =	vimm.f32 $0.0e+00;
	v5 =	vor.u32 v1, v5;
	v4 =	vld.idx.msk [tilespmem:v4+s14+$0x0], $0xffff;
	v6 =	vmul.f32 v7, v6  }
.LBB2_15:
0xa1: {  	p0 =	sne.s32 s23, $0x40  }
.Ltmp6:
0xa2: {  	v7 =	vmov s23;
	v3 =	vadd.f32 v6, v3;
	(pc) =	sbr.rel @p0 .LBB2_15-.Ltmp6, $4  }
0xa3: {  	s23 =	sadd.s32 $0x1, s23;
	v8 =	vand.u32 $0x7F, v7  }
0xa4: {  	v7 =	vbroadcast v8, $0x0  }
0xa5: {  	v6 =	vmov v2;
	v2 =	vld.idx.msk [tilespmem:v5+s13+$0x0], $0xffff  }
0xa6: {  	v6 =	vmul.f32 v4, v6;
	v4 =	vld.idx.msk [tilespmem:v5+s14+$0x0], $0xffff;
	v5 =	vor.u32 v1, v7  }
0xa7: {  	_ =	sdelay $0x3  }
0xa8: {  	v1 =	vld.idx.msk [tilespmem:v5+s13+$0x0], $0xffff  }
0xa9: {  	v63 =	vld.idx.msk [tilespmem:v5+s14+$0x0], $0xffff;
	_ =	sdelay $0x2  }
0xaa: {  	s21 =	sadd.s32 $0x1, s21;
	v3 =	vadd.f32 v6, v3;
	v2 =	vmul.f32 v4, v2  }
0xab: {  	p0 =	sne.s32 s21, $0x8  }
.Ltmp7:
0xac: {  	v1 =	vmul.f32 v63, v1;
	v2 =	vadd.f32 v2, v3;
	(pc) =	sbr.rel @p0 .LBB2_14-.Ltmp7, $3  }
0xad: {  	_ = 	snop  }
0xae: {  	v1 =	vadd.f32 v1, v2;
	_ =	sdelay $0x1  }
0xaf: {  	[tilespmem:s22+$0x8380] =	vst v1  }
0xb0: {  	s19 =	sadd.s32 $0x1, s19  }
0xb1: {  	p0 =	sne.s32 s19, s10  }
.Ltmp8:
0xb2: {  	_ = 	snop;
	(pc) =	sbr.rel @p0 .LBB2_1-.Ltmp8, $4  }
0xb3: {  	[hbm4b:s9+s2] =	stream.linear.scatter [tilespmem:s18], [sflag:$0x2], $0x200, $0x38;
	[tilespmem:$0x8400] =	vst v63  }
0xb4: {  	_ =	swait.ge [sflag:s11], $0x200  }
0xb5: {  	[sflag:s11] =	ssyncset.done $0x0  }
0xb6: {  	[sflag:s11] =	ssyncadd.s32 $0xFFFFFE00  }
0xb7: {  	_ =	sfence.sel $0x180000  }
0xb8: {  	[bflag:$0x0] =	sbarrier.arrive $0xFFFF  }
0xb9: {  	p0 =	sne.s32 s1, $0x0;
	_ =	strace $0x9000004A  }
0xba: {  	s0 =	sadd.s32 @!p0 $0x100000, s0;
	[bflag:$0x2] =	sbarrier.arrive $0xFFFF  }
0xbb: {  	[sflag:s0] =	ssyncadd.tile.s32 @!p0 $0x1;
	_ =	shalt  }
.Lfunc_end2:
_tile_overlayer_lowered:
.L_overlay_start_2:
0xbc: {  	(tag) =	ssettag $0x2  }
0xbd: {  	s0 =	rddreg [dreg:$0x0];
	s2 =	stileid.u32  }
0xbe: {  	s1 =	rddreg [dreg:$0x1];
	p0 =	sne.s32 s2, $0x0  }
0xbf: {  	s3 =	rddreg [dreg:$0x2];
	[bflag:$0x3] =	sbarrier.arrive $0xFFFF;
	s2 =	simm.s32 @!p0 $0x1C02  }
0xc0: {  	[timem:s3], [sflag:s2] =	dma.local @!p0 [hbm:s0], s1  }
0xc1: {  	s0 =	simm.s32 @!p0 $0x2  }
0xc2: {  	_ =	swait.ge @!p0 [sflag:s0], s1  }
0xc3: {  	s1 =	ssub.s32 @!p0 $0x0, s1;
	[sflag:s0] =	ssyncset.done @!p0 $0x0  }
0xc4: {  	[sflag:s0] =	ssyncadd.s32 @!p0 s1  }
0xc5: {  	[bflag:$0x3] =	sbarrier.arrive $0xFFFF  }
0xc6: {  	_ =	shalt  }

</sc_bundles>
